<compile_context>
chip_gen: v7x
topology: tpu7x:2x2x1
jax: 0.10.2.dev20260603
libtpu: 0.0.44.dev20260713+nightly
codegen_flags: <defaults>
</compile_context>

<pallas_src>
import functools

import jax
import jax.numpy as jnp
from jax import lax
from jax.experimental import pallas as pl
from jax.experimental.pallas import tpu as pltpu
from jax.experimental.pallas import tpu_sc as plsc

VOCAB_SIZE = 1000000
EMBED_SIZE = 32
SEQ = 50
BATCH = 16384

_info = plsc.get_sparse_core_info()
_NC, _NS = _info.num_cores, _info.num_subcores
_NW = _NC * _NS
_BW = BATCH // _NW
_TPW = _BW // 128
_PAD = 129


def _make_kernel():
  mesh = plsc.VectorSubcoreMesh(core_axis_name="c", subcore_axis_name="s")

  @functools.partial(
      pl.kernel,
      out_type=jax.ShapeDtypeStruct((SEQ, 4 * (BATCH // 128) * 8, 128),
                                    jnp.float32),
      mesh=mesh,
      scratch_types=[
          pltpu.VMEM((SEQ, _BW), jnp.int32),
          pltpu.VMEM((_BW, EMBED_SIZE), jnp.float32),
          pltpu.VMEM((_BW, EMBED_SIZE), jnp.float32),
          pltpu.VMEM((_TPW * 32, _PAD), jnp.float32),
          pltpu.VMEM((_TPW * 32, _PAD), jnp.float32),
          pltpu.SemaphoreType.DMA,
          pltpu.SemaphoreType.DMA,
          pltpu.SemaphoreType.DMA,
          pltpu.SemaphoreType.DMA,
      ],
      compiler_params=pltpu.CompilerParams(use_tc_tiling_on_sc=False,
                                           needs_layout_passes=False),
  )
  def embed(xt_hbm, table_hbm, out_hbm, idx_v, rows0, rows1, ob0, ob1,
            g0, g1, w0, w1):
    wid = lax.axis_index("s") * _NC + lax.axis_index("c")
    b0 = wid * _BW
    btg0 = wid * _TPW
    rows = (rows0, rows1)
    obuf = (ob0, ob1)
    gsem = (g0, g1)
    wsem = (w0, w1)
    iota16 = lax.iota(jnp.int32, 16)

    pltpu.sync_copy(xt_hbm.at[:, pl.ds(b0, _BW)], idx_v)

    pltpu.async_copy(table_hbm.at[idx_v.at[0]], rows0, g0)
    pltpu.async_copy(table_hbm.at[idx_v.at[1]], rows1, g1)

    def wait_bytes_64k(sem):
      pltpu.make_async_copy(table_hbm.at[pl.ds(0, _BW)], rows0, sem).wait()

    def outer(t):
      for b in range(2):
        s = 2 * t + b
        wait_bytes_64k(gsem[b])

        @pl.when(t > 0)
        def _():
          wait_bytes_64k(wsem[b])

        for bt in range(_TPW):
          rv = (iota16 + bt * 32, iota16 + (bt * 32 + 16))

          @plsc.parallel_loop(0, 128, unroll=4)
          def transpose(i):
            vals0 = rows[b][bt * 128 + i, pl.ds(0, 16)]
            vals1 = rows[b][bt * 128 + i, pl.ds(16, 16)]
            col = jnp.full((16,), i, jnp.int32)
            plsc.store_scatter(obuf[b], [rv[0], col], vals0)
            plsc.store_scatter(obuf[b], [rv[1], col], vals1)

        for dt in range(4):
          for bt in range(_TPW):
            pltpu.async_copy(
                obuf[b].at[pl.ds(bt * 32 + dt * 8, 8), pl.ds(0, 128)],
                out_hbm.at[s, pl.ds(dt * (BATCH // 128) * 8
                                    + (btg0 + bt) * 8, 8)],
                wsem[b])

        @pl.when(s + 2 < SEQ)
        def _():
          pltpu.async_copy(table_hbm.at[idx_v.at[s + 2]], rows[b], gsem[b])

    pl.loop(0, SEQ // 2)(outer)

    wait_bytes_64k(w0)
    wait_bytes_64k(w1)

  return embed


_embed = _make_kernel()


@jax.jit
def kernel(x, table):
  xt = jnp.transpose(x).astype(jnp.int32)
  out3d = _embed(xt, table)
  out5d = out3d.reshape(SEQ, 4, BATCH // 128, 8, 128)
  return out5d.transpose(2, 4, 0, 1, 3).reshape(BATCH, SEQ, EMBED_SIZE)

# --- scband reference (transcript-rebuilt; emitter-appended) ---
"""Pipeline reference for scband-token-embedding-49143015801648 (READ-ONLY COPY).

The authoritative reference and input builder live on the scoring server;
editing this copy changes nothing except your own understanding.
"""

import jax, jax.numpy as jnp
import numpy as np

VOCAB_SIZE = 1000000
EMBED_SIZE = 32
PAD_ID = 0

def setup_inputs(seed: int = 0) -> dict:
    key = jax.random.key(seed)
    k_idx, k_tab = jax.random.split(key)
    x = jax.random.randint(k_idx, (16384, 50), 0, VOCAB_SIZE, dtype=jnp.int64) if jax.config.jax_enable_x64 else jax.random.randint(k_idx, (16384, 50), 0, VOCAB_SIZE, dtype=jnp.int32)
    table = jax.random.normal(k_tab, (VOCAB_SIZE, EMBED_SIZE), dtype=jnp.float32)
    # padding_idx row is initialized to zeros, matching nn.Embedding(padding_idx=pad_id)
    table = table.at[PAD_ID].set(0.0)
    return {"x": x, "table": table}

def reference(x, table):
    # nn.Embedding forward with padding_idx: row PAD_ID is held at zero
    table = table.at[PAD_ID].set(0.0)
    x_embed = jnp.take(table, x, axis=0)
    return x_embed

if __name__ == "__main__":
    import jax
    _d = setup_inputs()
    print(jax.jit(kernel)(*tuple(_d.values())))

</pallas_src>

<mosaic_0001>
#map = affine_map<(d0, d1) -> (0, 0)>
#map1 = affine_map<(d0, d1) -> (0, 0, 0)>
module attributes {stable_mosaic.version = 14 : i64} {
  func.func @embed(%arg0: i32, %arg1: i32, %arg2: memref<50x16384xi32, #tpu.memory_space<hbm>>, %arg3: memref<1000000x32xf32, #tpu.memory_space<hbm>>, %arg4: memref<50x4096x128xf32, #tpu.memory_space<hbm>>, %arg5: memref<50x512xi32, #tpu.memory_space<vmem>>, %arg6: memref<512x32xf32, #tpu.memory_space<vmem>>, %arg7: memref<512x32xf32, #tpu.memory_space<vmem>>, %arg8: memref<128x129xf32, #tpu.memory_space<vmem>>, %arg9: memref<128x129xf32, #tpu.memory_space<vmem>>, %arg10: memref<!tpu.dma_semaphore, #tpu.memory_space<semaphore_mem>>, %arg11: memref<!tpu.dma_semaphore, #tpu.memory_space<semaphore_mem>>, %arg12: memref<!tpu.dma_semaphore, #tpu.memory_space<semaphore_mem>>, %arg13: memref<!tpu.dma_semaphore, #tpu.memory_space<semaphore_mem>>) attributes {dimension_semantics = [#tpu.dimension_semantics<core_parallel>, #tpu.dimension_semantics<subcore_parallel>], iteration_bounds = array<i64: 2, 16>, scalar_prefetch = 0 : i64, scratch_operands = 9 : i64, tpu.core_type = #tpu.core_type<sc_vector_subcore>, window_params = [{transform_indices = #map}, {transform_indices = #map}, {transform_indices = #map1}]} {
    %mul3A = arith.constant 2 : i32
    %mul3A_0 = arith.muli %arg1, %mul3A : i32
    %add3A = arith.addi %mul3A_0, %arg0 : i32
    %mul3A_1 = arith.constant 512 : i32
    %mul3A_2 = arith.muli %add3A, %mul3A_1 : i32
    %mul3A_3 = arith.constant 4 : i32
    %mul3A_4 = arith.muli %add3A, %mul3A_3 : i32
    %iota3A = tpu.iota {dimensions = array<i32: 0>} : vector<16xi32>
    "tpu.region"() ({
      %run_scoped3A = tpu.sem_alloc : memref<!tpu.dma_semaphore, #tpu.memory_space<semaphore_mem>>
      %dma_start3A_33 = arith.constant 0 : i32
      %dma_start3A_34 = tpu.memref_slice %arg2[%dma_start3A_33, %mul3A_2] : memref<50x16384xi32, #tpu.memory_space<hbm>> -> memref<50x512xi32, #tpu.memory_space<hbm>>
      %dma_start3A_35 = arith.constant 0 : i32
      %dma_start3A_36 = tpu.memref_slice %arg2[%dma_start3A_35, %mul3A_2] : memref<50x16384xi32, #tpu.memory_space<hbm>> -> memref<50x512xi32, #tpu.memory_space<hbm>>
      tpu.enqueue_dma source(%dma_start3A_36 : memref<50x512xi32, #tpu.memory_space<hbm>>) target(%arg5 : memref<50x512xi32, #tpu.memory_space<vmem>>) target_semaphore(%run_scoped3A : memref<!tpu.dma_semaphore, #tpu.memory_space<semaphore_mem>>)
      %dma_wait3A_37 = arith.constant 0 : i32
      %dma_wait3A_38 = tpu.memref_slice %arg2[%dma_wait3A_37, %mul3A_2] : memref<50x16384xi32, #tpu.memory_space<hbm>> -> memref<50x512xi32, #tpu.memory_space<hbm>>
      %dma_wait3A_39 = arith.constant 0 : i32
      %dma_wait3A_40 = tpu.memref_slice %arg2[%dma_wait3A_39, %mul3A_2] : memref<50x16384xi32, #tpu.memory_space<hbm>> -> memref<50x512xi32, #tpu.memory_space<hbm>>
      tpu.wait_dma2 semaphore(%run_scoped3A : memref<!tpu.dma_semaphore, #tpu.memory_space<semaphore_mem>>) src(%dma_wait3A_40 : memref<50x512xi32, #tpu.memory_space<hbm>>) dst(%arg5 : memref<50x512xi32, #tpu.memory_space<vmem>>)
      tpu.yield
    }) : () -> ()
    %dma_start3A = arith.constant 0 : i32
    %dma_start3A_5 = arith.constant 0 : i32
    %dma_start3A_6 = tpu.memref_slice %arg5[%dma_start3A, %dma_start3A_5] : memref<50x512xi32, #tpu.memory_space<vmem>> -> memref<1x512xi32, #tpu.memory_space<vmem>>
    %dma_start3A_7 = tpu.memref_squeeze %dma_start3A_6 : memref<1x512xi32, #tpu.memory_space<vmem>> -> memref<512xi32, #tpu.memory_space<vmem>>
    %dma_start3A_8 = arith.constant 0 : i32
    %dma_start3A_9 = arith.constant 0 : i32
    %dma_start3A_10 = tpu.memref_slice %arg3[%dma_start3A_8, %dma_start3A_9] : memref<1000000x32xf32, #tpu.memory_space<hbm>> -> memref<1000000x32xf32, #tpu.memory_space<hbm>>
    tpu.enqueue_indirect_dma source(%dma_start3A_10 : memref<1000000x32xf32, #tpu.memory_space<hbm>>) target(%arg6 : memref<512x32xf32, #tpu.memory_space<vmem>>) offsets(%dma_start3A_7 : memref<512xi32, #tpu.memory_space<vmem>>) semaphore(%arg10 : memref<!tpu.dma_semaphore, #tpu.memory_space<semaphore_mem>>)
    %dma_start3A_11 = arith.constant 1 : i32
    %dma_start3A_12 = arith.constant 0 : i32
    %dma_start3A_13 = tpu.memref_slice %arg5[%dma_start3A_11, %dma_start3A_12] : memref<50x512xi32, #tpu.memory_space<vmem>> -> memref<1x512xi32, #tpu.memory_space<vmem>>
    %dma_start3A_14 = tpu.memref_squeeze %dma_start3A_13 : memref<1x512xi32, #tpu.memory_space<vmem>> -> memref<512xi32, #tpu.memory_space<vmem>>
    %dma_start3A_15 = arith.constant 0 : i32
    %dma_start3A_16 = arith.constant 0 : i32
    %dma_start3A_17 = tpu.memref_slice %arg3[%dma_start3A_15, %dma_start3A_16] : memref<1000000x32xf32, #tpu.memory_space<hbm>> -> memref<1000000x32xf32, #tpu.memory_space<hbm>>
    tpu.enqueue_indirect_dma source(%dma_start3A_17 : memref<1000000x32xf32, #tpu.memory_space<hbm>>) target(%arg7 : memref<512x32xf32, #tpu.memory_space<vmem>>) offsets(%dma_start3A_14 : memref<512xi32, #tpu.memory_space<vmem>>) semaphore(%arg11 : memref<!tpu.dma_semaphore, #tpu.memory_space<semaphore_mem>>)
    %scan3A = arith.constant 0 : i32
    %scan3A_18 = arith.constant 25 : i32
    %scan3A_19 = arith.addi %scan3A, %scan3A_18 : i32
    %scan3A_20 = arith.constant 1 : i32
    scf.for %scan3A_33 = %scan3A to %scan3A_19 step %scan3A_20  : i32 {
      %mul3A_34 = arith.constant 1 : i32
      %mul3A_35 = arith.muli %scan3A_33, %mul3A_34 : i32
      %add3A_36 = arith.constant 0 : i32
      %add3A_37 = arith.addi %add3A_36, %mul3A_35 : i32
      %mul3A_38 = arith.constant 2 : i32
      %mul3A_39 = arith.muli %mul3A_38, %add3A_37 : i32
      %add3A_40 = arith.constant 0 : i32
      %add3A_41 = arith.addi %mul3A_39, %add3A_40 : i32
      %dma_wait3A_42 = arith.constant 0 : i32
      %dma_wait3A_43 = arith.constant 0 : i32
      %dma_wait3A_44 = tpu.memref_slice %arg3[%dma_wait3A_42, %dma_wait3A_43] : memref<1000000x32xf32, #tpu.memory_space<hbm>> -> memref<512x32xf32, #tpu.memory_space<hbm>>
      %dma_wait3A_45 = arith.constant 0 : i32
      %dma_wait3A_46 = arith.constant 0 : i32
      %dma_wait3A_47 = tpu.memref_slice %arg3[%dma_wait3A_45, %dma_wait3A_46] : memref<1000000x32xf32, #tpu.memory_space<hbm>> -> memref<512x32xf32, #tpu.memory_space<hbm>>
      tpu.wait_dma2 semaphore(%arg10 : memref<!tpu.dma_semaphore, #tpu.memory_space<semaphore_mem>>) src(%dma_wait3A_47 : memref<512x32xf32, #tpu.memory_space<hbm>>) dst(%arg6 : memref<512x32xf32, #tpu.memory_space<vmem>>)
      %gt3A = arith.constant 0 : i32
      %gt3A_48 = arith.cmpi sgt, %add3A_37, %gt3A : i32
      %convert_element_type3A = arith.extui %gt3A_48 : i1 to i32
      %cond3A = arith.constant 0 : i32
      %cond3A_49 = arith.cmpi ne, %convert_element_type3A, %cond3A : i32
      scf.if %cond3A_49 {
        %dma_wait3A_725 = arith.constant 0 : i32
        %dma_wait3A_726 = arith.constant 0 : i32
        %dma_wait3A_727 = tpu.memref_slice %arg3[%dma_wait3A_725, %dma_wait3A_726] : memref<1000000x32xf32, #tpu.memory_space<hbm>> -> memref<512x32xf32, #tpu.memory_space<hbm>>
        %dma_wait3A_728 = arith.constant 0 : i32
        %dma_wait3A_729 = arith.constant 0 : i32
        %dma_wait3A_730 = tpu.memref_slice %arg3[%dma_wait3A_728, %dma_wait3A_729] : memref<1000000x32xf32, #tpu.memory_space<hbm>> -> memref<512x32xf32, #tpu.memory_space<hbm>>
        tpu.wait_dma2 semaphore(%arg12 : memref<!tpu.dma_semaphore, #tpu.memory_space<semaphore_mem>>) src(%dma_wait3A_730 : memref<512x32xf32, #tpu.memory_space<hbm>>) dst(%arg6 : memref<512x32xf32, #tpu.memory_space<vmem>>)
      } else {
      }
      %add3A_50 = arith.constant 0 : i32
      %add3A_51 = vector.broadcast %add3A_50 : i32 to vector<16xi32>
      %add3A_52 = arith.addi %iota3A, %add3A_51 : vector<16xi32>
      %add3A_53 = arith.constant 16 : i32
      %add3A_54 = vector.broadcast %add3A_53 : i32 to vector<16xi32>
      %add3A_55 = arith.addi %iota3A, %add3A_54 : vector<16xi32>
      %parallel_loop3A = arith.constant 0 : i32
      %parallel_loop3A_56 = arith.constant 128 : i32
      %parallel_loop3A_57 = arith.constant 1 : i32
      scf.for %parallel_loop3A_725 = %parallel_loop3A to %parallel_loop3A_56 step %parallel_loop3A_57  : i32 {
        %parallel_loop3A_726 = arith.constant 0 : i32
        %parallel_loop3A_727 = arith.addi %parallel_loop3A_726, %parallel_loop3A_725 : i32
        %parallel_loop3A_728 = arith.index_cast %parallel_loop3A_727 : i32 to index
        %parallel_loop3A_729 = arith.constant 0 : index
        %parallel_loop3A_730 = tpu.vector_load %arg6[%parallel_loop3A_728, %parallel_loop3A_729] {strides = array<i32>} : memref<512x32xf32, #tpu.memory_space<vmem>>, vector<16xf32>,
        %parallel_loop3A_731 = arith.constant 0 : i32
        %parallel_loop3A_732 = arith.addi %parallel_loop3A_731, %parallel_loop3A_725 : i32
        %parallel_loop3A_733 = arith.index_cast %parallel_loop3A_732 : i32 to index
        %parallel_loop3A_734 = arith.constant 16 : index
        %parallel_loop3A_735 = tpu.vector_load %arg6[%parallel_loop3A_733, %parallel_loop3A_734] {strides = array<i32>} : memref<512x32xf32, #tpu.memory_space<vmem>>, vector<16xf32>,
        %parallel_loop3A_736 = vector.broadcast %parallel_loop3A_725 : i32 to vector<16xi32>
        tpu.vector_store_idx %arg8[%add3A_52, %parallel_loop3A_736], %parallel_loop3A_730 : memref<128x129xf32, #tpu.memory_space<vmem>>[vector<16xi32>, vector<16xi32>], vector<16xf32>,
        tpu.vector_store_idx %arg8[%add3A_55, %parallel_loop3A_736], %parallel_loop3A_735 : memref<128x129xf32, #tpu.memory_space<vmem>>[vector<16xi32>, vector<16xi32>], vector<16xf32>,
      } {sc.loop_unroll_factor = 4 : i64, sc.parallel_access}
      %add3A_58 = arith.constant 32 : i32
      %add3A_59 = vector.broadcast %add3A_58 : i32 to vector<16xi32>
      %add3A_60 = arith.addi %iota3A, %add3A_59 : vector<16xi32>
      %add3A_61 = arith.constant 48 : i32
      %add3A_62 = vector.broadcast %add3A_61 : i32 to vector<16xi32>
      %add3A_63 = arith.addi %iota3A, %add3A_62 : vector<16xi32>
      %parallel_loop3A_64 = arith.constant 0 : i32
      %parallel_loop3A_65 = arith.constant 128 : i32
      %parallel_loop3A_66 = arith.constant 1 : i32
      scf.for %parallel_loop3A_725 = %parallel_loop3A_64 to %parallel_loop3A_65 step %parallel_loop3A_66  : i32 {
        %parallel_loop3A_726 = arith.constant 128 : i32
        %parallel_loop3A_727 = arith.addi %parallel_loop3A_726, %parallel_loop3A_725 : i32
        %parallel_loop3A_728 = arith.index_cast %parallel_loop3A_727 : i32 to index
        %parallel_loop3A_729 = arith.constant 0 : index
        %parallel_loop3A_730 = tpu.vector_load %arg6[%parallel_loop3A_728, %parallel_loop3A_729] {strides = array<i32>} : memref<512x32xf32, #tpu.memory_space<vmem>>, vector<16xf32>,
        %parallel_loop3A_731 = arith.constant 128 : i32
        %parallel_loop3A_732 = arith.addi %parallel_loop3A_731, %parallel_loop3A_725 : i32
        %parallel_loop3A_733 = arith.index_cast %parallel_loop3A_732 : i32 to index
        %parallel_loop3A_734 = arith.constant 16 : index
        %parallel_loop3A_735 = tpu.vector_load %arg6[%parallel_loop3A_733, %parallel_loop3A_734] {strides = array<i32>} : memref<512x32xf32, #tpu.memory_space<vmem>>, vector<16xf32>,
        %parallel_loop3A_736 = vector.broadcast %parallel_loop3A_725 : i32 to vector<16xi32>
        tpu.vector_store_idx %arg8[%add3A_60, %parallel_loop3A_736], %parallel_loop3A_730 : memref<128x129xf32, #tpu.memory_space<vmem>>[vector<16xi32>, vector<16xi32>], vector<16xf32>,
        tpu.vector_store_idx %arg8[%add3A_63, %parallel_loop3A_736], %parallel_loop3A_735 : memref<128x129xf32, #tpu.memory_space<vmem>>[vector<16xi32>, vector<16xi32>], vector<16xf32>,
      } {sc.loop_unroll_factor = 4 : i64, sc.parallel_access}
      %add3A_67 = arith.constant 64 : i32
      %add3A_68 = vector.broadcast %add3A_67 : i32 to vector<16xi32>
      %add3A_69 = arith.addi %iota3A, %add3A_68 : vector<16xi32>
      %add3A_70 = arith.constant 80 : i32
      %add3A_71 = vector.broadcast %add3A_70 : i32 to vector<16xi32>
      %add3A_72 = arith.addi %iota3A, %add3A_71 : vector<16xi32>
      %parallel_loop3A_73 = arith.constant 0 : i32
      %parallel_loop3A_74 = arith.constant 128 : i32
      %parallel_loop3A_75 = arith.constant 1 : i32
      scf.for %parallel_loop3A_725 = %parallel_loop3A_73 to %parallel_loop3A_74 step %parallel_loop3A_75  : i32 {
        %parallel_loop3A_726 = arith.constant 256 : i32
        %parallel_loop3A_727 = arith.addi %parallel_loop3A_726, %parallel_loop3A_725 : i32
        %parallel_loop3A_728 = arith.index_cast %parallel_loop3A_727 : i32 to index
        %parallel_loop3A_729 = arith.constant 0 : index
        %parallel_loop3A_730 = tpu.vector_load %arg6[%parallel_loop3A_728, %parallel_loop3A_729] {strides = array<i32>} : memref<512x32xf32, #tpu.memory_space<vmem>>, vector<16xf32>,
        %parallel_loop3A_731 = arith.constant 256 : i32
        %parallel_loop3A_732 = arith.addi %parallel_loop3A_731, %parallel_loop3A_725 : i32
        %parallel_loop3A_733 = arith.index_cast %parallel_loop3A_732 : i32 to index
        %parallel_loop3A_734 = arith.constant 16 : index
        %parallel_loop3A_735 = tpu.vector_load %arg6[%parallel_loop3A_733, %parallel_loop3A_734] {strides = array<i32>} : memref<512x32xf32, #tpu.memory_space<vmem>>, vector<16xf32>,
        %parallel_loop3A_736 = vector.broadcast %parallel_loop3A_725 : i32 to vector<16xi32>
        tpu.vector_store_idx %arg8[%add3A_69, %parallel_loop3A_736], %parallel_loop3A_730 : memref<128x129xf32, #tpu.memory_space<vmem>>[vector<16xi32>, vector<16xi32>], vector<16xf32>,
        tpu.vector_store_idx %arg8[%add3A_72, %parallel_loop3A_736], %parallel_loop3A_735 : memref<128x129xf32, #tpu.memory_space<vmem>>[vector<16xi32>, vector<16xi32>], vector<16xf32>,
      } {sc.loop_unroll_factor = 4 : i64, sc.parallel_access}
      %add3A_76 = arith.constant 96 : i32
      %add3A_77 = vector.broadcast %add3A_76 : i32 to vector<16xi32>
      %add3A_78 = arith.addi %iota3A, %add3A_77 : vector<16xi32>
      %add3A_79 = arith.constant 112 : i32
      %add3A_80 = vector.broadcast %add3A_79 : i32 to vector<16xi32>
      %add3A_81 = arith.addi %iota3A, %add3A_80 : vector<16xi32>
      %parallel_loop3A_82 = arith.constant 0 : i32
      %parallel_loop3A_83 = arith.constant 128 : i32
      %parallel_loop3A_84 = arith.constant 1 : i32
      scf.for %parallel_loop3A_725 = %parallel_loop3A_82 to %parallel_loop3A_83 step %parallel_loop3A_84  : i32 {
        %parallel_loop3A_726 = arith.constant 384 : i32
        %parallel_loop3A_727 = arith.addi %parallel_loop3A_726, %parallel_loop3A_725 : i32
        %parallel_loop3A_728 = arith.index_cast %parallel_loop3A_727 : i32 to index
        %parallel_loop3A_729 = arith.constant 0 : index
        %parallel_loop3A_730 = tpu.vector_load %arg6[%parallel_loop3A_728, %parallel_loop3A_729] {strides = array<i32>} : memref<512x32xf32, #tpu.memory_space<vmem>>, vector<16xf32>,
        %parallel_loop3A_731 = arith.constant 384 : i32
        %parallel_loop3A_732 = arith.addi %parallel_loop3A_731, %parallel_loop3A_725 : i32
        %parallel_loop3A_733 = arith.index_cast %parallel_loop3A_732 : i32 to index
        %parallel_loop3A_734 = arith.constant 16 : index
        %parallel_loop3A_735 = tpu.vector_load %arg6[%parallel_loop3A_733, %parallel_loop3A_734] {strides = array<i32>} : memref<512x32xf32, #tpu.memory_space<vmem>>, vector<16xf32>,
        %parallel_loop3A_736 = vector.broadcast %parallel_loop3A_725 : i32 to vector<16xi32>
        tpu.vector_store_idx %arg8[%add3A_78, %parallel_loop3A_736], %parallel_loop3A_730 : memref<128x129xf32, #tpu.memory_space<vmem>>[vector<16xi32>, vector<16xi32>], vector<16xf32>,
        tpu.vector_store_idx %arg8[%add3A_81, %parallel_loop3A_736], %parallel_loop3A_735 : memref<128x129xf32, #tpu.memory_space<vmem>>[vector<16xi32>, vector<16xi32>], vector<16xf32>,
      } {sc.loop_unroll_factor = 4 : i64, sc.parallel_access}
      %add3A_85 = arith.constant 0 : i32
      %add3A_86 = arith.addi %mul3A_4, %add3A_85 : i32
      %mul3A_87 = arith.constant 8 : i32
      %mul3A_88 = arith.muli %add3A_86, %mul3A_87 : i32
      %add3A_89 = arith.constant 0 : i32
      %add3A_90 = arith.addi %add3A_89, %mul3A_88 : i32
      %dma_start3A_91 = arith.constant 0 : i32
      %dma_start3A_92 = arith.constant 0 : i32
      %dma_start3A_93 = tpu.memref_slice %arg8[%dma_start3A_91, %dma_start3A_92] : memref<128x129xf32, #tpu.memory_space<vmem>> -> memref<8x128xf32, #tpu.memory_space<vmem>>
      %dma_start3A_94 = arith.constant 0 : i32
      %dma_start3A_95 = tpu.memref_slice %arg4[%add3A_41, %add3A_90, %dma_start3A_94] : memref<50x4096x128xf32, #tpu.memory_space<hbm>> -> memref<1x8x128xf32, #tpu.memory_space<hbm>>
      %dma_start3A_96 = tpu.memref_squeeze %dma_start3A_95 : memref<1x8x128xf32, #tpu.memory_space<hbm>> -> memref<8x128xf32, #tpu.memory_space<hbm>>
      %dma_start3A_97 = arith.constant 0 : i32
      %dma_start3A_98 = tpu.memref_slice %arg4[%add3A_41, %add3A_90, %dma_start3A_97] : memref<50x4096x128xf32, #tpu.memory_space<hbm>> -> memref<1x8x128xf32, #tpu.memory_space<hbm>>
      %dma_start3A_99 = tpu.memref_squeeze %dma_start3A_98 : memref<1x8x128xf32, #tpu.memory_space<hbm>> -> memref<8x128xf32, #tpu.memory_space<hbm>>
      %dma_start3A_100 = arith.constant 0 : i32
      %dma_start3A_101 = arith.constant 0 : i32
      %dma_start3A_102 = tpu.memref_slice %arg8[%dma_start3A_100, %dma_start3A_101] : memref<128x129xf32, #tpu.memory_space<vmem>> -> memref<8x128xf32, #tpu.memory_space<vmem>>
      tpu.enqueue_dma source(%dma_start3A_102 : memref<8x128xf32, #tpu.memory_space<vmem>>) target(%dma_start3A_99 : memref<8x128xf32, #tpu.memory_space<hbm>>) target_semaphore(%arg12 : memref<!tpu.dma_semaphore, #tpu.memory_space<semaphore_mem>>)
      %add3A_103 = arith.constant 1 : i32
      %add3A_104 = arith.addi %mul3A_4, %add3A_103 : i32
      %mul3A_105 = arith.constant 8 : i32
      %mul3A_106 = arith.muli %add3A_104, %mul3A_105 : i32
      %add3A_107 = arith.constant 0 : i32
      %add3A_108 = arith.addi %add3A_107, %mul3A_106 : i32
      %dma_start3A_109 = arith.constant 32 : i32
      %dma_start3A_110 = arith.constant 0 : i32
      %dma_start3A_111 = tpu.memref_slice %arg8[%dma_start3A_109, %dma_start3A_110] : memref<128x129xf32, #tpu.memory_space<vmem>> -> memref<8x128xf32, #tpu.memory_space<vmem>>
      %dma_start3A_112 = arith.constant 0 : i32
      %dma_start3A_113 = tpu.memref_slice %arg4[%add3A_41, %add3A_108, %dma_start3A_112] : memref<50x4096x128xf32, #tpu.memory_space<hbm>> -> memref<1x8x128xf32, #tpu.memory_space<hbm>>
      %dma_start3A_114 = tpu.memref_squeeze %dma_start3A_113 : memref<1x8x128xf32, #tpu.memory_space<hbm>> -> memref<8x128xf32, #tpu.memory_space<hbm>>
      %dma_start3A_115 = arith.constant 0 : i32
      %dma_start3A_116 = tpu.memref_slice %arg4[%add3A_41, %add3A_108, %dma_start3A_115] : memref<50x4096x128xf32, #tpu.memory_space<hbm>> -> memref<1x8x128xf32, #tpu.memory_space<hbm>>
      %dma_start3A_117 = tpu.memref_squeeze %dma_start3A_116 : memref<1x8x128xf32, #tpu.memory_space<hbm>> -> memref<8x128xf32, #tpu.memory_space<hbm>>
      %dma_start3A_118 = arith.constant 32 : i32
      %dma_start3A_119 = arith.constant 0 : i32
      %dma_start3A_120 = tpu.memref_slice %arg8[%dma_start3A_118, %dma_start3A_119] : memref<128x129xf32, #tpu.memory_space<vmem>> -> memref<8x128xf32, #tpu.memory_space<vmem>>
      tpu.enqueue_dma source(%dma_start3A_120 : memref<8x128xf32, #tpu.memory_space<vmem>>) target(%dma_start3A_117 : memref<8x128xf32, #tpu.memory_space<hbm>>) target_semaphore(%arg12 : memref<!tpu.dma_semaphore, #tpu.memory_space<semaphore_mem>>)
      %add3A_121 = arith.constant 2 : i32
      %add3A_122 = arith.addi %mul3A_4, %add3A_121 : i32
      %mul3A_123 = arith.constant 8 : i32
      %mul3A_124 = arith.muli %add3A_122, %mul3A_123 : i32
      %add3A_125 = arith.constant 0 : i32
      %add3A_126 = arith.addi %add3A_125, %mul3A_124 : i32
      %dma_start3A_127 = arith.constant 64 : i32
      %dma_start3A_128 = arith.constant 0 : i32
      %dma_start3A_129 = tpu.memref_slice %arg8[%dma_start3A_127, %dma_start3A_128] : memref<128x129xf32, #tpu.memory_space<vmem>> -> memref<8x128xf32, #tpu.memory_space<vmem>>
      %dma_start3A_130 = arith.constant 0 : i32
      %dma_start3A_131 = tpu.memref_slice %arg4[%add3A_41, %add3A_126, %dma_start3A_130] : memref<50x4096x128xf32, #tpu.memory_space<hbm>> -> memref<1x8x128xf32, #tpu.memory_space<hbm>>
      %dma_start3A_132 = tpu.memref_squeeze %dma_start3A_131 : memref<1x8x128xf32, #tpu.memory_space<hbm>> -> memref<8x128xf32, #tpu.memory_space<hbm>>
      %dma_start3A_133 = arith.constant 0 : i32
      %dma_start3A_134 = tpu.memref_slice %arg4[%add3A_41, %add3A_126, %dma_start3A_133] : memref<50x4096x128xf32, #tpu.memory_space<hbm>> -> memref<1x8x128xf32, #tpu.memory_space<hbm>>
      %dma_start3A_135 = tpu.memref_squeeze %dma_start3A_134 : memref<1x8x128xf32, #tpu.memory_space<hbm>> -> memref<8x128xf32, #tpu.memory_space<hbm>>
      %dma_start3A_136 = arith.constant 64 : i32
      %dma_start3A_137 = arith.constant 0 : i32
      %dma_start3A_138 = tpu.memref_slice %arg8[%dma_start3A_136, %dma_start3A_137] : memref<128x129xf32, #tpu.memory_space<vmem>> -> memref<8x128xf32, #tpu.memory_space<vmem>>
      tpu.enqueue_dma source(%dma_start3A_138 : memref<8x128xf32, #tpu.memory_space<vmem>>) target(%dma_start3A_135 : memref<8x128xf32, #tpu.memory_space<hbm>>) target_semaphore(%arg12 : memref<!tpu.dma_semaphore, #tpu.memory_space<semaphore_mem>>)
      %add3A_139 = arith.constant 3 : i32
      %add3A_140 = arith.addi %mul3A_4, %add3A_139 : i32
      %mul3A_141 = arith.constant 8 : i32
      %mul3A_142 = arith.muli %add3A_140, %mul3A_141 : i32
      %add3A_143 = arith.constant 0 : i32
      %add3A_144 = arith.addi %add3A_143, %mul3A_142 : i32
      %dma_start3A_145 = arith.constant 96 : i32
      %dma_start3A_146 = arith.constant 0 : i32
      %dma_start3A_147 = tpu.memref_slice %arg8[%dma_start3A_145, %dma_start3A_146] : memref<128x129xf32, #tpu.memory_space<vmem>> -> memref<8x128xf32, #tpu.memory_space<vmem>>
      %dma_start3A_148 = arith.constant 0 : i32
      %dma_start3A_149 = tpu.memref_slice %arg4[%add3A_41, %add3A_144, %dma_start3A_148] : memref<50x4096x128xf32, #tpu.memory_space<hbm>> -> memref<1x8x128xf32, #tpu.memory_space<hbm>>
      %dma_start3A_150 = tpu.memref_squeeze %dma_start3A_149 : memref<1x8x128xf32, #tpu.memory_space<hbm>> -> memref<8x128xf32, #tpu.memory_space<hbm>>
      %dma_start3A_151 = arith.constant 0 : i32
      %dma_start3A_152 = tpu.memref_slice %arg4[%add3A_41, %add3A_144, %dma_start3A_151] : memref<50x4096x128xf32, #tpu.memory_space<hbm>> -> memref<1x8x128xf32, #tpu.memory_space<hbm>>
      %dma_start3A_153 = tpu.memref_squeeze %dma_start3A_152 : memref<1x8x128xf32, #tpu.memory_space<hbm>> -> memref<8x128xf32, #tpu.memory_space<hbm>>
      %dma_start3A_154 = arith.constant 96 : i32
      %dma_start3A_155 = arith.constant 0 : i32
      %dma_start3A_156 = tpu.memref_slice %arg8[%dma_start3A_154, %dma_start3A_155] : memref<128x129xf32, #tpu.memory_space<vmem>> -> memref<8x128xf32, #tpu.memory_space<vmem>>
      tpu.enqueue_dma source(%dma_start3A_156 : memref<8x128xf32, #tpu.memory_space<vmem>>) target(%dma_start3A_153 : memref<8x128xf32, #tpu.memory_space<hbm>>) target_semaphore(%arg12 : memref<!tpu.dma_semaphore, #tpu.memory_space<semaphore_mem>>)
      %add3A_157 = arith.constant 0 : i32
      %add3A_158 = arith.addi %mul3A_4, %add3A_157 : i32
      %mul3A_159 = arith.constant 8 : i32
      %mul3A_160 = arith.muli %add3A_158, %mul3A_159 : i32
      %add3A_161 = arith.constant 1024 : i32
      %add3A_162 = arith.addi %add3A_161, %mul3A_160 : i32
      %dma_start3A_163 = arith.constant 8 : i32
      %dma_start3A_164 = arith.constant 0 : i32
      %dma_start3A_165 = tpu.memref_slice %arg8[%dma_start3A_163, %dma_start3A_164] : memref<128x129xf32, #tpu.memory_space<vmem>> -> memref<8x128xf32, #tpu.memory_space<vmem>>
      %dma_start3A_166 = arith.constant 0 : i32
      %dma_start3A_167 = tpu.memref_slice %arg4[%add3A_41, %add3A_162, %dma_start3A_166] : memref<50x4096x128xf32, #tpu.memory_space<hbm>> -> memref<1x8x128xf32, #tpu.memory_space<hbm>>
      %dma_start3A_168 = tpu.memref_squeeze %dma_start3A_167 : memref<1x8x128xf32, #tpu.memory_space<hbm>> -> memref<8x128xf32, #tpu.memory_space<hbm>>
      %dma_start3A_169 = arith.constant 0 : i32
      %dma_start3A_170 = tpu.memref_slice %arg4[%add3A_41, %add3A_162, %dma_start3A_169] : memref<50x4096x128xf32, #tpu.memory_space<hbm>> -> memref<1x8x128xf32, #tpu.memory_space<hbm>>
      %dma_start3A_171 = tpu.memref_squeeze %dma_start3A_170 : memref<1x8x128xf32, #tpu.memory_space<hbm>> -> memref<8x128xf32, #tpu.memory_space<hbm>>
      %dma_start3A_172 = arith.constant 8 : i32
      %dma_start3A_173 = arith.constant 0 : i32
      %dma_start3A_174 = tpu.memref_slice %arg8[%dma_start3A_172, %dma_start3A_173] : memref<128x129xf32, #tpu.memory_space<vmem>> -> memref<8x128xf32, #tpu.memory_space<vmem>>
      tpu.enqueue_dma source(%dma_start3A_174 : memref<8x128xf32, #tpu.memory_space<vmem>>) target(%dma_start3A_171 : memref<8x128xf32, #tpu.memory_space<hbm>>) target_semaphore(%arg12 : memref<!tpu.dma_semaphore, #tpu.memory_space<semaphore_mem>>)
      %add3A_175 = arith.constant 1 : i32
      %add3A_176 = arith.addi %mul3A_4, %add3A_175 : i32
      %mul3A_177 = arith.constant 8 : i32
      %mul3A_178 = arith.muli %add3A_176, %mul3A_177 : i32
      %add3A_179 = arith.constant 1024 : i32
      %add3A_180 = arith.addi %add3A_179, %mul3A_178 : i32
      %dma_start3A_181 = arith.constant 40 : i32
      %dma_start3A_182 = arith.constant 0 : i32
      %dma_start3A_183 = tpu.memref_slice %arg8[%dma_start3A_181, %dma_start3A_182] : memref<128x129xf32, #tpu.memory_space<vmem>> -> memref<8x128xf32, #tpu.memory_space<vmem>>
      %dma_start3A_184 = arith.constant 0 : i32
      %dma_start3A_185 = tpu.memref_slice %arg4[%add3A_41, %add3A_180, %dma_start3A_184] : memref<50x4096x128xf32, #tpu.memory_space<hbm>> -> memref<1x8x128xf32, #tpu.memory_space<hbm>>
      %dma_start3A_186 = tpu.memref_squeeze %dma_start3A_185 : memref<1x8x128xf32, #tpu.memory_space<hbm>> -> memref<8x128xf32, #tpu.memory_space<hbm>>
      %dma_start3A_187 = arith.constant 0 : i32
      %dma_start3A_188 = tpu.memref_slice %arg4[%add3A_41, %add3A_180, %dma_start3A_187] : memref<50x4096x128xf32, #tpu.memory_space<hbm>> -> memref<1x8x128xf32, #tpu.memory_space<hbm>>
      %dma_start3A_189 = tpu.memref_squeeze %dma_start3A_188 : memref<1x8x128xf32, #tpu.memory_space<hbm>> -> memref<8x128xf32, #tpu.memory_space<hbm>>
      %dma_start3A_190 = arith.constant 40 : i32
      %dma_start3A_191 = arith.constant 0 : i32
      %dma_start3A_192 = tpu.memref_slice %arg8[%dma_start3A_190, %dma_start3A_191] : memref<128x129xf32, #tpu.memory_space<vmem>> -> memref<8x128xf32, #tpu.memory_space<vmem>>
      tpu.enqueue_dma source(%dma_start3A_192 : memref<8x128xf32, #tpu.memory_space<vmem>>) target(%dma_start3A_189 : memref<8x128xf32, #tpu.memory_space<hbm>>) target_semaphore(%arg12 : memref<!tpu.dma_semaphore, #tpu.memory_space<semaphore_mem>>)
      %add3A_193 = arith.constant 2 : i32
      %add3A_194 = arith.addi %mul3A_4, %add3A_193 : i32
      %mul3A_195 = arith.constant 8 : i32
      %mul3A_196 = arith.muli %add3A_194, %mul3A_195 : i32
      %add3A_197 = arith.constant 1024 : i32
      %add3A_198 = arith.addi %add3A_197, %mul3A_196 : i32
      %dma_start3A_199 = arith.constant 72 : i32
      %dma_start3A_200 = arith.constant 0 : i32
      %dma_start3A_201 = tpu.memref_slice %arg8[%dma_start3A_199, %dma_start3A_200] : memref<128x129xf32, #tpu.memory_space<vmem>> -> memref<8x128xf32, #tpu.memory_space<vmem>>
      %dma_start3A_202 = arith.constant 0 : i32
      %dma_start3A_203 = tpu.memref_slice %arg4[%add3A_41, %add3A_198, %dma_start3A_202] : memref<50x4096x128xf32, #tpu.memory_space<hbm>> -> memref<1x8x128xf32, #tpu.memory_space<hbm>>
      %dma_start3A_204 = tpu.memref_squeeze %dma_start3A_203 : memref<1x8x128xf32, #tpu.memory_space<hbm>> -> memref<8x128xf32, #tpu.memory_space<hbm>>
      %dma_start3A_205 = arith.constant 0 : i32
      %dma_start3A_206 = tpu.memref_slice %arg4[%add3A_41, %add3A_198, %dma_start3A_205] : memref<50x4096x128xf32, #tpu.memory_space<hbm>> -> memref<1x8x128xf32, #tpu.memory_space<hbm>>
      %dma_start3A_207 = tpu.memref_squeeze %dma_start3A_206 : memref<1x8x128xf32, #tpu.memory_space<hbm>> -> memref<8x128xf32, #tpu.memory_space<hbm>>
      %dma_start3A_208 = arith.constant 72 : i32
      %dma_start3A_209 = arith.constant 0 : i32
      %dma_start3A_210 = tpu.memref_slice %arg8[%dma_start3A_208, %dma_start3A_209] : memref<128x129xf32, #tpu.memory_space<vmem>> -> memref<8x128xf32, #tpu.memory_space<vmem>>
      tpu.enqueue_dma source(%dma_start3A_210 : memref<8x128xf32, #tpu.memory_space<vmem>>) target(%dma_start3A_207 : memref<8x128xf32, #tpu.memory_space<hbm>>) target_semaphore(%arg12 : memref<!tpu.dma_semaphore, #tpu.memory_space<semaphore_mem>>)
      %add3A_211 = arith.constant 3 : i32
      %add3A_212 = arith.addi %mul3A_4, %add3A_211 : i32
      %mul3A_213 = arith.constant 8 : i32
      %mul3A_214 = arith.muli %add3A_212, %mul3A_213 : i32
      %add3A_215 = arith.constant 1024 : i32
      %add3A_216 = arith.addi %add3A_215, %mul3A_214 : i32
      %dma_start3A_217 = arith.constant 104 : i32
      %dma_start3A_218 = arith.constant 0 : i32
      %dma_start3A_219 = tpu.memref_slice %arg8[%dma_start3A_217, %dma_start3A_218] : memref<128x129xf32, #tpu.memory_space<vmem>> -> memref<8x128xf32, #tpu.memory_space<vmem>>
      %dma_start3A_220 = arith.constant 0 : i32
      %dma_start3A_221 = tpu.memref_slice %arg4[%add3A_41, %add3A_216, %dma_start3A_220] : memref<50x4096x128xf32, #tpu.memory_space<hbm>> -> memref<1x8x128xf32, #tpu.memory_space<hbm>>
      %dma_start3A_222 = tpu.memref_squeeze %dma_start3A_221 : memref<1x8x128xf32, #tpu.memory_space<hbm>> -> memref<8x128xf32, #tpu.memory_space<hbm>>
      %dma_start3A_223 = arith.constant 0 : i32
      %dma_start3A_224 = tpu.memref_slice %arg4[%add3A_41, %add3A_216, %dma_start3A_223] : memref<50x4096x128xf32, #tpu.memory_space<hbm>> -> memref<1x8x128xf32, #tpu.memory_space<hbm>>
      %dma_start3A_225 = tpu.memref_squeeze %dma_start3A_224 : memref<1x8x128xf32, #tpu.memory_space<hbm>> -> memref<8x128xf32, #tpu.memory_space<hbm>>
      %dma_start3A_226 = arith.constant 104 : i32
      %dma_start3A_227 = arith.constant 0 : i32
      %dma_start3A_228 = tpu.memref_slice %arg8[%dma_start3A_226, %dma_start3A_227] : memref<128x129xf32, #tpu.memory_space<vmem>> -> memref<8x128xf32, #tpu.memory_space<vmem>>
      tpu.enqueue_dma source(%dma_start3A_228 : memref<8x128xf32, #tpu.memory_space<vmem>>) target(%dma_start3A_225 : memref<8x128xf32, #tpu.memory_space<hbm>>) target_semaphore(%arg12 : memref<!tpu.dma_semaphore, #tpu.memory_space<semaphore_mem>>)
      %add3A_229 = arith.constant 0 : i32
      %add3A_230 = arith.addi %mul3A_4, %add3A_229 : i32
      %mul3A_231 = arith.constant 8 : i32
      %mul3A_232 = arith.muli %add3A_230, %mul3A_231 : i32
      %add3A_233 = arith.constant 2048 : i32
      %add3A_234 = arith.addi %add3A_233, %mul3A_232 : i32
      %dma_start3A_235 = arith.constant 16 : i32
      %dma_start3A_236 = arith.constant 0 : i32
      %dma_start3A_237 = tpu.memref_slice %arg8[%dma_start3A_235, %dma_start3A_236] : memref<128x129xf32, #tpu.memory_space<vmem>> -> memref<8x128xf32, #tpu.memory_space<vmem>>
      %dma_start3A_238 = arith.constant 0 : i32
      %dma_start3A_239 = tpu.memref_slice %arg4[%add3A_41, %add3A_234, %dma_start3A_238] : memref<50x4096x128xf32, #tpu.memory_space<hbm>> -> memref<1x8x128xf32, #tpu.memory_space<hbm>>
      %dma_start3A_240 = tpu.memref_squeeze %dma_start3A_239 : memref<1x8x128xf32, #tpu.memory_space<hbm>> -> memref<8x128xf32, #tpu.memory_space<hbm>>
      %dma_start3A_241 = arith.constant 0 : i32
      %dma_start3A_242 = tpu.memref_slice %arg4[%add3A_41, %add3A_234, %dma_start3A_241] : memref<50x4096x128xf32, #tpu.memory_space<hbm>> -> memref<1x8x128xf32, #tpu.memory_space<hbm>>
      %dma_start3A_243 = tpu.memref_squeeze %dma_start3A_242 : memref<1x8x128xf32, #tpu.memory_space<hbm>> -> memref<8x128xf32, #tpu.memory_space<hbm>>
      %dma_start3A_244 = arith.constant 16 : i32
      %dma_start3A_245 = arith.constant 0 : i32
      %dma_start3A_246 = tpu.memref_slice %arg8[%dma_start3A_244, %dma_start3A_245] : memref<128x129xf32, #tpu.memory_space<vmem>> -> memref<8x128xf32, #tpu.memory_space<vmem>>
      tpu.enqueue_dma source(%dma_start3A_246 : memref<8x128xf32, #tpu.memory_space<vmem>>) target(%dma_start3A_243 : memref<8x128xf32, #tpu.memory_space<hbm>>) target_semaphore(%arg12 : memref<!tpu.dma_semaphore, #tpu.memory_space<semaphore_mem>>)
      %add3A_247 = arith.constant 1 : i32
      %add3A_248 = arith.addi %mul3A_4, %add3A_247 : i32
      %mul3A_249 = arith.constant 8 : i32
      %mul3A_250 = arith.muli %add3A_248, %mul3A_249 : i32
      %add3A_251 = arith.constant 2048 : i32
      %add3A_252 = arith.addi %add3A_251, %mul3A_250 : i32
      %dma_start3A_253 = arith.constant 48 : i32
      %dma_start3A_254 = arith.constant 0 : i32
      %dma_start3A_255 = tpu.memref_slice %arg8[%dma_start3A_253, %dma_start3A_254] : memref<128x129xf32, #tpu.memory_space<vmem>> -> memref<8x128xf32, #tpu.memory_space<vmem>>
      %dma_start3A_256 = arith.constant 0 : i32
      %dma_start3A_257 = tpu.memref_slice %arg4[%add3A_41, %add3A_252, %dma_start3A_256] : memref<50x4096x128xf32, #tpu.memory_space<hbm>> -> memref<1x8x128xf32, #tpu.memory_space<hbm>>
      %dma_start3A_258 = tpu.memref_squeeze %dma_start3A_257 : memref<1x8x128xf32, #tpu.memory_space<hbm>> -> memref<8x128xf32, #tpu.memory_space<hbm>>
      %dma_start3A_259 = arith.constant 0 : i32
      %dma_start3A_260 = tpu.memref_slice %arg4[%add3A_41, %add3A_252, %dma_start3A_259] : memref<50x4096x128xf32, #tpu.memory_space<hbm>> -> memref<1x8x128xf32, #tpu.memory_space<hbm>>
      %dma_start3A_261 = tpu.memref_squeeze %dma_start3A_260 : memref<1x8x128xf32, #tpu.memory_space<hbm>> -> memref<8x128xf32, #tpu.memory_space<hbm>>
      %dma_start3A_262 = arith.constant 48 : i32
      %dma_start3A_263 = arith.constant 0 : i32
      %dma_start3A_264 = tpu.memref_slice %arg8[%dma_start3A_262, %dma_start3A_263] : memref<128x129xf32, #tpu.memory_space<vmem>> -> memref<8x128xf32, #tpu.memory_space<vmem>>
      tpu.enqueue_dma source(%dma_start3A_264 : memref<8x128xf32, #tpu.memory_space<vmem>>) target(%dma_start3A_261 : memref<8x128xf32, #tpu.memory_space<hbm>>) target_semaphore(%arg12 : memref<!tpu.dma_semaphore, #tpu.memory_space<semaphore_mem>>)
      %add3A_265 = arith.constant 2 : i32
      %add3A_266 = arith.addi %mul3A_4, %add3A_265 : i32
      %mul3A_267 = arith.constant 8 : i32
      %mul3A_268 = arith.muli %add3A_266, %mul3A_267 : i32
      %add3A_269 = arith.constant 2048 : i32
      %add3A_270 = arith.addi %add3A_269, %mul3A_268 : i32
      %dma_start3A_271 = arith.constant 80 : i32
      %dma_start3A_272 = arith.constant 0 : i32
      %dma_start3A_273 = tpu.memref_slice %arg8[%dma_start3A_271, %dma_start3A_272] : memref<128x129xf32, #tpu.memory_space<vmem>> -> memref<8x128xf32, #tpu.memory_space<vmem>>
      %dma_start3A_274 = arith.constant 0 : i32
      %dma_start3A_275 = tpu.memref_slice %arg4[%add3A_41, %add3A_270, %dma_start3A_274] : memref<50x4096x128xf32, #tpu.memory_space<hbm>> -> memref<1x8x128xf32, #tpu.memory_space<hbm>>
      %dma_start3A_276 = tpu.memref_squeeze %dma_start3A_275 : memref<1x8x128xf32, #tpu.memory_space<hbm>> -> memref<8x128xf32, #tpu.memory_space<hbm>>
      %dma_start3A_277 = arith.constant 0 : i32
      %dma_start3A_278 = tpu.memref_slice %arg4[%add3A_41, %add3A_270, %dma_start3A_277] : memref<50x4096x128xf32, #tpu.memory_space<hbm>> -> memref<1x8x128xf32, #tpu.memory_space<hbm>>
      %dma_start3A_279 = tpu.memref_squeeze %dma_start3A_278 : memref<1x8x128xf32, #tpu.memory_space<hbm>> -> memref<8x128xf32, #tpu.memory_space<hbm>>
      %dma_start3A_280 = arith.constant 80 : i32
      %dma_start3A_281 = arith.constant 0 : i32
      %dma_start3A_282 = tpu.memref_slice %arg8[%dma_start3A_280, %dma_start3A_281] : memref<128x129xf32, #tpu.memory_space<vmem>> -> memref<8x128xf32, #tpu.memory_space<vmem>>
      tpu.enqueue_dma source(%dma_start3A_282 : memref<8x128xf32, #tpu.memory_space<vmem>>) target(%dma_start3A_279 : memref<8x128xf32, #tpu.memory_space<hbm>>) target_semaphore(%arg12 : memref<!tpu.dma_semaphore, #tpu.memory_space<semaphore_mem>>)
      %add3A_283 = arith.constant 3 : i32
      %add3A_284 = arith.addi %mul3A_4, %add3A_283 : i32
      %mul3A_285 = arith.constant 8 : i32
      %mul3A_286 = arith.muli %add3A_284, %mul3A_285 : i32
      %add3A_287 = arith.constant 2048 : i32
      %add3A_288 = arith.addi %add3A_287, %mul3A_286 : i32
      %dma_start3A_289 = arith.constant 112 : i32
      %dma_start3A_290 = arith.constant 0 : i32
      %dma_start3A_291 = tpu.memref_slice %arg8[%dma_start3A_289, %dma_start3A_290] : memref<128x129xf32, #tpu.memory_space<vmem>> -> memref<8x128xf32, #tpu.memory_space<vmem>>
      %dma_start3A_292 = arith.constant 0 : i32
      %dma_start3A_293 = tpu.memref_slice %arg4[%add3A_41, %add3A_288, %dma_start3A_292] : memref<50x4096x128xf32, #tpu.memory_space<hbm>> -> memref<1x8x128xf32, #tpu.memory_space<hbm>>
      %dma_start3A_294 = tpu.memref_squeeze %dma_start3A_293 : memref<1x8x128xf32, #tpu.memory_space<hbm>> -> memref<8x128xf32, #tpu.memory_space<hbm>>
      %dma_start3A_295 = arith.constant 0 : i32
      %dma_start3A_296 = tpu.memref_slice %arg4[%add3A_41, %add3A_288, %dma_start3A_295] : memref<50x4096x128xf32, #tpu.memory_space<hbm>> -> memref<1x8x128xf32, #tpu.memory_space<hbm>>
      %dma_start3A_297 = tpu.memref_squeeze %dma_start3A_296 : memref<1x8x128xf32, #tpu.memory_space<hbm>> -> memref<8x128xf32, #tpu.memory_space<hbm>>
      %dma_start3A_298 = arith.constant 112 : i32
      %dma_start3A_299 = arith.constant 0 : i32
      %dma_start3A_300 = tpu.memref_slice %arg8[%dma_start3A_298, %dma_start3A_299] : memref<128x129xf32, #tpu.memory_space<vmem>> -> memref<8x128xf32, #tpu.memory_space<vmem>>
      tpu.enqueue_dma source(%dma_start3A_300 : memref<8x128xf32, #tpu.memory_space<vmem>>) target(%dma_start3A_297 : memref<8x128xf32, #tpu.memory_space<hbm>>) target_semaphore(%arg12 : memref<!tpu.dma_semaphore, #tpu.memory_space<semaphore_mem>>)
      %add3A_301 = arith.constant 0 : i32
      %add3A_302 = arith.addi %mul3A_4, %add3A_301 : i32
      %mul3A_303 = arith.constant 8 : i32
      %mul3A_304 = arith.muli %add3A_302, %mul3A_303 : i32
      %add3A_305 = arith.constant 3072 : i32
      %add3A_306 = arith.addi %add3A_305, %mul3A_304 : i32
      %dma_start3A_307 = arith.constant 24 : i32
      %dma_start3A_308 = arith.constant 0 : i32
      %dma_start3A_309 = tpu.memref_slice %arg8[%dma_start3A_307, %dma_start3A_308] : memref<128x129xf32, #tpu.memory_space<vmem>> -> memref<8x128xf32, #tpu.memory_space<vmem>>
      %dma_start3A_310 = arith.constant 0 : i32
      %dma_start3A_311 = tpu.memref_slice %arg4[%add3A_41, %add3A_306, %dma_start3A_310] : memref<50x4096x128xf32, #tpu.memory_space<hbm>> -> memref<1x8x128xf32, #tpu.memory_space<hbm>>
      %dma_start3A_312 = tpu.memref_squeeze %dma_start3A_311 : memref<1x8x128xf32, #tpu.memory_space<hbm>> -> memref<8x128xf32, #tpu.memory_space<hbm>>
      %dma_start3A_313 = arith.constant 0 : i32
      %dma_start3A_314 = tpu.memref_slice %arg4[%add3A_41, %add3A_306, %dma_start3A_313] : memref<50x4096x128xf32, #tpu.memory_space<hbm>> -> memref<1x8x128xf32, #tpu.memory_space<hbm>>
      %dma_start3A_315 = tpu.memref_squeeze %dma_start3A_314 : memref<1x8x128xf32, #tpu.memory_space<hbm>> -> memref<8x128xf32, #tpu.memory_space<hbm>>
      %dma_start3A_316 = arith.constant 24 : i32
      %dma_start3A_317 = arith.constant 0 : i32
      %dma_start3A_318 = tpu.memref_slice %arg8[%dma_start3A_316, %dma_start3A_317] : memref<128x129xf32, #tpu.memory_space<vmem>> -> memref<8x128xf32, #tpu.memory_space<vmem>>
      tpu.enqueue_dma source(%dma_start3A_318 : memref<8x128xf32, #tpu.memory_space<vmem>>) target(%dma_start3A_315 : memref<8x128xf32, #tpu.memory_space<hbm>>) target_semaphore(%arg12 : memref<!tpu.dma_semaphore, #tpu.memory_space<semaphore_mem>>)
      %add3A_319 = arith.constant 1 : i32
      %add3A_320 = arith.addi %mul3A_4, %add3A_319 : i32
      %mul3A_321 = arith.constant 8 : i32
      %mul3A_322 = arith.muli %add3A_320, %mul3A_321 : i32
      %add3A_323 = arith.constant 3072 : i32
      %add3A_324 = arith.addi %add3A_323, %mul3A_322 : i32
      %dma_start3A_325 = arith.constant 56 : i32
      %dma_start3A_326 = arith.constant 0 : i32
      %dma_start3A_327 = tpu.memref_slice %arg8[%dma_start3A_325, %dma_start3A_326] : memref<128x129xf32, #tpu.memory_space<vmem>> -> memref<8x128xf32, #tpu.memory_space<vmem>>
      %dma_start3A_328 = arith.constant 0 : i32
      %dma_start3A_329 = tpu.memref_slice %arg4[%add3A_41, %add3A_324, %dma_start3A_328] : memref<50x4096x128xf32, #tpu.memory_space<hbm>> -> memref<1x8x128xf32, #tpu.memory_space<hbm>>
      %dma_start3A_330 = tpu.memref_squeeze %dma_start3A_329 : memref<1x8x128xf32, #tpu.memory_space<hbm>> -> memref<8x128xf32, #tpu.memory_space<hbm>>
      %dma_start3A_331 = arith.constant 0 : i32
      %dma_start3A_332 = tpu.memref_slice %arg4[%add3A_41, %add3A_324, %dma_start3A_331] : memref<50x4096x128xf32, #tpu.memory_space<hbm>> -> memref<1x8x128xf32, #tpu.memory_space<hbm>>
      %dma_start3A_333 = tpu.memref_squeeze %dma_start3A_332 : memref<1x8x128xf32, #tpu.memory_space<hbm>> -> memref<8x128xf32, #tpu.memory_space<hbm>>
      %dma_start3A_334 = arith.constant 56 : i32
      %dma_start3A_335 = arith.constant 0 : i32
      %dma_start3A_336 = tpu.memref_slice %arg8[%dma_start3A_334, %dma_start3A_335] : memref<128x129xf32, #tpu.memory_space<vmem>> -> memref<8x128xf32, #tpu.memory_space<vmem>>
      tpu.enqueue_dma source(%dma_start3A_336 : memref<8x128xf32, #tpu.memory_space<vmem>>) target(%dma_start3A_333 : memref<8x128xf32, #tpu.memory_space<hbm>>) target_semaphore(%arg12 : memref<!tpu.dma_semaphore, #tpu.memory_space<semaphore_mem>>)
      %add3A_337 = arith.constant 2 : i32
      %add3A_338 = arith.addi %mul3A_4, %add3A_337 : i32
      %mul3A_339 = arith.constant 8 : i32
      %mul3A_340 = arith.muli %add3A_338, %mul3A_339 : i32
      %add3A_341 = arith.constant 3072 : i32
      %add3A_342 = arith.addi %add3A_341, %mul3A_340 : i32
      %dma_start3A_343 = arith.constant 88 : i32
      %dma_start3A_344 = arith.constant 0 : i32
      %dma_start3A_345 = tpu.memref_slice %arg8[%dma_start3A_343, %dma_start3A_344] : memref<128x129xf32, #tpu.memory_space<vmem>> -> memref<8x128xf32, #tpu.memory_space<vmem>>
      %dma_start3A_346 = arith.constant 0 : i32
      %dma_start3A_347 = tpu.memref_slice %arg4[%add3A_41, %add3A_342, %dma_start3A_346] : memref<50x4096x128xf32, #tpu.memory_space<hbm>> -> memref<1x8x128xf32, #tpu.memory_space<hbm>>
      %dma_start3A_348 = tpu.memref_squeeze %dma_start3A_347 : memref<1x8x128xf32, #tpu.memory_space<hbm>> -> memref<8x128xf32, #tpu.memory_space<hbm>>
      %dma_start3A_349 = arith.constant 0 : i32
      %dma_start3A_350 = tpu.memref_slice %arg4[%add3A_41, %add3A_342, %dma_start3A_349] : memref<50x4096x128xf32, #tpu.memory_space<hbm>> -> memref<1x8x128xf32, #tpu.memory_space<hbm>>
      %dma_start3A_351 = tpu.memref_squeeze %dma_start3A_350 : memref<1x8x128xf32, #tpu.memory_space<hbm>> -> memref<8x128xf32, #tpu.memory_space<hbm>>
      %dma_start3A_352 = arith.constant 88 : i32
      %dma_start3A_353 = arith.constant 0 : i32
      %dma_start3A_354 = tpu.memref_slice %arg8[%dma_start3A_352, %dma_start3A_353] : memref<128x129xf32, #tpu.memory_space<vmem>> -> memref<8x128xf32, #tpu.memory_space<vmem>>
      tpu.enqueue_dma source(%dma_start3A_354 : memref<8x128xf32, #tpu.memory_space<vmem>>) target(%dma_start3A_351 : memref<8x128xf32, #tpu.memory_space<hbm>>) target_semaphore(%arg12 : memref<!tpu.dma_semaphore, #tpu.memory_space<semaphore_mem>>)
      %add3A_355 = arith.constant 3 : i32
      %add3A_356 = arith.addi %mul3A_4, %add3A_355 : i32
      %mul3A_357 = arith.constant 8 : i32
      %mul3A_358 = arith.muli %add3A_356, %mul3A_357 : i32
      %add3A_359 = arith.constant 3072 : i32
      %add3A_360 = arith.addi %add3A_359, %mul3A_358 : i32
      %dma_start3A_361 = arith.constant 120 : i32
      %dma_start3A_362 = arith.constant 0 : i32
      %dma_start3A_363 = tpu.memref_slice %arg8[%dma_start3A_361, %dma_start3A_362] : memref<128x129xf32, #tpu.memory_space<vmem>> -> memref<8x128xf32, #tpu.memory_space<vmem>>
      %dma_start3A_364 = arith.constant 0 : i32
      %dma_start3A_365 = tpu.memref_slice %arg4[%add3A_41, %add3A_360, %dma_start3A_364] : memref<50x4096x128xf32, #tpu.memory_space<hbm>> -> memref<1x8x128xf32, #tpu.memory_space<hbm>>
      %dma_start3A_366 = tpu.memref_squeeze %dma_start3A_365 : memref<1x8x128xf32, #tpu.memory_space<hbm>> -> memref<8x128xf32, #tpu.memory_space<hbm>>
      %dma_start3A_367 = arith.constant 0 : i32
      %dma_start3A_368 = tpu.memref_slice %arg4[%add3A_41, %add3A_360, %dma_start3A_367] : memref<50x4096x128xf32, #tpu.memory_space<hbm>> -> memref<1x8x128xf32, #tpu.memory_space<hbm>>
      %dma_start3A_369 = tpu.memref_squeeze %dma_start3A_368 : memref<1x8x128xf32, #tpu.memory_space<hbm>> -> memref<8x128xf32, #tpu.memory_space<hbm>>
      %dma_start3A_370 = arith.constant 120 : i32
      %dma_start3A_371 = arith.constant 0 : i32
      %dma_start3A_372 = tpu.memref_slice %arg8[%dma_start3A_370, %dma_start3A_371] : memref<128x129xf32, #tpu.memory_space<vmem>> -> memref<8x128xf32, #tpu.memory_space<vmem>>
      tpu.enqueue_dma source(%dma_start3A_372 : memref<8x128xf32, #tpu.memory_space<vmem>>) target(%dma_start3A_369 : memref<8x128xf32, #tpu.memory_space<hbm>>) target_semaphore(%arg12 : memref<!tpu.dma_semaphore, #tpu.memory_space<semaphore_mem>>)
      %add3A_373 = arith.constant 2 : i32
      %add3A_374 = arith.addi %add3A_41, %add3A_373 : i32
      %lt3A = arith.constant 50 : i32
      %lt3A_375 = arith.cmpi slt, %add3A_374, %lt3A : i32
      %convert_element_type3A_376 = arith.extui %lt3A_375 : i1 to i32
      %cond3A_377 = arith.constant 0 : i32
      %cond3A_378 = arith.cmpi ne, %convert_element_type3A_376, %cond3A_377 : i32
      scf.if %cond3A_378 {
        %add3A_725 = arith.constant 2 : i32
        %add3A_726 = arith.addi %add3A_41, %add3A_725 : i32
        %dma_start3A_727 = arith.constant 0 : i32
        %dma_start3A_728 = tpu.memref_slice %arg5[%add3A_726, %dma_start3A_727] : memref<50x512xi32, #tpu.memory_space<vmem>> -> memref<1x512xi32, #tpu.memory_space<vmem>>
        %dma_start3A_729 = tpu.memref_squeeze %dma_start3A_728 : memref<1x512xi32, #tpu.memory_space<vmem>> -> memref<512xi32, #tpu.memory_space<vmem>>
        %dma_start3A_730 = arith.constant 0 : i32
        %dma_start3A_731 = arith.constant 0 : i32
        %dma_start3A_732 = tpu.memref_slice %arg3[%dma_start3A_730, %dma_start3A_731] : memref<1000000x32xf32, #tpu.memory_space<hbm>> -> memref<1000000x32xf32, #tpu.memory_space<hbm>>
        tpu.enqueue_indirect_dma source(%dma_start3A_732 : memref<1000000x32xf32, #tpu.memory_space<hbm>>) target(%arg6 : memref<512x32xf32, #tpu.memory_space<vmem>>) offsets(%dma_start3A_729 : memref<512xi32, #tpu.memory_space<vmem>>) semaphore(%arg10 : memref<!tpu.dma_semaphore, #tpu.memory_space<semaphore_mem>>)
      } else {
      }
      %mul3A_379 = arith.constant 2 : i32
      %mul3A_380 = arith.muli %mul3A_379, %add3A_37 : i32
      %add3A_381 = arith.constant 1 : i32
      %add3A_382 = arith.addi %mul3A_380, %add3A_381 : i32
      %dma_wait3A_383 = arith.constant 0 : i32
      %dma_wait3A_384 = arith.constant 0 : i32
      %dma_wait3A_385 = tpu.memref_slice %arg3[%dma_wait3A_383, %dma_wait3A_384] : memref<1000000x32xf32, #tpu.memory_space<hbm>> -> memref<512x32xf32, #tpu.memory_space<hbm>>
      %dma_wait3A_386 = arith.constant 0 : i32
      %dma_wait3A_387 = arith.constant 0 : i32
      %dma_wait3A_388 = tpu.memref_slice %arg3[%dma_wait3A_386, %dma_wait3A_387] : memref<1000000x32xf32, #tpu.memory_space<hbm>> -> memref<512x32xf32, #tpu.memory_space<hbm>>
      tpu.wait_dma2 semaphore(%arg11 : memref<!tpu.dma_semaphore, #tpu.memory_space<semaphore_mem>>) src(%dma_wait3A_388 : memref<512x32xf32, #tpu.memory_space<hbm>>) dst(%arg6 : memref<512x32xf32, #tpu.memory_space<vmem>>)
      %gt3A_389 = arith.constant 0 : i32
      %gt3A_390 = arith.cmpi sgt, %add3A_37, %gt3A_389 : i32
      %convert_element_type3A_391 = arith.extui %gt3A_390 : i1 to i32
      %cond3A_392 = arith.constant 0 : i32
      %cond3A_393 = arith.cmpi ne, %convert_element_type3A_391, %cond3A_392 : i32
      scf.if %cond3A_393 {
        %dma_wait3A_725 = arith.constant 0 : i32
        %dma_wait3A_726 = arith.constant 0 : i32
        %dma_wait3A_727 = tpu.memref_slice %arg3[%dma_wait3A_725, %dma_wait3A_726] : memref<1000000x32xf32, #tpu.memory_space<hbm>> -> memref<512x32xf32, #tpu.memory_space<hbm>>
        %dma_wait3A_728 = arith.constant 0 : i32
        %dma_wait3A_729 = arith.constant 0 : i32
        %dma_wait3A_730 = tpu.memref_slice %arg3[%dma_wait3A_728, %dma_wait3A_729] : memref<1000000x32xf32, #tpu.memory_space<hbm>> -> memref<512x32xf32, #tpu.memory_space<hbm>>
        tpu.wait_dma2 semaphore(%arg13 : memref<!tpu.dma_semaphore, #tpu.memory_space<semaphore_mem>>) src(%dma_wait3A_730 : memref<512x32xf32, #tpu.memory_space<hbm>>) dst(%arg6 : memref<512x32xf32, #tpu.memory_space<vmem>>)
      } else {
      }
      %add3A_394 = arith.constant 0 : i32
      %add3A_395 = vector.broadcast %add3A_394 : i32 to vector<16xi32>
      %add3A_396 = arith.addi %iota3A, %add3A_395 : vector<16xi32>
      %add3A_397 = arith.constant 16 : i32
      %add3A_398 = vector.broadcast %add3A_397 : i32 to vector<16xi32>
      %add3A_399 = arith.addi %iota3A, %add3A_398 : vector<16xi32>
      %parallel_loop3A_400 = arith.constant 0 : i32
      %parallel_loop3A_401 = arith.constant 128 : i32
      %parallel_loop3A_402 = arith.constant 1 : i32
      scf.for %parallel_loop3A_725 = %parallel_loop3A_400 to %parallel_loop3A_401 step %parallel_loop3A_402  : i32 {
        %parallel_loop3A_726 = arith.constant 0 : i32
        %parallel_loop3A_727 = arith.addi %parallel_loop3A_726, %parallel_loop3A_725 : i32
        %parallel_loop3A_728 = arith.index_cast %parallel_loop3A_727 : i32 to index
        %parallel_loop3A_729 = arith.constant 0 : index
        %parallel_loop3A_730 = tpu.vector_load %arg7[%parallel_loop3A_728, %parallel_loop3A_729] {strides = array<i32>} : memref<512x32xf32, #tpu.memory_space<vmem>>, vector<16xf32>,
        %parallel_loop3A_731 = arith.constant 0 : i32
        %parallel_loop3A_732 = arith.addi %parallel_loop3A_731, %parallel_loop3A_725 : i32
        %parallel_loop3A_733 = arith.index_cast %parallel_loop3A_732 : i32 to index
        %parallel_loop3A_734 = arith.constant 16 : index
        %parallel_loop3A_735 = tpu.vector_load %arg7[%parallel_loop3A_733, %parallel_loop3A_734] {strides = array<i32>} : memref<512x32xf32, #tpu.memory_space<vmem>>, vector<16xf32>,
        %parallel_loop3A_736 = vector.broadcast %parallel_loop3A_725 : i32 to vector<16xi32>
        tpu.vector_store_idx %arg9[%add3A_396, %parallel_loop3A_736], %parallel_loop3A_730 : memref<128x129xf32, #tpu.memory_space<vmem>>[vector<16xi32>, vector<16xi32>], vector<16xf32>,
        tpu.vector_store_idx %arg9[%add3A_399, %parallel_loop3A_736], %parallel_loop3A_735 : memref<128x129xf32, #tpu.memory_space<vmem>>[vector<16xi32>, vector<16xi32>], vector<16xf32>,
      } {sc.loop_unroll_factor = 4 : i64, sc.parallel_access}
      %add3A_403 = arith.constant 32 : i32
      %add3A_404 = vector.broadcast %add3A_403 : i32 to vector<16xi32>
      %add3A_405 = arith.addi %iota3A, %add3A_404 : vector<16xi32>
      %add3A_406 = arith.constant 48 : i32
      %add3A_407 = vector.broadcast %add3A_406 : i32 to vector<16xi32>
      %add3A_408 = arith.addi %iota3A, %add3A_407 : vector<16xi32>
      %parallel_loop3A_409 = arith.constant 0 : i32
      %parallel_loop3A_410 = arith.constant 128 : i32
      %parallel_loop3A_411 = arith.constant 1 : i32
      scf.for %parallel_loop3A_725 = %parallel_loop3A_409 to %parallel_loop3A_410 step %parallel_loop3A_411  : i32 {
        %parallel_loop3A_726 = arith.constant 128 : i32
        %parallel_loop3A_727 = arith.addi %parallel_loop3A_726, %parallel_loop3A_725 : i32
        %parallel_loop3A_728 = arith.index_cast %parallel_loop3A_727 : i32 to index
        %parallel_loop3A_729 = arith.constant 0 : index
        %parallel_loop3A_730 = tpu.vector_load %arg7[%parallel_loop3A_728, %parallel_loop3A_729] {strides = array<i32>} : memref<512x32xf32, #tpu.memory_space<vmem>>, vector<16xf32>,
        %parallel_loop3A_731 = arith.constant 128 : i32
        %parallel_loop3A_732 = arith.addi %parallel_loop3A_731, %parallel_loop3A_725 : i32
        %parallel_loop3A_733 = arith.index_cast %parallel_loop3A_732 : i32 to index
        %parallel_loop3A_734 = arith.constant 16 : index
        %parallel_loop3A_735 = tpu.vector_load %arg7[%parallel_loop3A_733, %parallel_loop3A_734] {strides = array<i32>} : memref<512x32xf32, #tpu.memory_space<vmem>>, vector<16xf32>,
        %parallel_loop3A_736 = vector.broadcast %parallel_loop3A_725 : i32 to vector<16xi32>
        tpu.vector_store_idx %arg9[%add3A_405, %parallel_loop3A_736], %parallel_loop3A_730 : memref<128x129xf32, #tpu.memory_space<vmem>>[vector<16xi32>, vector<16xi32>], vector<16xf32>,
        tpu.vector_store_idx %arg9[%add3A_408, %parallel_loop3A_736], %parallel_loop3A_735 : memref<128x129xf32, #tpu.memory_space<vmem>>[vector<16xi32>, vector<16xi32>], vector<16xf32>,
      } {sc.loop_unroll_factor = 4 : i64, sc.parallel_access}
      %add3A_412 = arith.constant 64 : i32
      %add3A_413 = vector.broadcast %add3A_412 : i32 to vector<16xi32>
      %add3A_414 = arith.addi %iota3A, %add3A_413 : vector<16xi32>
      %add3A_415 = arith.constant 80 : i32
      %add3A_416 = vector.broadcast %add3A_415 : i32 to vector<16xi32>
      %add3A_417 = arith.addi %iota3A, %add3A_416 : vector<16xi32>
      %parallel_loop3A_418 = arith.constant 0 : i32
      %parallel_loop3A_419 = arith.constant 128 : i32
      %parallel_loop3A_420 = arith.constant 1 : i32
      scf.for %parallel_loop3A_725 = %parallel_loop3A_418 to %parallel_loop3A_419 step %parallel_loop3A_420  : i32 {
        %parallel_loop3A_726 = arith.constant 256 : i32
        %parallel_loop3A_727 = arith.addi %parallel_loop3A_726, %parallel_loop3A_725 : i32
        %parallel_loop3A_728 = arith.index_cast %parallel_loop3A_727 : i32 to index
        %parallel_loop3A_729 = arith.constant 0 : index
        %parallel_loop3A_730 = tpu.vector_load %arg7[%parallel_loop3A_728, %parallel_loop3A_729] {strides = array<i32>} : memref<512x32xf32, #tpu.memory_space<vmem>>, vector<16xf32>,
        %parallel_loop3A_731 = arith.constant 256 : i32
        %parallel_loop3A_732 = arith.addi %parallel_loop3A_731, %parallel_loop3A_725 : i32
        %parallel_loop3A_733 = arith.index_cast %parallel_loop3A_732 : i32 to index
        %parallel_loop3A_734 = arith.constant 16 : index
        %parallel_loop3A_735 = tpu.vector_load %arg7[%parallel_loop3A_733, %parallel_loop3A_734] {strides = array<i32>} : memref<512x32xf32, #tpu.memory_space<vmem>>, vector<16xf32>,
        %parallel_loop3A_736 = vector.broadcast %parallel_loop3A_725 : i32 to vector<16xi32>
        tpu.vector_store_idx %arg9[%add3A_414, %parallel_loop3A_736], %parallel_loop3A_730 : memref<128x129xf32, #tpu.memory_space<vmem>>[vector<16xi32>, vector<16xi32>], vector<16xf32>,
        tpu.vector_store_idx %arg9[%add3A_417, %parallel_loop3A_736], %parallel_loop3A_735 : memref<128x129xf32, #tpu.memory_space<vmem>>[vector<16xi32>, vector<16xi32>], vector<16xf32>,
      } {sc.loop_unroll_factor = 4 : i64, sc.parallel_access}
      %add3A_421 = arith.constant 96 : i32
      %add3A_422 = vector.broadcast %add3A_421 : i32 to vector<16xi32>
      %add3A_423 = arith.addi %iota3A, %add3A_422 : vector<16xi32>
      %add3A_424 = arith.constant 112 : i32
      %add3A_425 = vector.broadcast %add3A_424 : i32 to vector<16xi32>
      %add3A_426 = arith.addi %iota3A, %add3A_425 : vector<16xi32>
      %parallel_loop3A_427 = arith.constant 0 : i32
      %parallel_loop3A_428 = arith.constant 128 : i32
      %parallel_loop3A_429 = arith.constant 1 : i32
      scf.for %parallel_loop3A_725 = %parallel_loop3A_427 to %parallel_loop3A_428 step %parallel_loop3A_429  : i32 {
        %parallel_loop3A_726 = arith.constant 384 : i32
        %parallel_loop3A_727 = arith.addi %parallel_loop3A_726, %parallel_loop3A_725 : i32
        %parallel_loop3A_728 = arith.index_cast %parallel_loop3A_727 : i32 to index
        %parallel_loop3A_729 = arith.constant 0 : index
        %parallel_loop3A_730 = tpu.vector_load %arg7[%parallel_loop3A_728, %parallel_loop3A_729] {strides = array<i32>} : memref<512x32xf32, #tpu.memory_space<vmem>>, vector<16xf32>,
        %parallel_loop3A_731 = arith.constant 384 : i32
        %parallel_loop3A_732 = arith.addi %parallel_loop3A_731, %parallel_loop3A_725 : i32
        %parallel_loop3A_733 = arith.index_cast %parallel_loop3A_732 : i32 to index
        %parallel_loop3A_734 = arith.constant 16 : index
        %parallel_loop3A_735 = tpu.vector_load %arg7[%parallel_loop3A_733, %parallel_loop3A_734] {strides = array<i32>} : memref<512x32xf32, #tpu.memory_space<vmem>>, vector<16xf32>,
        %parallel_loop3A_736 = vector.broadcast %parallel_loop3A_725 : i32 to vector<16xi32>
        tpu.vector_store_idx %arg9[%add3A_423, %parallel_loop3A_736], %parallel_loop3A_730 : memref<128x129xf32, #tpu.memory_space<vmem>>[vector<16xi32>, vector<16xi32>], vector<16xf32>,
        tpu.vector_store_idx %arg9[%add3A_426, %parallel_loop3A_736], %parallel_loop3A_735 : memref<128x129xf32, #tpu.memory_space<vmem>>[vector<16xi32>, vector<16xi32>], vector<16xf32>,
      } {sc.loop_unroll_factor = 4 : i64, sc.parallel_access}
      %add3A_430 = arith.constant 0 : i32
      %add3A_431 = arith.addi %mul3A_4, %add3A_430 : i32
      %mul3A_432 = arith.constant 8 : i32
      %mul3A_433 = arith.muli %add3A_431, %mul3A_432 : i32
      %add3A_434 = arith.constant 0 : i32
      %add3A_435 = arith.addi %add3A_434, %mul3A_433 : i32
      %dma_start3A_436 = arith.constant 0 : i32
      %dma_start3A_437 = arith.constant 0 : i32
      %dma_start3A_438 = tpu.memref_slice %arg9[%dma_start3A_436, %dma_start3A_437] : memref<128x129xf32, #tpu.memory_space<vmem>> -> memref<8x128xf32, #tpu.memory_space<vmem>>
      %dma_start3A_439 = arith.constant 0 : i32
      %dma_start3A_440 = tpu.memref_slice %arg4[%add3A_382, %add3A_435, %dma_start3A_439] : memref<50x4096x128xf32, #tpu.memory_space<hbm>> -> memref<1x8x128xf32, #tpu.memory_space<hbm>>
      %dma_start3A_441 = tpu.memref_squeeze %dma_start3A_440 : memref<1x8x128xf32, #tpu.memory_space<hbm>> -> memref<8x128xf32, #tpu.memory_space<hbm>>
      %dma_start3A_442 = arith.constant 0 : i32
      %dma_start3A_443 = tpu.memref_slice %arg4[%add3A_382, %add3A_435, %dma_start3A_442] : memref<50x4096x128xf32, #tpu.memory_space<hbm>> -> memref<1x8x128xf32, #tpu.memory_space<hbm>>
      %dma_start3A_444 = tpu.memref_squeeze %dma_start3A_443 : memref<1x8x128xf32, #tpu.memory_space<hbm>> -> memref<8x128xf32, #tpu.memory_space<hbm>>
      %dma_start3A_445 = arith.constant 0 : i32
      %dma_start3A_446 = arith.constant 0 : i32
      %dma_start3A_447 = tpu.memref_slice %arg9[%dma_start3A_445, %dma_start3A_446] : memref<128x129xf32, #tpu.memory_space<vmem>> -> memref<8x128xf32, #tpu.memory_space<vmem>>
      tpu.enqueue_dma source(%dma_start3A_447 : memref<8x128xf32, #tpu.memory_space<vmem>>) target(%dma_start3A_444 : memref<8x128xf32, #tpu.memory_space<hbm>>) target_semaphore(%arg13 : memref<!tpu.dma_semaphore, #tpu.memory_space<semaphore_mem>>)
      %add3A_448 = arith.constant 1 : i32
      %add3A_449 = arith.addi %mul3A_4, %add3A_448 : i32
      %mul3A_450 = arith.constant 8 : i32
      %mul3A_451 = arith.muli %add3A_449, %mul3A_450 : i32
      %add3A_452 = arith.constant 0 : i32
      %add3A_453 = arith.addi %add3A_452, %mul3A_451 : i32
      %dma_start3A_454 = arith.constant 32 : i32
      %dma_start3A_455 = arith.constant 0 : i32
      %dma_start3A_456 = tpu.memref_slice %arg9[%dma_start3A_454, %dma_start3A_455] : memref<128x129xf32, #tpu.memory_space<vmem>> -> memref<8x128xf32, #tpu.memory_space<vmem>>
      %dma_start3A_457 = arith.constant 0 : i32
      %dma_start3A_458 = tpu.memref_slice %arg4[%add3A_382, %add3A_453, %dma_start3A_457] : memref<50x4096x128xf32, #tpu.memory_space<hbm>> -> memref<1x8x128xf32, #tpu.memory_space<hbm>>
      %dma_start3A_459 = tpu.memref_squeeze %dma_start3A_458 : memref<1x8x128xf32, #tpu.memory_space<hbm>> -> memref<8x128xf32, #tpu.memory_space<hbm>>
      %dma_start3A_460 = arith.constant 0 : i32
      %dma_start3A_461 = tpu.memref_slice %arg4[%add3A_382, %add3A_453, %dma_start3A_460] : memref<50x4096x128xf32, #tpu.memory_space<hbm>> -> memref<1x8x128xf32, #tpu.memory_space<hbm>>
      %dma_start3A_462 = tpu.memref_squeeze %dma_start3A_461 : memref<1x8x128xf32, #tpu.memory_space<hbm>> -> memref<8x128xf32, #tpu.memory_space<hbm>>
      %dma_start3A_463 = arith.constant 32 : i32
      %dma_start3A_464 = arith.constant 0 : i32
      %dma_start3A_465 = tpu.memref_slice %arg9[%dma_start3A_463, %dma_start3A_464] : memref<128x129xf32, #tpu.memory_space<vmem>> -> memref<8x128xf32, #tpu.memory_space<vmem>>
      tpu.enqueue_dma source(%dma_start3A_465 : memref<8x128xf32, #tpu.memory_space<vmem>>) target(%dma_start3A_462 : memref<8x128xf32, #tpu.memory_space<hbm>>) target_semaphore(%arg13 : memref<!tpu.dma_semaphore, #tpu.memory_space<semaphore_mem>>)
      %add3A_466 = arith.constant 2 : i32
      %add3A_467 = arith.addi %mul3A_4, %add3A_466 : i32
      %mul3A_468 = arith.constant 8 : i32
      %mul3A_469 = arith.muli %add3A_467, %mul3A_468 : i32
      %add3A_470 = arith.constant 0 : i32
      %add3A_471 = arith.addi %add3A_470, %mul3A_469 : i32
      %dma_start3A_472 = arith.constant 64 : i32
      %dma_start3A_473 = arith.constant 0 : i32
      %dma_start3A_474 = tpu.memref_slice %arg9[%dma_start3A_472, %dma_start3A_473] : memref<128x129xf32, #tpu.memory_space<vmem>> -> memref<8x128xf32, #tpu.memory_space<vmem>>
      %dma_start3A_475 = arith.constant 0 : i32
      %dma_start3A_476 = tpu.memref_slice %arg4[%add3A_382, %add3A_471, %dma_start3A_475] : memref<50x4096x128xf32, #tpu.memory_space<hbm>> -> memref<1x8x128xf32, #tpu.memory_space<hbm>>
      %dma_start3A_477 = tpu.memref_squeeze %dma_start3A_476 : memref<1x8x128xf32, #tpu.memory_space<hbm>> -> memref<8x128xf32, #tpu.memory_space<hbm>>
      %dma_start3A_478 = arith.constant 0 : i32
      %dma_start3A_479 = tpu.memref_slice %arg4[%add3A_382, %add3A_471, %dma_start3A_478] : memref<50x4096x128xf32, #tpu.memory_space<hbm>> -> memref<1x8x128xf32, #tpu.memory_space<hbm>>
      %dma_start3A_480 = tpu.memref_squeeze %dma_start3A_479 : memref<1x8x128xf32, #tpu.memory_space<hbm>> -> memref<8x128xf32, #tpu.memory_space<hbm>>
      %dma_start3A_481 = arith.constant 64 : i32
      %dma_start3A_482 = arith.constant 0 : i32
      %dma_start3A_483 = tpu.memref_slice %arg9[%dma_start3A_481, %dma_start3A_482] : memref<128x129xf32, #tpu.memory_space<vmem>> -> memref<8x128xf32, #tpu.memory_space<vmem>>
      tpu.enqueue_dma source(%dma_start3A_483 : memref<8x128xf32, #tpu.memory_space<vmem>>) target(%dma_start3A_480 : memref<8x128xf32, #tpu.memory_space<hbm>>) target_semaphore(%arg13 : memref<!tpu.dma_semaphore, #tpu.memory_space<semaphore_mem>>)
      %add3A_484 = arith.constant 3 : i32
      %add3A_485 = arith.addi %mul3A_4, %add3A_484 : i32
      %mul3A_486 = arith.constant 8 : i32
      %mul3A_487 = arith.muli %add3A_485, %mul3A_486 : i32
      %add3A_488 = arith.constant 0 : i32
      %add3A_489 = arith.addi %add3A_488, %mul3A_487 : i32
      %dma_start3A_490 = arith.constant 96 : i32
      %dma_start3A_491 = arith.constant 0 : i32
      %dma_start3A_492 = tpu.memref_slice %arg9[%dma_start3A_490, %dma_start3A_491] : memref<128x129xf32, #tpu.memory_space<vmem>> -> memref<8x128xf32, #tpu.memory_space<vmem>>
      %dma_start3A_493 = arith.constant 0 : i32
      %dma_start3A_494 = tpu.memref_slice %arg4[%add3A_382, %add3A_489, %dma_start3A_493] : memref<50x4096x128xf32, #tpu.memory_space<hbm>> -> memref<1x8x128xf32, #tpu.memory_space<hbm>>
      %dma_start3A_495 = tpu.memref_squeeze %dma_start3A_494 : memref<1x8x128xf32, #tpu.memory_space<hbm>> -> memref<8x128xf32, #tpu.memory_space<hbm>>
      %dma_start3A_496 = arith.constant 0 : i32
      %dma_start3A_497 = tpu.memref_slice %arg4[%add3A_382, %add3A_489, %dma_start3A_496] : memref<50x4096x128xf32, #tpu.memory_space<hbm>> -> memref<1x8x128xf32, #tpu.memory_space<hbm>>
      %dma_start3A_498 = tpu.memref_squeeze %dma_start3A_497 : memref<1x8x128xf32, #tpu.memory_space<hbm>> -> memref<8x128xf32, #tpu.memory_space<hbm>>
      %dma_start3A_499 = arith.constant 96 : i32
      %dma_start3A_500 = arith.constant 0 : i32
      %dma_start3A_501 = tpu.memref_slice %arg9[%dma_start3A_499, %dma_start3A_500] : memref<128x129xf32, #tpu.memory_space<vmem>> -> memref<8x128xf32, #tpu.memory_space<vmem>>
      tpu.enqueue_dma source(%dma_start3A_501 : memref<8x128xf32, #tpu.memory_space<vmem>>) target(%dma_start3A_498 : memref<8x128xf32, #tpu.memory_space<hbm>>) target_semaphore(%arg13 : memref<!tpu.dma_semaphore, #tpu.memory_space<semaphore_mem>>)
      %add3A_502 = arith.constant 0 : i32
      %add3A_503 = arith.addi %mul3A_4, %add3A_502 : i32
      %mul3A_504 = arith.constant 8 : i32
      %mul3A_505 = arith.muli %add3A_503, %mul3A_504 : i32
      %add3A_506 = arith.constant 1024 : i32
      %add3A_507 = arith.addi %add3A_506, %mul3A_505 : i32
      %dma_start3A_508 = arith.constant 8 : i32
      %dma_start3A_509 = arith.constant 0 : i32
      %dma_start3A_510 = tpu.memref_slice %arg9[%dma_start3A_508, %dma_start3A_509] : memref<128x129xf32, #tpu.memory_space<vmem>> -> memref<8x128xf32, #tpu.memory_space<vmem>>
      %dma_start3A_511 = arith.constant 0 : i32
      %dma_start3A_512 = tpu.memref_slice %arg4[%add3A_382, %add3A_507, %dma_start3A_511] : memref<50x4096x128xf32, #tpu.memory_space<hbm>> -> memref<1x8x128xf32, #tpu.memory_space<hbm>>
      %dma_start3A_513 = tpu.memref_squeeze %dma_start3A_512 : memref<1x8x128xf32, #tpu.memory_space<hbm>> -> memref<8x128xf32, #tpu.memory_space<hbm>>
      %dma_start3A_514 = arith.constant 0 : i32
      %dma_start3A_515 = tpu.memref_slice %arg4[%add3A_382, %add3A_507, %dma_start3A_514] : memref<50x4096x128xf32, #tpu.memory_space<hbm>> -> memref<1x8x128xf32, #tpu.memory_space<hbm>>
      %dma_start3A_516 = tpu.memref_squeeze %dma_start3A_515 : memref<1x8x128xf32, #tpu.memory_space<hbm>> -> memref<8x128xf32, #tpu.memory_space<hbm>>
      %dma_start3A_517 = arith.constant 8 : i32
      %dma_start3A_518 = arith.constant 0 : i32
      %dma_start3A_519 = tpu.memref_slice %arg9[%dma_start3A_517, %dma_start3A_518] : memref<128x129xf32, #tpu.memory_space<vmem>> -> memref<8x128xf32, #tpu.memory_space<vmem>>
      tpu.enqueue_dma source(%dma_start3A_519 : memref<8x128xf32, #tpu.memory_space<vmem>>) target(%dma_start3A_516 : memref<8x128xf32, #tpu.memory_space<hbm>>) target_semaphore(%arg13 : memref<!tpu.dma_semaphore, #tpu.memory_space<semaphore_mem>>)
      %add3A_520 = arith.constant 1 : i32
      %add3A_521 = arith.addi %mul3A_4, %add3A_520 : i32
      %mul3A_522 = arith.constant 8 : i32
      %mul3A_523 = arith.muli %add3A_521, %mul3A_522 : i32
      %add3A_524 = arith.constant 1024 : i32
      %add3A_525 = arith.addi %add3A_524, %mul3A_523 : i32
      %dma_start3A_526 = arith.constant 40 : i32
      %dma_start3A_527 = arith.constant 0 : i32
      %dma_start3A_528 = tpu.memref_slice %arg9[%dma_start3A_526, %dma_start3A_527] : memref<128x129xf32, #tpu.memory_space<vmem>> -> memref<8x128xf32, #tpu.memory_space<vmem>>
      %dma_start3A_529 = arith.constant 0 : i32
      %dma_start3A_530 = tpu.memref_slice %arg4[%add3A_382, %add3A_525, %dma_start3A_529] : memref<50x4096x128xf32, #tpu.memory_space<hbm>> -> memref<1x8x128xf32, #tpu.memory_space<hbm>>
      %dma_start3A_531 = tpu.memref_squeeze %dma_start3A_530 : memref<1x8x128xf32, #tpu.memory_space<hbm>> -> memref<8x128xf32, #tpu.memory_space<hbm>>
      %dma_start3A_532 = arith.constant 0 : i32
      %dma_start3A_533 = tpu.memref_slice %arg4[%add3A_382, %add3A_525, %dma_start3A_532] : memref<50x4096x128xf32, #tpu.memory_space<hbm>> -> memref<1x8x128xf32, #tpu.memory_space<hbm>>
      %dma_start3A_534 = tpu.memref_squeeze %dma_start3A_533 : memref<1x8x128xf32, #tpu.memory_space<hbm>> -> memref<8x128xf32, #tpu.memory_space<hbm>>
      %dma_start3A_535 = arith.constant 40 : i32
      %dma_start3A_536 = arith.constant 0 : i32
      %dma_start3A_537 = tpu.memref_slice %arg9[%dma_start3A_535, %dma_start3A_536] : memref<128x129xf32, #tpu.memory_space<vmem>> -> memref<8x128xf32, #tpu.memory_space<vmem>>
      tpu.enqueue_dma source(%dma_start3A_537 : memref<8x128xf32, #tpu.memory_space<vmem>>) target(%dma_start3A_534 : memref<8x128xf32, #tpu.memory_space<hbm>>) target_semaphore(%arg13 : memref<!tpu.dma_semaphore, #tpu.memory_space<semaphore_mem>>)
      %add3A_538 = arith.constant 2 : i32
      %add3A_539 = arith.addi %mul3A_4, %add3A_538 : i32
      %mul3A_540 = arith.constant 8 : i32
      %mul3A_541 = arith.muli %add3A_539, %mul3A_540 : i32
      %add3A_542 = arith.constant 1024 : i32
      %add3A_543 = arith.addi %add3A_542, %mul3A_541 : i32
      %dma_start3A_544 = arith.constant 72 : i32
      %dma_start3A_545 = arith.constant 0 : i32
      %dma_start3A_546 = tpu.memref_slice %arg9[%dma_start3A_544, %dma_start3A_545] : memref<128x129xf32, #tpu.memory_space<vmem>> -> memref<8x128xf32, #tpu.memory_space<vmem>>
      %dma_start3A_547 = arith.constant 0 : i32
      %dma_start3A_548 = tpu.memref_slice %arg4[%add3A_382, %add3A_543, %dma_start3A_547] : memref<50x4096x128xf32, #tpu.memory_space<hbm>> -> memref<1x8x128xf32, #tpu.memory_space<hbm>>
      %dma_start3A_549 = tpu.memref_squeeze %dma_start3A_548 : memref<1x8x128xf32, #tpu.memory_space<hbm>> -> memref<8x128xf32, #tpu.memory_space<hbm>>
      %dma_start3A_550 = arith.constant 0 : i32
      %dma_start3A_551 = tpu.memref_slice %arg4[%add3A_382, %add3A_543, %dma_start3A_550] : memref<50x4096x128xf32, #tpu.memory_space<hbm>> -> memref<1x8x128xf32, #tpu.memory_space<hbm>>
      %dma_start3A_552 = tpu.memref_squeeze %dma_start3A_551 : memref<1x8x128xf32, #tpu.memory_space<hbm>> -> memref<8x128xf32, #tpu.memory_space<hbm>>
      %dma_start3A_553 = arith.constant 72 : i32
      %dma_start3A_554 = arith.constant 0 : i32
      %dma_start3A_555 = tpu.memref_slice %arg9[%dma_start3A_553, %dma_start3A_554] : memref<128x129xf32, #tpu.memory_space<vmem>> -> memref<8x128xf32, #tpu.memory_space<vmem>>
      tpu.enqueue_dma source(%dma_start3A_555 : memref<8x128xf32, #tpu.memory_space<vmem>>) target(%dma_start3A_552 : memref<8x128xf32, #tpu.memory_space<hbm>>) target_semaphore(%arg13 : memref<!tpu.dma_semaphore, #tpu.memory_space<semaphore_mem>>)
      %add3A_556 = arith.constant 3 : i32
      %add3A_557 = arith.addi %mul3A_4, %add3A_556 : i32
      %mul3A_558 = arith.constant 8 : i32
      %mul3A_559 = arith.muli %add3A_557, %mul3A_558 : i32
      %add3A_560 = arith.constant 1024 : i32
      %add3A_561 = arith.addi %add3A_560, %mul3A_559 : i32
      %dma_start3A_562 = arith.constant 104 : i32
      %dma_start3A_563 = arith.constant 0 : i32
      %dma_start3A_564 = tpu.memref_slice %arg9[%dma_start3A_562, %dma_start3A_563] : memref<128x129xf32, #tpu.memory_space<vmem>> -> memref<8x128xf32, #tpu.memory_space<vmem>>
      %dma_start3A_565 = arith.constant 0 : i32
      %dma_start3A_566 = tpu.memref_slice %arg4[%add3A_382, %add3A_561, %dma_start3A_565] : memref<50x4096x128xf32, #tpu.memory_space<hbm>> -> memref<1x8x128xf32, #tpu.memory_space<hbm>>
      %dma_start3A_567 = tpu.memref_squeeze %dma_start3A_566 : memref<1x8x128xf32, #tpu.memory_space<hbm>> -> memref<8x128xf32, #tpu.memory_space<hbm>>
      %dma_start3A_568 = arith.constant 0 : i32
      %dma_start3A_569 = tpu.memref_slice %arg4[%add3A_382, %add3A_561, %dma_start3A_568] : memref<50x4096x128xf32, #tpu.memory_space<hbm>> -> memref<1x8x128xf32, #tpu.memory_space<hbm>>
      %dma_start3A_570 = tpu.memref_squeeze %dma_start3A_569 : memref<1x8x128xf32, #tpu.memory_space<hbm>> -> memref<8x128xf32, #tpu.memory_space<hbm>>
      %dma_start3A_571 = arith.constant 104 : i32
      %dma_start3A_572 = arith.constant 0 : i32
      %dma_start3A_573 = tpu.memref_slice %arg9[%dma_start3A_571, %dma_start3A_572] : memref<128x129xf32, #tpu.memory_space<vmem>> -> memref<8x128xf32, #tpu.memory_space<vmem>>
      tpu.enqueue_dma source(%dma_start3A_573 : memref<8x128xf32, #tpu.memory_space<vmem>>) target(%dma_start3A_570 : memref<8x128xf32, #tpu.memory_space<hbm>>) target_semaphore(%arg13 : memref<!tpu.dma_semaphore, #tpu.memory_space<semaphore_mem>>)
      %add3A_574 = arith.constant 0 : i32
      %add3A_575 = arith.addi %mul3A_4, %add3A_574 : i32
      %mul3A_576 = arith.constant 8 : i32
      %mul3A_577 = arith.muli %add3A_575, %mul3A_576 : i32
      %add3A_578 = arith.constant 2048 : i32
      %add3A_579 = arith.addi %add3A_578, %mul3A_577 : i32
      %dma_start3A_580 = arith.constant 16 : i32
      %dma_start3A_581 = arith.constant 0 : i32
      %dma_start3A_582 = tpu.memref_slice %arg9[%dma_start3A_580, %dma_start3A_581] : memref<128x129xf32, #tpu.memory_space<vmem>> -> memref<8x128xf32, #tpu.memory_space<vmem>>
      %dma_start3A_583 = arith.constant 0 : i32
      %dma_start3A_584 = tpu.memref_slice %arg4[%add3A_382, %add3A_579, %dma_start3A_583] : memref<50x4096x128xf32, #tpu.memory_space<hbm>> -> memref<1x8x128xf32, #tpu.memory_space<hbm>>
      %dma_start3A_585 = tpu.memref_squeeze %dma_start3A_584 : memref<1x8x128xf32, #tpu.memory_space<hbm>> -> memref<8x128xf32, #tpu.memory_space<hbm>>
      %dma_start3A_586 = arith.constant 0 : i32
      %dma_start3A_587 = tpu.memref_slice %arg4[%add3A_382, %add3A_579, %dma_start3A_586] : memref<50x4096x128xf32, #tpu.memory_space<hbm>> -> memref<1x8x128xf32, #tpu.memory_space<hbm>>
      %dma_start3A_588 = tpu.memref_squeeze %dma_start3A_587 : memref<1x8x128xf32, #tpu.memory_space<hbm>> -> memref<8x128xf32, #tpu.memory_space<hbm>>
      %dma_start3A_589 = arith.constant 16 : i32
      %dma_start3A_590 = arith.constant 0 : i32
      %dma_start3A_591 = tpu.memref_slice %arg9[%dma_start3A_589, %dma_start3A_590] : memref<128x129xf32, #tpu.memory_space<vmem>> -> memref<8x128xf32, #tpu.memory_space<vmem>>
      tpu.enqueue_dma source(%dma_start3A_591 : memref<8x128xf32, #tpu.memory_space<vmem>>) target(%dma_start3A_588 : memref<8x128xf32, #tpu.memory_space<hbm>>) target_semaphore(%arg13 : memref<!tpu.dma_semaphore, #tpu.memory_space<semaphore_mem>>)
      %add3A_592 = arith.constant 1 : i32
      %add3A_593 = arith.addi %mul3A_4, %add3A_592 : i32
      %mul3A_594 = arith.constant 8 : i32
      %mul3A_595 = arith.muli %add3A_593, %mul3A_594 : i32
      %add3A_596 = arith.constant 2048 : i32
      %add3A_597 = arith.addi %add3A_596, %mul3A_595 : i32
      %dma_start3A_598 = arith.constant 48 : i32
      %dma_start3A_599 = arith.constant 0 : i32
      %dma_start3A_600 = tpu.memref_slice %arg9[%dma_start3A_598, %dma_start3A_599] : memref<128x129xf32, #tpu.memory_space<vmem>> -> memref<8x128xf32, #tpu.memory_space<vmem>>
      %dma_start3A_601 = arith.constant 0 : i32
      %dma_start3A_602 = tpu.memref_slice %arg4[%add3A_382, %add3A_597, %dma_start3A_601] : memref<50x4096x128xf32, #tpu.memory_space<hbm>> -> memref<1x8x128xf32, #tpu.memory_space<hbm>>
      %dma_start3A_603 = tpu.memref_squeeze %dma_start3A_602 : memref<1x8x128xf32, #tpu.memory_space<hbm>> -> memref<8x128xf32, #tpu.memory_space<hbm>>
      %dma_start3A_604 = arith.constant 0 : i32
      %dma_start3A_605 = tpu.memref_slice %arg4[%add3A_382, %add3A_597, %dma_start3A_604] : memref<50x4096x128xf32, #tpu.memory_space<hbm>> -> memref<1x8x128xf32, #tpu.memory_space<hbm>>
      %dma_start3A_606 = tpu.memref_squeeze %dma_start3A_605 : memref<1x8x128xf32, #tpu.memory_space<hbm>> -> memref<8x128xf32, #tpu.memory_space<hbm>>
      %dma_start3A_607 = arith.constant 48 : i32
      %dma_start3A_608 = arith.constant 0 : i32
      %dma_start3A_609 = tpu.memref_slice %arg9[%dma_start3A_607, %dma_start3A_608] : memref<128x129xf32, #tpu.memory_space<vmem>> -> memref<8x128xf32, #tpu.memory_space<vmem>>
      tpu.enqueue_dma source(%dma_start3A_609 : memref<8x128xf32, #tpu.memory_space<vmem>>) target(%dma_start3A_606 : memref<8x128xf32, #tpu.memory_space<hbm>>) target_semaphore(%arg13 : memref<!tpu.dma_semaphore, #tpu.memory_space<semaphore_mem>>)
      %add3A_610 = arith.constant 2 : i32
      %add3A_611 = arith.addi %mul3A_4, %add3A_610 : i32
      %mul3A_612 = arith.constant 8 : i32
      %mul3A_613 = arith.muli %add3A_611, %mul3A_612 : i32
      %add3A_614 = arith.constant 2048 : i32
      %add3A_615 = arith.addi %add3A_614, %mul3A_613 : i32
      %dma_start3A_616 = arith.constant 80 : i32
      %dma_start3A_617 = arith.constant 0 : i32
      %dma_start3A_618 = tpu.memref_slice %arg9[%dma_start3A_616, %dma_start3A_617] : memref<128x129xf32, #tpu.memory_space<vmem>> -> memref<8x128xf32, #tpu.memory_space<vmem>>
      %dma_start3A_619 = arith.constant 0 : i32
      %dma_start3A_620 = tpu.memref_slice %arg4[%add3A_382, %add3A_615, %dma_start3A_619] : memref<50x4096x128xf32, #tpu.memory_space<hbm>> -> memref<1x8x128xf32, #tpu.memory_space<hbm>>
      %dma_start3A_621 = tpu.memref_squeeze %dma_start3A_620 : memref<1x8x128xf32, #tpu.memory_space<hbm>> -> memref<8x128xf32, #tpu.memory_space<hbm>>
      %dma_start3A_622 = arith.constant 0 : i32
      %dma_start3A_623 = tpu.memref_slice %arg4[%add3A_382, %add3A_615, %dma_start3A_622] : memref<50x4096x128xf32, #tpu.memory_space<hbm>> -> memref<1x8x128xf32, #tpu.memory_space<hbm>>
      %dma_start3A_624 = tpu.memref_squeeze %dma_start3A_623 : memref<1x8x128xf32, #tpu.memory_space<hbm>> -> memref<8x128xf32, #tpu.memory_space<hbm>>
      %dma_start3A_625 = arith.constant 80 : i32
      %dma_start3A_626 = arith.constant 0 : i32
      %dma_start3A_627 = tpu.memref_slice %arg9[%dma_start3A_625, %dma_start3A_626] : memref<128x129xf32, #tpu.memory_space<vmem>> -> memref<8x128xf32, #tpu.memory_space<vmem>>
      tpu.enqueue_dma source(%dma_start3A_627 : memref<8x128xf32, #tpu.memory_space<vmem>>) target(%dma_start3A_624 : memref<8x128xf32, #tpu.memory_space<hbm>>) target_semaphore(%arg13 : memref<!tpu.dma_semaphore, #tpu.memory_space<semaphore_mem>>)
      %add3A_628 = arith.constant 3 : i32
      %add3A_629 = arith.addi %mul3A_4, %add3A_628 : i32
      %mul3A_630 = arith.constant 8 : i32
      %mul3A_631 = arith.muli %add3A_629, %mul3A_630 : i32
      %add3A_632 = arith.constant 2048 : i32
      %add3A_633 = arith.addi %add3A_632, %mul3A_631 : i32
      %dma_start3A_634 = arith.constant 112 : i32
      %dma_start3A_635 = arith.constant 0 : i32
      %dma_start3A_636 = tpu.memref_slice %arg9[%dma_start3A_634, %dma_start3A_635] : memref<128x129xf32, #tpu.memory_space<vmem>> -> memref<8x128xf32, #tpu.memory_space<vmem>>
      %dma_start3A_637 = arith.constant 0 : i32
      %dma_start3A_638 = tpu.memref_slice %arg4[%add3A_382, %add3A_633, %dma_start3A_637] : memref<50x4096x128xf32, #tpu.memory_space<hbm>> -> memref<1x8x128xf32, #tpu.memory_space<hbm>>
      %dma_start3A_639 = tpu.memref_squeeze %dma_start3A_638 : memref<1x8x128xf32, #tpu.memory_space<hbm>> -> memref<8x128xf32, #tpu.memory_space<hbm>>
      %dma_start3A_640 = arith.constant 0 : i32
      %dma_start3A_641 = tpu.memref_slice %arg4[%add3A_382, %add3A_633, %dma_start3A_640] : memref<50x4096x128xf32, #tpu.memory_space<hbm>> -> memref<1x8x128xf32, #tpu.memory_space<hbm>>
      %dma_start3A_642 = tpu.memref_squeeze %dma_start3A_641 : memref<1x8x128xf32, #tpu.memory_space<hbm>> -> memref<8x128xf32, #tpu.memory_space<hbm>>
      %dma_start3A_643 = arith.constant 112 : i32
      %dma_start3A_644 = arith.constant 0 : i32
      %dma_start3A_645 = tpu.memref_slice %arg9[%dma_start3A_643, %dma_start3A_644] : memref<128x129xf32, #tpu.memory_space<vmem>> -> memref<8x128xf32, #tpu.memory_space<vmem>>
      tpu.enqueue_dma source(%dma_start3A_645 : memref<8x128xf32, #tpu.memory_space<vmem>>) target(%dma_start3A_642 : memref<8x128xf32, #tpu.memory_space<hbm>>) target_semaphore(%arg13 : memref<!tpu.dma_semaphore, #tpu.memory_space<semaphore_mem>>)
      %add3A_646 = arith.constant 0 : i32
      %add3A_647 = arith.addi %mul3A_4, %add3A_646 : i32
      %mul3A_648 = arith.constant 8 : i32
      %mul3A_649 = arith.muli %add3A_647, %mul3A_648 : i32
      %add3A_650 = arith.constant 3072 : i32
      %add3A_651 = arith.addi %add3A_650, %mul3A_649 : i32
      %dma_start3A_652 = arith.constant 24 : i32
      %dma_start3A_653 = arith.constant 0 : i32
      %dma_start3A_654 = tpu.memref_slice %arg9[%dma_start3A_652, %dma_start3A_653] : memref<128x129xf32, #tpu.memory_space<vmem>> -> memref<8x128xf32, #tpu.memory_space<vmem>>
      %dma_start3A_655 = arith.constant 0 : i32
      %dma_start3A_656 = tpu.memref_slice %arg4[%add3A_382, %add3A_651, %dma_start3A_655] : memref<50x4096x128xf32, #tpu.memory_space<hbm>> -> memref<1x8x128xf32, #tpu.memory_space<hbm>>
      %dma_start3A_657 = tpu.memref_squeeze %dma_start3A_656 : memref<1x8x128xf32, #tpu.memory_space<hbm>> -> memref<8x128xf32, #tpu.memory_space<hbm>>
      %dma_start3A_658 = arith.constant 0 : i32
      %dma_start3A_659 = tpu.memref_slice %arg4[%add3A_382, %add3A_651, %dma_start3A_658] : memref<50x4096x128xf32, #tpu.memory_space<hbm>> -> memref<1x8x128xf32, #tpu.memory_space<hbm>>
      %dma_start3A_660 = tpu.memref_squeeze %dma_start3A_659 : memref<1x8x128xf32, #tpu.memory_space<hbm>> -> memref<8x128xf32, #tpu.memory_space<hbm>>
      %dma_start3A_661 = arith.constant 24 : i32
      %dma_start3A_662 = arith.constant 0 : i32
      %dma_start3A_663 = tpu.memref_slice %arg9[%dma_start3A_661, %dma_start3A_662] : memref<128x129xf32, #tpu.memory_space<vmem>> -> memref<8x128xf32, #tpu.memory_space<vmem>>
      tpu.enqueue_dma source(%dma_start3A_663 : memref<8x128xf32, #tpu.memory_space<vmem>>) target(%dma_start3A_660 : memref<8x128xf32, #tpu.memory_space<hbm>>) target_semaphore(%arg13 : memref<!tpu.dma_semaphore, #tpu.memory_space<semaphore_mem>>)
      %add3A_664 = arith.constant 1 : i32
      %add3A_665 = arith.addi %mul3A_4, %add3A_664 : i32
      %mul3A_666 = arith.constant 8 : i32
      %mul3A_667 = arith.muli %add3A_665, %mul3A_666 : i32
      %add3A_668 = arith.constant 3072 : i32
      %add3A_669 = arith.addi %add3A_668, %mul3A_667 : i32
      %dma_start3A_670 = arith.constant 56 : i32
      %dma_start3A_671 = arith.constant 0 : i32
      %dma_start3A_672 = tpu.memref_slice %arg9[%dma_start3A_670, %dma_start3A_671] : memref<128x129xf32, #tpu.memory_space<vmem>> -> memref<8x128xf32, #tpu.memory_space<vmem>>
      %dma_start3A_673 = arith.constant 0 : i32
      %dma_start3A_674 = tpu.memref_slice %arg4[%add3A_382, %add3A_669, %dma_start3A_673] : memref<50x4096x128xf32, #tpu.memory_space<hbm>> -> memref<1x8x128xf32, #tpu.memory_space<hbm>>
      %dma_start3A_675 = tpu.memref_squeeze %dma_start3A_674 : memref<1x8x128xf32, #tpu.memory_space<hbm>> -> memref<8x128xf32, #tpu.memory_space<hbm>>
      %dma_start3A_676 = arith.constant 0 : i32
      %dma_start3A_677 = tpu.memref_slice %arg4[%add3A_382, %add3A_669, %dma_start3A_676] : memref<50x4096x128xf32, #tpu.memory_space<hbm>> -> memref<1x8x128xf32, #tpu.memory_space<hbm>>
      %dma_start3A_678 = tpu.memref_squeeze %dma_start3A_677 : memref<1x8x128xf32, #tpu.memory_space<hbm>> -> memref<8x128xf32, #tpu.memory_space<hbm>>
      %dma_start3A_679 = arith.constant 56 : i32
      %dma_start3A_680 = arith.constant 0 : i32
      %dma_start3A_681 = tpu.memref_slice %arg9[%dma_start3A_679, %dma_start3A_680] : memref<128x129xf32, #tpu.memory_space<vmem>> -> memref<8x128xf32, #tpu.memory_space<vmem>>
      tpu.enqueue_dma source(%dma_start3A_681 : memref<8x128xf32, #tpu.memory_space<vmem>>) target(%dma_start3A_678 : memref<8x128xf32, #tpu.memory_space<hbm>>) target_semaphore(%arg13 : memref<!tpu.dma_semaphore, #tpu.memory_space<semaphore_mem>>)
      %add3A_682 = arith.constant 2 : i32
      %add3A_683 = arith.addi %mul3A_4, %add3A_682 : i32
      %mul3A_684 = arith.constant 8 : i32
      %mul3A_685 = arith.muli %add3A_683, %mul3A_684 : i32
      %add3A_686 = arith.constant 3072 : i32
      %add3A_687 = arith.addi %add3A_686, %mul3A_685 : i32
      %dma_start3A_688 = arith.constant 88 : i32
      %dma_start3A_689 = arith.constant 0 : i32
      %dma_start3A_690 = tpu.memref_slice %arg9[%dma_start3A_688, %dma_start3A_689] : memref<128x129xf32, #tpu.memory_space<vmem>> -> memref<8x128xf32, #tpu.memory_space<vmem>>
      %dma_start3A_691 = arith.constant 0 : i32
      %dma_start3A_692 = tpu.memref_slice %arg4[%add3A_382, %add3A_687, %dma_start3A_691] : memref<50x4096x128xf32, #tpu.memory_space<hbm>> -> memref<1x8x128xf32, #tpu.memory_space<hbm>>
      %dma_start3A_693 = tpu.memref_squeeze %dma_start3A_692 : memref<1x8x128xf32, #tpu.memory_space<hbm>> -> memref<8x128xf32, #tpu.memory_space<hbm>>
      %dma_start3A_694 = arith.constant 0 : i32
      %dma_start3A_695 = tpu.memref_slice %arg4[%add3A_382, %add3A_687, %dma_start3A_694] : memref<50x4096x128xf32, #tpu.memory_space<hbm>> -> memref<1x8x128xf32, #tpu.memory_space<hbm>>
      %dma_start3A_696 = tpu.memref_squeeze %dma_start3A_695 : memref<1x8x128xf32, #tpu.memory_space<hbm>> -> memref<8x128xf32, #tpu.memory_space<hbm>>
      %dma_start3A_697 = arith.constant 88 : i32
      %dma_start3A_698 = arith.constant 0 : i32
      %dma_start3A_699 = tpu.memref_slice %arg9[%dma_start3A_697, %dma_start3A_698] : memref<128x129xf32, #tpu.memory_space<vmem>> -> memref<8x128xf32, #tpu.memory_space<vmem>>
      tpu.enqueue_dma source(%dma_start3A_699 : memref<8x128xf32, #tpu.memory_space<vmem>>) target(%dma_start3A_696 : memref<8x128xf32, #tpu.memory_space<hbm>>) target_semaphore(%arg13 : memref<!tpu.dma_semaphore, #tpu.memory_space<semaphore_mem>>)
      %add3A_700 = arith.constant 3 : i32
      %add3A_701 = arith.addi %mul3A_4, %add3A_700 : i32
      %mul3A_702 = arith.constant 8 : i32
      %mul3A_703 = arith.muli %add3A_701, %mul3A_702 : i32
      %add3A_704 = arith.constant 3072 : i32
      %add3A_705 = arith.addi %add3A_704, %mul3A_703 : i32
      %dma_start3A_706 = arith.constant 120 : i32
      %dma_start3A_707 = arith.constant 0 : i32
      %dma_start3A_708 = tpu.memref_slice %arg9[%dma_start3A_706, %dma_start3A_707] : memref<128x129xf32, #tpu.memory_space<vmem>> -> memref<8x128xf32, #tpu.memory_space<vmem>>
      %dma_start3A_709 = arith.constant 0 : i32
      %dma_start3A_710 = tpu.memref_slice %arg4[%add3A_382, %add3A_705, %dma_start3A_709] : memref<50x4096x128xf32, #tpu.memory_space<hbm>> -> memref<1x8x128xf32, #tpu.memory_space<hbm>>
      %dma_start3A_711 = tpu.memref_squeeze %dma_start3A_710 : memref<1x8x128xf32, #tpu.memory_space<hbm>> -> memref<8x128xf32, #tpu.memory_space<hbm>>
      %dma_start3A_712 = arith.constant 0 : i32
      %dma_start3A_713 = tpu.memref_slice %arg4[%add3A_382, %add3A_705, %dma_start3A_712] : memref<50x4096x128xf32, #tpu.memory_space<hbm>> -> memref<1x8x128xf32, #tpu.memory_space<hbm>>
      %dma_start3A_714 = tpu.memref_squeeze %dma_start3A_713 : memref<1x8x128xf32, #tpu.memory_space<hbm>> -> memref<8x128xf32, #tpu.memory_space<hbm>>
      %dma_start3A_715 = arith.constant 120 : i32
      %dma_start3A_716 = arith.constant 0 : i32
      %dma_start3A_717 = tpu.memref_slice %arg9[%dma_start3A_715, %dma_start3A_716] : memref<128x129xf32, #tpu.memory_space<vmem>> -> memref<8x128xf32, #tpu.memory_space<vmem>>
      tpu.enqueue_dma source(%dma_start3A_717 : memref<8x128xf32, #tpu.memory_space<vmem>>) target(%dma_start3A_714 : memref<8x128xf32, #tpu.memory_space<hbm>>) target_semaphore(%arg13 : memref<!tpu.dma_semaphore, #tpu.memory_space<semaphore_mem>>)
      %add3A_718 = arith.constant 2 : i32
      %add3A_719 = arith.addi %add3A_382, %add3A_718 : i32
      %lt3A_720 = arith.constant 50 : i32
      %lt3A_721 = arith.cmpi slt, %add3A_719, %lt3A_720 : i32
      %convert_element_type3A_722 = arith.extui %lt3A_721 : i1 to i32
      %cond3A_723 = arith.constant 0 : i32
      %cond3A_724 = arith.cmpi ne, %convert_element_type3A_722, %cond3A_723 : i32
      scf.if %cond3A_724 {
        %add3A_725 = arith.constant 2 : i32
        %add3A_726 = arith.addi %add3A_382, %add3A_725 : i32
        %dma_start3A_727 = arith.constant 0 : i32
        %dma_start3A_728 = tpu.memref_slice %arg5[%add3A_726, %dma_start3A_727] : memref<50x512xi32, #tpu.memory_space<vmem>> -> memref<1x512xi32, #tpu.memory_space<vmem>>
        %dma_start3A_729 = tpu.memref_squeeze %dma_start3A_728 : memref<1x512xi32, #tpu.memory_space<vmem>> -> memref<512xi32, #tpu.memory_space<vmem>>
        %dma_start3A_730 = arith.constant 0 : i32
        %dma_start3A_731 = arith.constant 0 : i32
        %dma_start3A_732 = tpu.memref_slice %arg3[%dma_start3A_730, %dma_start3A_731] : memref<1000000x32xf32, #tpu.memory_space<hbm>> -> memref<1000000x32xf32, #tpu.memory_space<hbm>>
        tpu.enqueue_indirect_dma source(%dma_start3A_732 : memref<1000000x32xf32, #tpu.memory_space<hbm>>) target(%arg7 : memref<512x32xf32, #tpu.memory_space<vmem>>) offsets(%dma_start3A_729 : memref<512xi32, #tpu.memory_space<vmem>>) semaphore(%arg11 : memref<!tpu.dma_semaphore, #tpu.memory_space<semaphore_mem>>)
      } else {
      }
    }
    %scan3A_21 = arith.constant 25 : i32
    %dma_wait3A = arith.constant 0 : i32
    %dma_wait3A_22 = arith.constant 0 : i32
    %dma_wait3A_23 = tpu.memref_slice %arg3[%dma_wait3A, %dma_wait3A_22] : memref<1000000x32xf32, #tpu.memory_space<hbm>> -> memref<512x32xf32, #tpu.memory_space<hbm>>
    %dma_wait3A_24 = arith.constant 0 : i32
    %dma_wait3A_25 = arith.constant 0 : i32
    %dma_wait3A_26 = tpu.memref_slice %arg3[%dma_wait3A_24, %dma_wait3A_25] : memref<1000000x32xf32, #tpu.memory_space<hbm>> -> memref<512x32xf32, #tpu.memory_space<hbm>>
    tpu.wait_dma2 semaphore(%arg12 : memref<!tpu.dma_semaphore, #tpu.memory_space<semaphore_mem>>) src(%dma_wait3A_26 : memref<512x32xf32, #tpu.memory_space<hbm>>) dst(%arg6 : memref<512x32xf32, #tpu.memory_space<vmem>>)
    %dma_wait3A_27 = arith.constant 0 : i32
    %dma_wait3A_28 = arith.constant 0 : i32
    %dma_wait3A_29 = tpu.memref_slice %arg3[%dma_wait3A_27, %dma_wait3A_28] : memref<1000000x32xf32, #tpu.memory_space<hbm>> -> memref<512x32xf32, #tpu.memory_space<hbm>>
    %dma_wait3A_30 = arith.constant 0 : i32
    %dma_wait3A_31 = arith.constant 0 : i32
    %dma_wait3A_32 = tpu.memref_slice %arg3[%dma_wait3A_30, %dma_wait3A_31] : memref<1000000x32xf32, #tpu.memory_space<hbm>> -> memref<512x32xf32, #tpu.memory_space<hbm>>
    tpu.wait_dma2 semaphore(%arg13 : memref<!tpu.dma_semaphore, #tpu.memory_space<semaphore_mem>>) src(%dma_wait3A_32 : memref<512x32xf32, #tpu.memory_space<hbm>>) dst(%arg6 : memref<512x32xf32, #tpu.memory_space<vmem>>)
    return
  }
}

</mosaic_0001>

<sc_bundles>
// kernel: kernel.3.cloned.1.call-start
scs
__scs_entry_jumppad:
0x0: {  	(pc) =	sbr.rel $0x88, $3  }
0x1: {  	(tag) =	ssettag $0x0;
	lr =	simm.s32 $0x1  }
0x2: {  	[smem:$0x3F9F] =	sst lr;
	_ =	strace $0xD0000000  }
0x3: {  	_ = 	snop  }
0x4: {  	_ = 	snop  }
0x5: {  	_ = 	snop  }
0x6: {  	_ = 	snop  }
0x7: {  	_ = 	snop  }
__scs_overlays_trampoline_lowered:
0x8: {  	[smem:$0x3FAE] =	sst s0  }
0x9: {  	[smem:$0x3FAF] =	sst s1  }
0xa: {  	[smem:$0x3FB0] =	sst s2  }
0xb: {  	[smem:$0x3FB1] =	sst s3  }
0xc: {  	[smem:$0x3FB2] =	sst s4  }
0xd: {  	[smem:$0x3FB3] =	sst s5  }
0xe: {  	[smem:$0x3FB4] =	sst s6  }
0xf: {  	[smem:$0x3FB5] =	sst s7  }
0x10: {  	[smem:$0x3FB6] =	sst s8  }
0x11: {  	[smem:$0x3FB7] =	sst s9;
	s0 =	simm.s32 @!p0 $0x0  }
0x12: {  	s1 =	sld [smem:$0x3F9D];
	s0 =	simm.s32 @p0 $0x1  }
0x13: {  	[smem:$0x3FB8] =	sst s0;
	s0 =	simm.s32 @!p1 $0x0  }
0x14: {  	s2 =	sld [smem:$0x3F9C];
	s0 =	simm.s32 @p1 $0x1  }
0x15: {  	[smem:$0x3FB9] =	sst s0;
	s0 =	simm.s32 @!p2 $0x0  }
0x16: {  	s3 =	sld [smem:$0x3FDB];
	s0 =	simm.s32 @p2 $0x1  }
0x17: {  	s4 =	simm.s32 $0x1BF5;
	[smem:$0x3FBB] =	sst s0  }
0x18: {  	s0 =	sld [smem:$0x3F9E];
	_ =	swait.ge [sflag:s4], $0x0  }
0x19: {  	s7 =	sld [smem:$0x3F9F]  }
0x1a: {  	s8 =	sadd.s32 $0xFFFFE003, lr  }
0x1b: {  	s9 =	sadd.s32 $0xFFFFFEF7, lr;
	s5 =	simm.s32 $0xFFFFFFFF;
	p2 =	slt.u32 s8, $0xFFFFF086  }
0x1c: {  	p1 =	slt.u32 s9, $0xF7A;
	s5 =	simm.s32 @!p2 $0x0  }
0x1d: {  	s5 =	simm.s32 @p1 $0x1;
	p0 =	seq.s32 s7, s2  }
0x1e: {  	s7 =	smul.u32 @!p0 $0xF7A, s2;
	p2 =	seq.s32 @!p0 s5, $0x0  }
0x1f: {  	s9 =	smul.u32 $0xF7A, s1;
	s8 =	simm.s32 @!p0 $0x1BF5;
	p2 =	por !p2, p0  }
0x20: {  	[sflag:s8] =	ssyncset.s32 @!p0 $0xFFFFF086;
	s6 =	sadd.s32 @!p0 s3, s7;
	s7 =	simm.s32 @!p0 $0x108  }
0x21: {  	s3 =	sadd.s32 s3, s9;
	s6 =	sadd.s32 @!p0 $0x88, s6;
	s7 =	simm.s32 @p2 $0x1082  }
0x22: {  	[simem:s7], [sflag:s8] =	dma.local @!p0 [hbm:s6], $0xF7A  }
0x23: {  	s9 =	sor.u32 $0xD0000000, s2;
	s6 =	simm.s32 $0x108;
	_ =	swait.ge @!p0 [sflag:s8], $0x0  }
0x24: {  	s3 =	sadd.s32 $0x88, s3;
	s6 =	simm.s32 @!p1 $0x1082;
	[sflag:s4] =	ssyncset.s32 $0xFFFFF086  }
0x25: {  	[simem:s6], [sflag:s4] =	dma.local [hbm:s3], $0xF7A  }
0x26: {  	[smem:$0x3F9F] =	sst s1;
	(tag) =	ssettag s2;
	_ =	strace s9  }
0x27: {  	s1 =	sld [smem:$0x3FAF]  }
0x28: {  	s2 =	sld [smem:$0x3FB0]  }
0x29: {  	s4 =	sld [smem:$0x3FB2]  }
0x2a: {  	p0 =	seq.s32 s5, $0x0;
	s5 =	sld [smem:$0x3FB3]  }
0x2b: {  	s6 =	sld [smem:$0x3FB4]  }
0x2c: {  	s7 =	sld [smem:$0x3FB5]  }
0x2d: {  	s3 =	simm.s32 $0x108;
	s8 =	sld [smem:$0x3FB6]  }
0x2e: {  	s3 =	simm.s32 @!p0 $0x1082;
	s9 =	sld [smem:$0x3FB7]  }
0x2f: {  	lr =	sadd.s32 s0, s3;
	s0 =	sld [smem:$0x3FAE]  }
0x30: {  	s3 =	sld [smem:$0x3FB1]  }
0x31: {  	[smem:$0x3FBA] =	sst s10  }
0x32: {  	s10 =	sld [smem:$0x3FB8];
	_ =	sdelay $0x3  }
0x33: {  	p0 =	seq.s32 s10, $0x1;
	s10 =	sld [smem:$0x3FBA];
	_ =	sdelay $0x3  }
0x34: {  	[smem:$0x3FBA] =	sst s10  }
0x35: {  	s10 =	sld [smem:$0x3FB9];
	_ =	sdelay $0x3  }
0x36: {  	p1 =	seq.s32 s10, $0x1;
	s10 =	sld [smem:$0x3FBA];
	_ =	sdelay $0x3  }
0x37: {  	[smem:$0x3FBA] =	sst s10  }
0x38: {  	s10 =	sld [smem:$0x3FBB]  }
0x39: {  	_ = 	snop;
	(pc) =	sbr.ind lr, $3  }
0x3a: {  	_ = 	snop  }
0x3b: {  	_ = 	snop  }
0x3c: {  	p2 =	seq.s32 s10, $0x1;
	s10 =	sld [smem:$0x3FBA]  }
0x3d: {  	_ =	shalt  }
0x3e: {  	_ =	shalt  }
0x3f: {  	_ =	shalt  }
0x40: {  	_ =	shalt  }
0x41: {  	_ =	shalt  }
0x42: {  	_ =	shalt  }
0x43: {  	_ =	shalt  }
0x44: {  	_ =	shalt  }
0x45: {  	_ =	shalt  }
0x46: {  	_ =	shalt  }
0x47: {  	_ =	shalt  }
0x48: {  	_ =	shalt  }
0x49: {  	_ =	shalt  }
0x4a: {  	_ =	shalt  }
0x4b: {  	_ =	shalt  }
0x4c: {  	_ =	shalt  }
0x4d: {  	_ =	shalt  }
0x4e: {  	_ =	shalt  }
0x4f: {  	_ =	shalt  }
0x50: {  	_ =	shalt  }
0x51: {  	_ =	shalt  }
0x52: {  	_ =	shalt  }
0x53: {  	_ =	shalt  }
0x54: {  	_ =	shalt  }
0x55: {  	_ =	shalt  }
0x56: {  	_ =	shalt  }
0x57: {  	_ =	shalt  }
0x58: {  	_ =	shalt  }
0x59: {  	_ =	shalt  }
0x5a: {  	_ =	shalt  }
0x5b: {  	_ =	shalt  }
0x5c: {  	_ =	shalt  }
0x5d: {  	_ =	shalt  }
0x5e: {  	_ =	shalt  }
0x5f: {  	_ =	shalt  }
0x60: {  	_ =	shalt  }
0x61: {  	_ =	shalt  }
0x62: {  	_ =	shalt  }
0x63: {  	_ =	shalt  }
0x64: {  	_ =	shalt  }
0x65: {  	_ =	shalt  }
0x66: {  	_ =	shalt  }
0x67: {  	_ =	shalt  }
0x68: {  	_ =	shalt  }
0x69: {  	_ =	shalt  }
0x6a: {  	_ =	shalt  }
0x6b: {  	_ =	shalt  }
0x6c: {  	_ =	shalt  }
0x6d: {  	_ =	shalt  }
0x6e: {  	_ =	shalt  }
0x6f: {  	_ =	shalt  }
0x70: {  	_ =	shalt  }
0x71: {  	_ =	shalt  }
0x72: {  	_ =	shalt  }
0x73: {  	_ =	shalt  }
0x74: {  	_ =	shalt  }
0x75: {  	_ =	shalt  }
0x76: {  	_ =	shalt  }
0x77: {  	_ =	shalt  }
0x78: {  	_ =	shalt  }
0x79: {  	_ =	shalt  }
0x7a: {  	_ =	shalt  }
0x7b: {  	_ =	shalt  }
0x7c: {  	_ =	shalt  }
0x7d: {  	_ =	shalt  }
0x7e: {  	_ =	shalt  }
0x7f: {  	_ =	shalt  }
0x80: {  	_ =	shalt  }
0x81: {  	_ =	shalt  }
0x82: {  	_ =	shalt  }
0x83: {  	_ =	shalt  }
0x84: {  	_ =	shalt  }
0x85: {  	_ =	shalt  }
0x86: {  	_ =	shalt  }
0x87: {  	_ =	shalt  }
.Lfunc_end0:
.L_simem_size_0:
called_computation_lowered:
.L_overlay_start_0:
0x88: {  	s2 =	sld [smem:$0x3FD9]  }
0x89: {  	s3 =	sld [smem:$0x3FFE];
	_ =	sdelay $0x1  }
0x8a: {  	s1 =	srdreg.scid  }
0x8b: {  	s0 =	sand.u32 $0x1, s1  }
0x8c: {  	s17 =	sshll.u32 s0, $0xA;
	s2 =	sadd.s32 s3, s2  }
0x8d: {  	s2 =	sadd.s32 s2, s17  }
0x8e: {  	[smem:$0x3FC6] =	sst s2  }
0x8f: {  	_ = 	snop  }
0x90: {  	s2 =	sld [smem:$0x3FD0];
	(tm) =	ssettm $0x1  }
0x91: {  	s18 =	sld [smem:$0x3FFB];
	_ =	sdelay $0x3  }
0x92: {  	_ =	strace s18  }
0x93: {  	s3 =	sld [smem:$0x3FFC];
	_ =	sdelay $0x3  }
0x94: {  	_ =	strace s3  }
0x95: {  	s3 =	sld [smem:$0x3FFD];
	_ =	sdelay $0x3  }
0x96: {  	_ =	strace s3  }
0x97: {  	_ =	strace $0x8FFFFFFF  }
0x98: {  	s19 =	sld [smem:$0x3FDB];
	_ =	sdelay $0x1  }
0x99: {  	s4 =	simm.s32 $_scs_section_size  }
0x9a: {  	s5 =	simm.s32 $_size__tile_overlayer_lowered;
	s6 =	simm.s32 $_tile_overlayer_lowered  }
0x9b: {  	s22 =	simm.s32 $0x1BFF;
	s21 =	sshll.u32 s6, $0x1;
	s3 =	sadd.s32 s4, s19  }
0x9c: {  	s7 =	simm.s32 $0x0;
	s20 =	sshll.u32 s5, $0x1;
	s5 =	sadd.s32 s21, s3  }
0x9d: {  	[timem:s7], [sflag:s22] =	dma.local [hbm:s5], s20  }
0x9e: {  	_ =	swait.ge [sflag:s22], s20  }
0x9f: {  	s4 =	ssub.s32 $0x0, s20;
	[sflag:s22] =	ssyncset.done $0x0  }
0xa0: {  	[sflag:s22] =	ssyncadd.s32 s4;
	_ =	sdelay $0x1  }
0xa1: {  	s23 =	simm.s32 $0x1B8B  }
0xa2: {  	_ =	swait.ge [sflag:s23], $0x1  }
0xa3: {  	[sflag:s23] =	ssyncset.done $0x0  }
0xa4: {  	s25 =	simm.s32 $0x1B8E;
	s24 =	sld [smem:$0x3FFE];
	[sflag:s23] =	ssyncadd.s32 $0xFFFFFFFF  }
0xa5: {  	s26 =	simm.s32 $execute0_lowered;
	[smem:$0x3FD2] =	sst s25  }
0xa6: {  	s5 =	sshll.u32 s26, $0x1;
	_ =	strace $0x80000046;
	[dreg:$0x1] =	wrdreg $0xFFFFFFFF  }
0xa7: {  	s28 =	simm.s32 $_size_execute0_lowered;
	s3 =	sadd.s32 s3, s5;
	[dreg:$0x0] =	wrdreg $0x0  }
0xa8: {  	s5 =	sshll.u32 s28, $0x1;
	[dreg:$0x2] =	wrdreg s3  }
0xa9: {  	[dreg:$0x3] =	wrdreg s5  }
0xaa: {  	[dreg:$0x4] =	wrdreg $0xC0  }
0xab: {  	_ =	task [dreg:s7], $0x5FFFF  }
0xac: {  	[dreg:$0x1] =	wrdreg $0xFFFFFFFF  }
0xad: {  	[dreg:$0x0] =	wrdreg $0x60  }
0xae: {  	[dreg:$0x2] =	wrdreg s24  }
0xaf: {  	[dreg:$0x3] =	wrdreg s2  }
0xb0: {  	[dreg:$0x4] =	wrdreg $0x9  }
0xb1: {  	_ =	task.clear_ibuf [dreg:s7], $0x5FFFF;
	_ =	strace $0x90000046  }
0xb2: {  	s29 =	simm.s32 $0x9;
	_ =	strace $0x80000048  }
0xb3: {  	_ =	swait.ge [sflag:s29], $0x1  }
0xb4: {  	[sflag:s29] =	ssyncadd.s32 $0xFFFFFFFF  }
0xb5: {  	_ =	strace $0x90000048  }
0xb6: {  	_ =	sfence  }
0xb7: {  	s30 =	sld [smem:$0x0];
	_ =	sdelay $0x2  }
0xb8: {  	s31 =	sshll.u32 s1, $0xD;
	s1 =	sshrl.u32 s1, $0x2  }
0xb9: {  	s3 =	sand.u32 $0x4000, s31;
	s1 =	sadd.s32 s1, s30  }
0xba: {  	s0 =	sor.u32 s3, s0;
	s1 =	sshll.u32 s1, $0x11  }
0xbb: {  	s0 =	sor.u32 s1, s0  }
0xbc: {  	s0 =	sadd.s32 $0x8F2B, s0  }
0xbd: {  	[sflag:s0] =	ssyncadd.remote.s32 $0x1  }
0xbe: {  	_ =	sfence.sel $0xFFFF  }
0xbf: {  	[dreg:$0x0] =	wrdreg $0xFFFFFFFF;
	(pc) =	sbr.abs _section_cstart, $3  }
0xc0: {  	[dreg:$0x1] =	wrdreg $0xFFFFFFFF  }
0xc1: {  	_ =	task.clear_ibuf [dreg:s7], $0x2FFFF;
	_ =	strace $0x9FFFFFFF  }
0xc2: {  	(tm) =	ssettm $0x7FFFFFFF  }
0xc3: {  	_ =	shalt  }
tec
execute0_lowered:
.L_overlay_start_1:
0x0: {  	(tag) =	ssettag $0x1  }
0x1: {  	s0 =	rddreg [dreg:$0x0]  }
0x2: {  	s2 =	rddreg [dreg:$0x1];
	s1 =	srdreg.scid  }
0x3: {  	s4 =	stileid.u32;
	s3 =	simm.s32 $0x0;
	s30 =	simm.s32 $0xE400  }
0x4: {  	s24 =	simm.s32 $0x12800;
	s1 =	sand.u32 $0x1, s1;
	s4 =	sshll.u32 s4, $0x1  }
0x5: {  	[smem:$0x7FF] =	sst s3;
	s5 =	sor.u32 s1, s4;
	s1 =	ssub.s32 $0x2, s1  }
0x6: {  	_ =	strace $0x80000047;
	s4 =	sshll.u32 s5, $0x6;
	s29 =	sshrl.u32 s1, $0x1  }
0x7: {  	s5 =	sshll.u32 s5, $0xC;
	s6 =	sadd.s32 s4, s0;
	s0 =	sadd.s32 $0xF42A00, s0  }
0x8: {  	s7 =	sor.u32 $0x400, s5;
	s8 =	sor.u32 $0x800, s5;
	s9 =	sor.u32 $0xC00, s5  }
0x9: {  	s10 =	sor.u32 $0x20000, s5;
	s11 =	sor.u32 $0x20400, s5;
	s12 =	sor.u32 $0x20800, s5  }
0xa: {  	v0 =	vlaneseq.u32;
	s13 =	sor.u32 $0x20C00, s5;
	s14 =	sor.u32 $0x40000, s5;
	s15 =	sor.u32 $0x40400, s5  }
.Ltmp0:
0xb: {  	v0 =	vmul.u32 $0x88, v0;
	s16 =	sor.u32 $0x40800, s5;
	s17 =	sor.u32 $0x40C00, s5;
	(pc) =	sbr.rel .LBB2_1-.Ltmp0, $4  }
0xc: {  	s18 =	sor.u32 $0x60000, s5;
	s19 =	sor.u32 $0x60400, s5;
	s20 =	sor.u32 $0x60800, s5  }
0xd: {  	v1 =	vadd.s32 $0x880, v0;
	[dreg:$0x3] =	wrdreg s0;
	s0 =	ssub.s32 s1, s29;
	s31 =	sadd.s32 $0x600, s6  }
0xe: {  	v2 =	vadd.s32 $0x1100, v0;
	v3 =	vadd.s32 $0x1980, v0;
	v4 =	vadd.s32 $0x2200, v0;
	s21 =	sor.u32 $0x60C00, s5;
	[dreg:$0x4] =	wrdreg s31;
	s0 =	smax.u32 s0, $0x1  }
0xf: {  	v5 =	vadd.s32 $0x2A80, v0;
	v6 =	vadd.s32 $0x3300, v0;
	v7 =	vadd.s32 $0x3B80, v0;
	s6 =	simm.s32 $0x0;
	[dreg:$0x5] =	wrdreg s0;
	s0 =	simm.s32 $0x2  }
.LBB2_46:
0x10: {  	s1 =	simm.s32 $0x3  }
0x11: {  	_ =	swait.ge [sflag:s1], $0x4000  }
0x12: {  	[sflag:s1] =	ssyncset.done $0x0  }
0x13: {  	s4 =	simm.s32 $0x4;
	[sflag:s1] =	ssyncadd.s32 $0xFFFFC000  }
0x14: {  	_ =	swait.ge [sflag:s4], $0x4000  }
0x15: {  	s6 =	rddreg [dreg:$0x6]  }
0x16: {  	s31 =	rddreg [dreg:$0x5];
	s6 =	sadd.s32 $0x1, s6  }
0x17: {  	p0 =	sne.s32 s6, s31  }
.Ltmp1:
0x18: {  	_ = 	snop;
	(pc) =	sbr.rel @!p0 .LBB2_47-.Ltmp1, $3  }
0x19: {  	_ =	sdelay $0x1  }
0x1a: {  	[sflag:s4] =	ssyncset.done $0x0  }
0x1b: {  	[sflag:s4] =	ssyncadd.s32 $0xFFFFC000  }
.LBB2_1:
0x1c: {  	[dreg:$0x6] =	wrdreg s6  }
0x1d: {  	s1 =	rddreg [dreg:$0x4]  }
0x1e: {  	s4 =	simm.s32 $0x200;
	s25 =	simm.s32 $0x4000;
	s26 =	simm.s32 $0x5  }
0x1f: {  	[tilespmem:s3], [sflag:$0x5] =	stream.strided.gather [hbm4b:s1+s4], $0x6400, s25, s4, $0x38;
	[tilespmem:$0x16C00] =	vst v63  }
0x20: {  	_ =	swait.ge [sflag:s26], $0x6400  }
0x21: {  	[sflag:s26] =	ssyncset.done $0x0  }
0x22: {  	s29 =	simm.s32 $0x6400;
	s28 =	rddreg [dreg:$0x3];
	[sflag:s26] =	ssyncadd.s32 $0xFFFF9C00  }
0x23: {  	[tilespmem:s29], [sflag:$0x1] =	stream.indirect.gather [hbm4b:s28+s4], $0x20, s3, s4, $0xb8;
	[tilespmem:$0x16C00] =	vst v63  }
0x24: {  	s31 =	simm.s32 $0xA400;
	s22 =	simm.s32 $0x0  }
0x25: {  	[tilespmem:s31], [sflag:$0x2] =	stream.indirect.gather [hbm4b:s28+s4], $0x20, s4, s4, $0xb8;
	[tilespmem:$0x16C00] =	vst v63  }
.LBB2_2:
0x26: {  	s1 =	simm.s32 $0x1  }
0x27: {  	_ =	swait.ge [sflag:s1], $0x4000  }
0x28: {  	p0 =	seq.s32 s22, $0x0;
	[sflag:s1] =	ssyncset.done $0x0  }
0x29: {  	[sflag:s1] =	ssyncadd.s32 $0xFFFFC000;
	s1 =	simm.s32 @!p0 $0x3  }
0x2a: {  	_ =	swait.ge @!p0 [sflag:s1], $0x4000  }
0x2b: {  	s6 =	simm.s32 $0x3;
	[sflag:s1] =	ssyncset.done @!p0 $0x0  }
0x2c: {  	s31 =	simm.s32 $0x6440;
	s4 =	simm.s32 $0x1;
	v8 =	vmov s6;
	[sflag:s1] =	ssyncadd.s32 @!p0 $0xFFFFC000  }
0x2d: {  	s23 =	simm.s32 $0x2;
	v10 =	vmov s4;
	v9 =	vand.u32 $0x7F, v8;
	v8 =	vld [tilespmem:s31+$0x20]  }
0x2e: {  	v11 =	vmov s23;
	v10 =	vand.u32 $0x7D, v10;
	v12 =	vadd.s32 v0, v9;
	v13 =	vld [tilespmem:s31+$0x30]  }
0x2f: {  	v11 =	vand.u32 $0x7E, v11;
	v17 =	vadd.s32 v0, v10;
	v15 =	vld [tilespmem:s31+$0xFFFFFFE0]  }
0x30: {  	v22 =	vadd.s32 v0, v11;
	v21 =	vld [tilespmem:s31+$0x0]  }
0x31: {  	s25 =	simm.s32 $0x0;
	v14 =	vadd.s32 v1, v9;
	v16 =	vld [tilespmem:s31+$0xFFFFFFD0]  }
0x32: {  	s23 =	simm.s32 $0x7;
	v20 =	vmov s25;
	v19 =	vadd.s32 v1, v10;
	v18 =	vld [tilespmem:s31+$0xFFFFFFF0]  }
0x33: {  	v23 =	vadd.s32 v1, v11;
	[tilespmem:v12+s30+$0x0] =	vst.idx.msk $0xffff, v8;
	v12 =	vmov s23;
	v8 =	vand.u32 $0x7C, v20;
	v20 =	vld [tilespmem:s31+$0x10]  }
0x34: {  	s1 =	simm.s32 $0x64C0;
	v25 =	vld [tilespmem:s31+$0xFFFFFFC0];
	[tilespmem:v17+s30+$0x0] =	vst.idx.msk $0xffff, v15;
	v12 =	vand.u32 $0x7F, v12;
	v26 =	vadd.s32 v0, v8  }
0x35: {  	s26 =	simm.s32 $0x5;
	v27 =	vld [tilespmem:s1+$0x20];
	[tilespmem:v22+s30+$0x0] =	vst.idx.msk $0xffff, v21;
	v28 =	vadd.s32 v0, v12  }
0x36: {  	v29 =	vld [tilespmem:s1+$0x30];
	[tilespmem:v14+s30+$0x0] =	vst.idx.msk $0xffff, v13;
	v13 =	vmov s26;
	v30 =	vadd.s32 v1, v12  }
0x37: {  	s29 =	simm.s32 $0x6;
	v17 =	vld [tilespmem:s1+$0xFFFFFFD0];
	[tilespmem:v19+s30+$0x0] =	vst.idx.msk $0xffff, v18;
	v24 =	vadd.s32 v1, v8;
	v13 =	vand.u32 $0x7D, v13  }
0x38: {  	v18 =	vld [tilespmem:s1+$0xFFFFFFE0];
	v14 =	vmov s29;
	[tilespmem:v23+s30+$0x0] =	vst.idx.msk $0xffff, v20;
	v20 =	vadd.s32 v0, v13  }
0x39: {  	s31 =	simm.s32 $0x4;
	v19 =	vld [tilespmem:s1+$0xFFFFFFF0];
	v14 =	vand.u32 $0x7E, v14;
	v22 =	vadd.s32 v1, v13;
	[tilespmem:v26+s30+$0x0] =	vst.idx.msk $0xffff, v25  }
0x3a: {  	s28 =	simm.s32 $0xC;
	s6 =	simm.s32 $0xB;
	v21 =	vld [tilespmem:s1+$0x0];
	v15 =	vmov s31;
	v23 =	vadd.s32 v0, v14;
	[tilespmem:v28+s30+$0x0] =	vst.idx.msk $0xffff, v27  }
0x3b: {  	s25 =	sshll.u32 s22, $0xC;
	s23 =	simm.s32 $0x8;
	s26 =	simm.s32 $0x8;
	v25 =	vld [tilespmem:s1+$0x10];
	v26 =	vadd.s32 v1, v14;
	v28 =	vmov s6;
	v27 =	vand.u32 $0x7C, v15;
	[tilespmem:v30+s30+$0x0] =	vst.idx.msk $0xffff, v29  }
.LBB2_3:
0x3c: {  	p1 =	slt.u32 s28, $0x7C;
	v28 =	vand.u32 $0x7F, v28;
	v29 =	vld [tilespmem:s1+$0xFFFFFFC0];
	v30 =	vadd.s32 v0, v27;
	s1 =	sadd.s32 $0x80, s1;
	[tilespmem:v24+s30+$0x0] =	vst.idx.msk $0xffff, v16;
	v16 =	vmov v17  }
0x3d: {  	s29 =	sadd.s32 $0x1, s23;
	v31 =	vld [tilespmem:s1+$0x20];
	v32 =	vadd.s32 v0, v28;
	[tilespmem:v20+s30+$0x0] =	vst.idx.msk $0xffff, v18  }
0x3e: {  	v18 =	vmov s29;
	v34 =	vadd.s32 v1, v28;
	v33 =	vld [tilespmem:s1+$0x30];
	[tilespmem:v22+s30+$0x0] =	vst.idx.msk $0xffff, v19  }
.Ltmp2:
0x3f: {  	v24 =	vadd.s32 v1, v27;
	s29 =	sadd.s32 $0x2, s23;
	v22 =	vand.u32 $0x7D, v18;
	v17 =	vld [tilespmem:s1+$0xFFFFFFD0];
	[tilespmem:v23+s30+$0x0] =	vst.idx.msk $0xffff, v21;
	(pc) =	sbr.rel @p1 .LBB2_3-.Ltmp2, $4  }
0x40: {  	v20 =	vadd.s32 v0, v22;
	v21 =	vmov s29;
	v18 =	vld [tilespmem:s1+$0xFFFFFFE0];
	[tilespmem:v26+s30+$0x0] =	vst.idx.msk $0xffff, v25  }
0x41: {  	v22 =	vadd.s32 v1, v22;
	v26 =	vand.u32 $0x7E, v21;
	v19 =	vld [tilespmem:s1+$0xFFFFFFF0];
	[tilespmem:v30+s30+$0x0] =	vst.idx.msk $0xffff, v29  }
0x42: {  	s29 =	sadd.s32 $0x3, s28;
	v25 =	vmov s23;
	s23 =	smov.u32 s28;
	v23 =	vadd.s32 v0, v26;
	v21 =	vld [tilespmem:s1+$0x0];
	[tilespmem:v32+s30+$0x0] =	vst.idx.msk $0xffff, v31  }
0x43: {  	v28 =	vmov s29;
	s28 =	sadd.s32 $0x4, s28;
	v27 =	vand.u32 $0x7C, v25;
	v26 =	vadd.s32 v1, v26;
	v25 =	vld [tilespmem:s1+$0x10];
	[tilespmem:v34+s30+$0x0] =	vst.idx.msk $0xffff, v33  }
0x44: {  	_ =	sdelay $0x3  }
0x45: {  	v28 =	vand.u32 $0x7F, v28;
	v29 =	vld [tilespmem:s1+$0xFFFFFFC0];
	v30 =	vadd.s32 v0, v27;
	s4 =	sadd.s32 $0x80, s1;
	[tilespmem:v24+s30+$0x0] =	vst.idx.msk $0xffff, v16  }
0x46: {  	s28 =	sadd.s32 $0x1, s23;
	v16 =	vld [tilespmem:s4+$0x20];
	v54 =	vadd.s32 v0, v28;
	[tilespmem:v20+s30+$0x0] =	vst.idx.msk $0xffff, v18  }
0x47: {  	v18 =	vmov s28;
	v20 =	vld [tilespmem:s4+$0x30];
	v28 =	vadd.s32 v1, v28;
	[tilespmem:v22+s30+$0x0] =	vst.idx.msk $0xffff, v19  }
0x48: {  	s29 =	sadd.s32 $0x2, s23;
	v18 =	vand.u32 $0x7D, v18;
	v19 =	vadd.s32 v1, v27;
	[tilespmem:v23+s30+$0x0] =	vst.idx.msk $0xffff, v21  }
0x49: {  	v21 =	vld [tilespmem:s4+$0xFFFFFFE0];
	v22 =	vadd.s32 v0, v18;
	v23 =	vmov s29;
	[tilespmem:v26+s30+$0x0] =	vst.idx.msk $0xffff, v25  }
0x4a: {  	v55 =	vld [tilespmem:s4+$0xFFFFFFF0];
	v18 =	vadd.s32 v1, v18;
	v23 =	vand.u32 $0x7E, v23;
	[tilespmem:v30+s30+$0x0] =	vst.idx.msk $0xffff, v29  }
0x4b: {  	v56 =	vmov s23;
	v57 =	vld [tilespmem:s4+$0x0];
	v58 =	vadd.s32 v0, v23;
	[tilespmem:v54+s30+$0x0] =	vst.idx.msk $0xffff, v16  }
0x4c: {  	v59 =	vld [tilespmem:s4+$0x10];
	v23 =	vadd.s32 v1, v23;
	v16 =	vand.u32 $0x7C, v56;
	[tilespmem:v28+s30+$0x0] =	vst.idx.msk $0xffff, v20  }
0x4d: {  	v20 =	vld [tilespmem:s4+$0xFFFFFFC0];
	v26 =	vadd.s32 v0, v16;
	[tilespmem:v19+s30+$0x0] =	vst.idx.msk $0xffff, v17  }
0x4e: {  	v17 =	vld [tilespmem:s4+$0xFFFFFFD0];
	v16 =	vadd.s32 v1, v16;
	[tilespmem:v22+s30+$0x0] =	vst.idx.msk $0xffff, v21  }
0x4f: {  	[tilespmem:v18+s30+$0x0] =	vst.idx.msk $0xffff, v55  }
0x50: {  	[tilespmem:v58+s30+$0x0] =	vst.idx.msk $0xffff, v57  }
0x51: {  	[tilespmem:v23+s30+$0x0] =	vst.idx.msk $0xffff, v59  }
0x52: {  	[tilespmem:v26+s30+$0x0] =	vst.idx.msk $0xffff, v20  }
0x53: {  	s31 =	simm.s32 $0x7470;
	[tilespmem:v16+s30+$0x0] =	vst.idx.msk $0xffff, v17  }
0x54: {  	v16 =	vld [tilespmem:s31+$0xFFFFFFF0]  }
0x55: {  	v17 =	vadd.s32 v2, v9;
	v18 =	vld [tilespmem:s31+$0x0]  }
0x56: {  	v21 =	vadd.s32 v2, v10;
	v20 =	vld [tilespmem:s31+$0xFFFFFFB0]  }
0x57: {  	v60 =	vadd.s32 v2, v11;
	v23 =	vld [tilespmem:s31+$0xFFFFFFD0]  }
0x58: {  	v19 =	vadd.s32 v3, v9;
	v9 =	vld [tilespmem:s31+$0xFFFFFFA0]  }
0x59: {  	v10 =	vadd.s32 v3, v10;
	v22 =	vld [tilespmem:s31+$0xFFFFFFC0]  }
0x5a: {  	s1 =	simm.s32 $0x74F0;
	[tilespmem:v17+s30+$0x0] =	vst.idx.msk $0xffff, v16;
	v16 =	vld [tilespmem:s31+$0xFFFFFFE0];
	v17 =	vadd.s32 v3, v11  }
0x5b: {  	v62 =	vadd.s32 v2, v12;
	v26 =	vld [tilespmem:s1+$0xFFFFFFF0];
	[tilespmem:v21+s30+$0x0] =	vst.idx.msk $0xffff, v20  }
0x5c: {  	v63 =	vadd.s32 v3, v12;
	v21 =	vld [tilespmem:s1+$0x0];
	[tilespmem:v60+s30+$0x0] =	vst.idx.msk $0xffff, v23  }
0x5d: {  	v61 =	vadd.s32 v2, v8;
	[tilespmem:v19+s30+$0x0] =	vst.idx.msk $0xffff, v18;
	v19 =	vld [tilespmem:s31+$0xFFFFFF90]  }
0x5e: {  	[tilespmem:v10+s30+$0x0] =	vst.idx.msk $0xffff, v22;
	v10 =	vld [tilespmem:s1+$0xFFFFFFA0];
	v18 =	vadd.s32 v3, v8  }
0x5f: {  	v11 =	vld [tilespmem:s1+$0xFFFFFFB0];
	[tilespmem:v17+s30+$0x0] =	vst.idx.msk $0xffff, v16;
	v17 =	vadd.s32 v2, v13  }
0x60: {  	[tilespmem:v62+s30+$0x0] =	vst.idx.msk $0xffff, v26;
	v8 =	vld [tilespmem:s1+$0xFFFFFFC0];
	v16 =	vadd.s32 v3, v13  }
0x61: {  	v12 =	vld [tilespmem:s1+$0xFFFFFFD0];
	v13 =	vadd.s32 v2, v14;
	[tilespmem:v63+s30+$0x0] =	vst.idx.msk $0xffff, v21  }
0x62: {  	v20 =	vmov s6;
	s6 =	simm.s32 $0xC;
	v14 =	vadd.s32 v3, v14;
	[tilespmem:v61+s30+$0x0] =	vst.idx.msk $0xffff, v19;
	v19 =	vand.u32 $0x7C, v15;
	v15 =	vld [tilespmem:s1+$0xFFFFFFE0]  }
.LBB2_5:
0x63: {  	p1 =	slt.u32 s6, $0x7C;
	v20 =	vand.u32 $0x7F, v20;
	v21 =	vld [tilespmem:s1+$0xFFFFFF90];
	v22 =	vadd.s32 v2, v19;
	s1 =	sadd.s32 $0x80, s1;
	[tilespmem:v18+s30+$0x0] =	vst.idx.msk $0xffff, v9;
	v9 =	vmov v10  }
0x64: {  	s23 =	sadd.s32 $0x1, s26;
	v23 =	vld [tilespmem:s1+$0xFFFFFFF0];
	v24 =	vadd.s32 v2, v20;
	[tilespmem:v17+s30+$0x0] =	vst.idx.msk $0xffff, v11  }
0x65: {  	v11 =	vmov s23;
	v26 =	vadd.s32 v3, v20;
	v25 =	vld [tilespmem:s1+$0x0];
	[tilespmem:v16+s30+$0x0] =	vst.idx.msk $0xffff, v8  }
.Ltmp3:
0x66: {  	v18 =	vadd.s32 v3, v19;
	s23 =	sadd.s32 $0x2, s26;
	v16 =	vand.u32 $0x7D, v11;
	v10 =	vld [tilespmem:s1+$0xFFFFFFA0];
	[tilespmem:v13+s30+$0x0] =	vst.idx.msk $0xffff, v12;
	(pc) =	sbr.rel @p1 .LBB2_5-.Ltmp3, $4  }
0x67: {  	v17 =	vadd.s32 v2, v16;
	v12 =	vmov s23;
	v11 =	vld [tilespmem:s1+$0xFFFFFFB0];
	[tilespmem:v14+s30+$0x0] =	vst.idx.msk $0xffff, v15  }
0x68: {  	v16 =	vadd.s32 v3, v16;
	v14 =	vand.u32 $0x7E, v12;
	v8 =	vld [tilespmem:s1+$0xFFFFFFC0];
	[tilespmem:v22+s30+$0x0] =	vst.idx.msk $0xffff, v21  }
0x69: {  	s23 =	sadd.s32 $0x3, s6;
	v15 =	vmov s26;
	s26 =	smov.u32 s6;
	v13 =	vadd.s32 v2, v14;
	v12 =	vld [tilespmem:s1+$0xFFFFFFD0];
	[tilespmem:v24+s30+$0x0] =	vst.idx.msk $0xffff, v23  }
0x6a: {  	v20 =	vmov s23;
	s6 =	sadd.s32 $0x4, s6;
	v19 =	vand.u32 $0x7C, v15;
	v14 =	vadd.s32 v3, v14;
	v15 =	vld [tilespmem:s1+$0xFFFFFFE0];
	[tilespmem:v26+s30+$0x0] =	vst.idx.msk $0xffff, v25  }
0x6b: {  	_ =	sdelay $0x3  }
0x6c: {  	v20 =	vand.u32 $0x7F, v20;
	v21 =	vld [tilespmem:s1+$0xFFFFFF90];
	v22 =	vadd.s32 v2, v19;
	s4 =	sadd.s32 $0x80, s1;
	[tilespmem:v18+s30+$0x0] =	vst.idx.msk $0xffff, v9  }
0x6d: {  	s6 =	sadd.s32 $0x1, s26;
	v9 =	vld [tilespmem:s4+$0xFFFFFFF0];
	v18 =	vadd.s32 v2, v20;
	[tilespmem:v17+s30+$0x0] =	vst.idx.msk $0xffff, v11  }
0x6e: {  	v11 =	vmov s6;
	v17 =	vld [tilespmem:s4+$0x0];
	v20 =	vadd.s32 v3, v20;
	[tilespmem:v16+s30+$0x0] =	vst.idx.msk $0xffff, v8  }
0x6f: {  	s23 =	sadd.s32 $0x2, s26;
	v8 =	vand.u32 $0x7D, v11;
	v11 =	vadd.s32 v3, v19;
	[tilespmem:v13+s30+$0x0] =	vst.idx.msk $0xffff, v12  }
0x70: {  	v16 =	vmov s23;
	v12 =	vld [tilespmem:s4+$0xFFFFFFB0];
	v13 =	vadd.s32 v2, v8;
	[tilespmem:v14+s30+$0x0] =	vst.idx.msk $0xffff, v15  }
0x71: {  	v8 =	vadd.s32 v3, v8;
	v14 =	vld [tilespmem:s4+$0xFFFFFFC0];
	v15 =	vand.u32 $0x7E, v16;
	[tilespmem:v22+s30+$0x0] =	vst.idx.msk $0xffff, v21  }
0x72: {  	v19 =	vld [tilespmem:s4+$0xFFFFFFD0];
	v16 =	vmov s26;
	v21 =	vadd.s32 v2, v15;
	[tilespmem:v18+s30+$0x0] =	vst.idx.msk $0xffff, v9  }
0x73: {  	v15 =	vadd.s32 v3, v15;
	v9 =	vand.u32 $0x7C, v16;
	v16 =	vld [tilespmem:s4+$0xFFFFFFE0];
	[tilespmem:v20+s30+$0x0] =	vst.idx.msk $0xffff, v17  }
0x74: {  	v17 =	vld [tilespmem:s4+$0xFFFFFF90];
	v18 =	vadd.s32 v2, v9;
	[tilespmem:v11+s30+$0x0] =	vst.idx.msk $0xffff, v10  }
0x75: {  	p2 =	por $0x1, $0x1;
	v10 =	vld [tilespmem:s4+$0xFFFFFFA0];
	v9 =	vadd.s32 v3, v9;
	[tilespmem:v13+s30+$0x0] =	vst.idx.msk $0xffff, v12  }
.Ltmp4:
0x76: {  	[tilespmem:v8+s30+$0x0] =	vst.idx.msk $0xffff, v14;
	(pc) =	sbr.rel @!p2 .LBB2_13-.Ltmp4, $4  }
0x77: {  	[tilespmem:v21+s30+$0x0] =	vst.idx.msk $0xffff, v19  }
0x78: {  	s31 =	simm.s32 $0x8470;
	s29 =	simm.s32 $0x3;
	s28 =	simm.s32 $0x4;
	[tilespmem:v15+s30+$0x0] =	vst.idx.msk $0xffff, v16  }
0x79: {  	p3 =	por $0x0, $0x0;
	p1 =	por $0x0, $0x0;
	p4 =	por $0x0, $0x0;
	v8 =	vmov s29;
	[tilespmem:v18+s30+$0x0] =	vst.idx.msk $0xffff, v17  }
0x7a: {  	s6 =	simm.s32 $0x0;
	s23 =	simm.s32 $0x8470;
	s26 =	simm.s32 $0x0;
	v21 =	vmov v8;
	[tilespmem:v9+s30+$0x0] =	vst.idx.msk $0xffff, v10  }
0x7b: {  	v9 =	vand.u32 $0x7F, v8  }
0x7c: {  	v16 =	vld [tilespmem:s31+$0xFFFFFFF0];
	v17 =	vadd.s32 v4, v9  }
0x7d: {  	v19 =	vld [tilespmem:s31+$0x0];
	p4 =	por $0x1, $0x1;
	v20 =	vadd.s32 v5, v9  }
.Ltmp5:
0x7e: {  	s1 =	simm.s32 $0x1;
	v9 =	vld [tilespmem:s31+$0xFFFFFFA0];
	(pc) =	sbr.rel @!p4 .LBB2_8-.Ltmp5, $4  }
0x7f: {  	s23 =	simm.s32 $0x2;
	v11 =	vld [tilespmem:s31+$0xFFFFFFC0];
	s29 =	simm.s32 $0x7;
	v22 =	vmov s26;
	v10 =	vmov s1  }
0x80: {  	v14 =	vmov s23;
	v21 =	vmov s29;
	v13 =	vand.u32 $0x7D, v10;
	v10 =	vld [tilespmem:s31+$0xFFFFFFB0]  }
0x81: {  	v18 =	vand.u32 $0x7E, v14;
	v12 =	vadd.s32 v4, v13;
	v14 =	vadd.s32 v5, v13;
	v13 =	vld [tilespmem:s31+$0xFFFFFFD0];
	[tilespmem:v17+s30+$0x0] =	vst.idx.msk $0xffff, v16  }
0x82: {  	s6 =	simm.s32 $0x8;
	p3 =	por $0x1, $0x1;
	v15 =	vadd.s32 v4, v18;
	v18 =	vadd.s32 v5, v18;
	v16 =	vand.u32 $0x7C, v22;
	v17 =	vld [tilespmem:s31+$0xFFFFFFE0];
	[tilespmem:v20+s30+$0x0] =	vst.idx.msk $0xffff, v19  }
0x83: {  	_ =	sdelay $0x2  }
0x84: {  	v19 =	vand.u32 $0x7F, v21;
	v21 =	vld [tilespmem:s31+$0xFFFFFF90];
	v22 =	vadd.s32 v4, v16;
	s23 =	simm.s32 $0x84F0  }
0x85: {  	s1 =	simm.s32 $0x5;
	v23 =	vld [tilespmem:s23+$0xFFFFFFF0];
	v24 =	vadd.s32 v4, v19;
	[tilespmem:v12+s30+$0x0] =	vst.idx.msk $0xffff, v10  }
0x86: {  	p5 =	por $0x1, $0x1;
	v25 =	vld [tilespmem:s23+$0x0];
	v26 =	vadd.s32 v5, v19;
	v10 =	vmov s1;
	[tilespmem:v14+s30+$0x0] =	vst.idx.msk $0xffff, v11  }
.Ltmp6:
0x87: {  	s4 =	simm.s32 $0x6;
	v20 =	vld [tilespmem:s23+$0xFFFFFFA0];
	v19 =	vadd.s32 v5, v16;
	[tilespmem:v15+s30+$0x0] =	vst.idx.msk $0xffff, v13;
	v13 =	vand.u32 $0x7D, v10;
	(pc) =	sbr.rel @!p5 .LBB2_10-.Ltmp6, $4  }
0x88: {  	v10 =	vld [tilespmem:s23+$0xFFFFFFB0];
	v14 =	vmov s4;
	[tilespmem:v18+s30+$0x0] =	vst.idx.msk $0xffff, v17;
	v12 =	vadd.s32 v4, v13  }
0x89: {  	v11 =	vld [tilespmem:s23+$0xFFFFFFC0];
	v18 =	vand.u32 $0x7E, v14;
	v14 =	vadd.s32 v5, v13;
	[tilespmem:v22+s30+$0x0] =	vst.idx.msk $0xffff, v21  }
0x8a: {  	s29 =	simm.s32 $0xB;
	v16 =	vmov s28;
	v13 =	vld [tilespmem:s23+$0xFFFFFFD0];
	v15 =	vadd.s32 v4, v18;
	[tilespmem:v24+s30+$0x0] =	vst.idx.msk $0xffff, v23  }
0x8b: {  	p4 =	por $0x1, $0x1;
	s1 =	simm.s32 $0xC;
	v16 =	vand.u32 $0x7C, v16;
	v17 =	vld [tilespmem:s23+$0xFFFFFFE0];
	v21 =	vmov s29;
	v18 =	vadd.s32 v5, v18;
	[tilespmem:v26+s30+$0x0] =	vst.idx.msk $0xffff, v25  }
.LBB2_11:
0x8c: {  	p5 =	slt.u32 s1, $0x7C;
	v21 =	vand.u32 $0x7F, v21;
	v22 =	vld [tilespmem:s23+$0xFFFFFF90];
	v23 =	vadd.s32 v4, v16;
	s23 =	sadd.s32 $0x80, s23;
	[tilespmem:v19+s30+$0x0] =	vst.idx.msk $0xffff, v9;
	v9 =	vmov v20  }
0x8d: {  	s29 =	sadd.s32 $0x1, s6;
	v24 =	vld [tilespmem:s23+$0xFFFFFFF0];
	v25 =	vadd.s32 v4, v21;
	[tilespmem:v12+s30+$0x0] =	vst.idx.msk $0xffff, v10  }
0x8e: {  	v10 =	vmov s29;
	v27 =	vadd.s32 v5, v21;
	v26 =	vld [tilespmem:s23+$0x0];
	[tilespmem:v14+s30+$0x0] =	vst.idx.msk $0xffff, v11  }
.Ltmp7:
0x8f: {  	v19 =	vadd.s32 v5, v16;
	s29 =	sadd.s32 $0x2, s6;
	v14 =	vand.u32 $0x7D, v10;
	v20 =	vld [tilespmem:s23+$0xFFFFFFA0];
	[tilespmem:v15+s30+$0x0] =	vst.idx.msk $0xffff, v13;
	(pc) =	sbr.rel @p5 .LBB2_11-.Ltmp7, $4  }
0x90: {  	v12 =	vadd.s32 v4, v14;
	v13 =	vmov s29;
	v10 =	vld [tilespmem:s23+$0xFFFFFFB0];
	[tilespmem:v18+s30+$0x0] =	vst.idx.msk $0xffff, v17  }
0x91: {  	v14 =	vadd.s32 v5, v14;
	v18 =	vand.u32 $0x7E, v13;
	v11 =	vld [tilespmem:s23+$0xFFFFFFC0];
	[tilespmem:v23+s30+$0x0] =	vst.idx.msk $0xffff, v22  }
0x92: {  	v16 =	vmov s6;
	s6 =	smov.u32 s1;
	s29 =	sadd.s32 $0x3, s1;
	v15 =	vadd.s32 v4, v18;
	v13 =	vld [tilespmem:s23+$0xFFFFFFD0];
	[tilespmem:v25+s30+$0x0] =	vst.idx.msk $0xffff, v24  }
0x93: {  	v16 =	vand.u32 $0x7C, v16;
	s1 =	sadd.s32 $0x4, s1;
	v21 =	vmov s29;
	v18 =	vadd.s32 v5, v18;
	v17 =	vld [tilespmem:s23+$0xFFFFFFE0];
	[tilespmem:v27+s30+$0x0] =	vst.idx.msk $0xffff, v26  }
0x94: {  	v22 =	vmov v9;
	v9 =	vmov v20  }
.LBB2_13:
0x95: {  	_ =	sdelay $0x2  }
0x96: {  	s1 =	sadd.s32 @p3 $0x80, s23  }
0x97: {  	v20 =	vand.u32 $0x7F, v21;
	v21 =	vld @p3 [tilespmem:s23+$0xFFFFFF90];
	v23 =	vadd.s32 @p3 v4, v16;
	[tilespmem:v12+s30+$0x0] =	vst.idx.msk @p3 $0xffff, v10;
	s31 =	smov.u32 @p3 s1  }
0x98: {  	s23 =	sadd.s32 $0x1, s6;
	v52 =	vadd.s32 v4, v20;
	[tilespmem:v14+s30+$0x0] =	vst.idx.msk @p3 $0xffff, v11;
	v11 =	vadd.s32 @p3 v5, v16;
	v51 =	vld [tilespmem:s31+$0xFFFFFFF0]  }
0x99: {  	[tilespmem:v19+s30+$0x0] =	vst.idx.msk @p4 $0xffff, v22;
	s29 =	sadd.s32 $0x2, s6;
	v10 =	vmov s23;
	v11 =	vpsel p3, v11, v0  }
0x9a: {  	v20 =	vadd.s32 v5, v20;
	v56 =	vmov s29;
	v53 =	vld [tilespmem:s31+$0x0];
	v10 =	vand.u32 $0x7D, v10;
	[tilespmem:v15+s30+$0x0] =	vst.idx.msk @p3 $0xffff, v13  }
0x9b: {  	v54 =	vld [tilespmem:s31+$0xFFFFFFB0];
	v15 =	vand.u32 $0x7E, v56;
	v55 =	vadd.s32 v4, v10;
	[tilespmem:v18+s30+$0x0] =	vst.idx.msk @p3 $0xffff, v17  }
0x9c: {  	v59 =	vld [tilespmem:s31+$0xFFFFFFD0];
	v60 =	vadd.s32 v4, v15;
	[tilespmem:v23+s30+$0x0] =	vst.idx.msk @p3 $0xffff, v21  }
0x9d: {  	v58 =	vmov s6;
	v9 =	vpsel p3, v9, v0;
	v57 =	vld [tilespmem:s31+$0xFFFFFFC0];
	v10 =	vadd.s32 v5, v10;
	[tilespmem:v52+s30+$0x0] =	vst.idx.msk $0xffff, v51  }
0x9e: {  	v61 =	vld [tilespmem:s31+$0xFFFFFFE0];
	v17 =	vand.u32 $0x7C, v58;
	v15 =	vadd.s32 v5, v15;
	[tilespmem:v11+s30+$0x0] =	vst.idx.msk @p3 $0xffff, v9  }
0x9f: {  	v62 =	vld [tilespmem:s31+$0xFFFFFF90];
	v63 =	vadd.s32 v4, v17;
	[tilespmem:v20+s30+$0x0] =	vst.idx.msk $0xffff, v53  }
0xa0: {  	v9 =	vld [tilespmem:s31+$0xFFFFFFA0];
	v11 =	vadd.s32 v5, v17;
	[tilespmem:v55+s30+$0x0] =	vst.idx.msk $0xffff, v54  }
.Ltmp8:
0xa1: {  	[tilespmem:v60+s30+$0x0] =	vst.idx.msk $0xffff, v59;
	(pc) =	sbr.rel @!p2 .LBB2_14-.Ltmp8, $4  }
0xa2: {  	[tilespmem:v10+s30+$0x0] =	vst.idx.msk $0xffff, v57  }
0xa3: {  	[tilespmem:v15+s30+$0x0] =	vst.idx.msk $0xffff, v61  }
0xa4: {  	[tilespmem:v63+s30+$0x0] =	vst.idx.msk $0xffff, v62  }
0xa5: {  	s6 =	simm.s32 $0x9470;
	[tilespmem:v11+s30+$0x0] =	vst.idx.msk $0xffff, v9  }
0xa6: {  	v8 =	vand.u32 $0x7F, v8  }
0xa7: {  	v16 =	vld [tilespmem:s6+$0xFFFFFFF0];
	v17 =	vadd.s32 v6, v8  }
0xa8: {  	s1 =	simm.s32 $0x1;
	v19 =	vld [tilespmem:s6+$0x0];
	p3 =	por $0x1, $0x1;
	v20 =	vadd.s32 v7, v8  }
.Ltmp9:
0xa9: {  	v9 =	vld [tilespmem:s6+$0xFFFFFFA0];
	s29 =	simm.s32 $0x2;
	v8 =	vmov s1;
	(pc) =	sbr.rel @!p3 .LBB2_16-.Ltmp9, $4  }
0xaa: {  	v10 =	vld [tilespmem:s6+$0xFFFFFFB0];
	v13 =	vmov s29;
	v8 =	vand.u32 $0x7D, v8  }
0xab: {  	v11 =	vld [tilespmem:s6+$0xFFFFFFC0];
	v18 =	vand.u32 $0x7E, v13;
	v12 =	vadd.s32 v6, v8  }
0xac: {  	s31 =	simm.s32 $0x7;
	v21 =	vmov s26;
	v13 =	vld [tilespmem:s6+$0xFFFFFFD0];
	v14 =	vadd.s32 v7, v8;
	v15 =	vadd.s32 v6, v18;
	[tilespmem:v17+s30+$0x0] =	vst.idx.msk $0xffff, v16  }
0xad: {  	s26 =	simm.s32 $0x8;
	p2 =	por $0x1, $0x1;
	v8 =	vmov s31;
	v18 =	vadd.s32 v7, v18;
	v16 =	vand.u32 $0x7C, v21;
	v17 =	vld [tilespmem:s6+$0xFFFFFFE0];
	[tilespmem:v20+s30+$0x0] =	vst.idx.msk $0xffff, v19  }
0xae: {  	_ =	sdelay $0x2  }
0xaf: {  	v8 =	vand.u32 $0x7F, v8;
	v21 =	vld [tilespmem:s6+$0xFFFFFF90];
	v22 =	vadd.s32 v6, v16;
	s1 =	simm.s32 $0x94F0  }
0xb0: {  	s23 =	simm.s32 $0x5;
	v23 =	vld [tilespmem:s1+$0xFFFFFFF0];
	v24 =	vadd.s32 v6, v8;
	[tilespmem:v12+s30+$0x0] =	vst.idx.msk $0xffff, v10  }
0xb1: {  	p3 =	por $0x1, $0x1;
	v25 =	vld [tilespmem:s1+$0x0];
	v26 =	vadd.s32 v7, v8;
	v8 =	vmov s23;
	[tilespmem:v14+s30+$0x0] =	vst.idx.msk $0xffff, v11  }
.Ltmp10:
0xb2: {  	s29 =	simm.s32 $0x6;
	v19 =	vadd.s32 v7, v16;
	v20 =	vld [tilespmem:s1+$0xFFFFFFA0];
	v8 =	vand.u32 $0x7D, v8;
	[tilespmem:v15+s30+$0x0] =	vst.idx.msk $0xffff, v13;
	(pc) =	sbr.rel @!p3 .LBB2_18-.Ltmp10, $4  }
0xb3: {  	v10 =	vld [tilespmem:s1+$0xFFFFFFB0];
	v13 =	vmov s29;
	v12 =	vadd.s32 v6, v8;
	[tilespmem:v18+s30+$0x0] =	vst.idx.msk $0xffff, v17  }
0xb4: {  	v11 =	vld [tilespmem:s1+$0xFFFFFFC0];
	v14 =	vadd.s32 v7, v8;
	v18 =	vand.u32 $0x7E, v13;
	[tilespmem:v22+s30+$0x0] =	vst.idx.msk $0xffff, v21  }
0xb5: {  	s31 =	simm.s32 $0xB;
	v16 =	vmov s28;
	v13 =	vld [tilespmem:s1+$0xFFFFFFD0];
	v15 =	vadd.s32 v6, v18;
	[tilespmem:v24+s30+$0x0] =	vst.idx.msk $0xffff, v23  }
0xb6: {  	p1 =	por $0x1, $0x1;
	s23 =	simm.s32 $0xC;
	v16 =	vand.u32 $0x7C, v16;
	v8 =	vmov s31;
	v17 =	vld [tilespmem:s1+$0xFFFFFFE0];
	v18 =	vadd.s32 v7, v18;
	[tilespmem:v26+s30+$0x0] =	vst.idx.msk $0xffff, v25  }
.LBB2_19:
0xb7: {  	p3 =	slt.u32 s23, $0x7C;
	v8 =	vand.u32 $0x7F, v8;
	v21 =	vld [tilespmem:s1+$0xFFFFFF90];
	v22 =	vadd.s32 v6, v16;
	s1 =	sadd.s32 $0x80, s1;
	[tilespmem:v19+s30+$0x0] =	vst.idx.msk $0xffff, v9;
	v9 =	vmov v20  }
0xb8: {  	s28 =	sadd.s32 $0x1, s26;
	v23 =	vld [tilespmem:s1+$0xFFFFFFF0];
	v24 =	vadd.s32 v6, v8;
	[tilespmem:v12+s30+$0x0] =	vst.idx.msk $0xffff, v10  }
0xb9: {  	v10 =	vmov s28;
	v26 =	vadd.s32 v7, v8;
	v25 =	vld [tilespmem:s1+$0x0];
	[tilespmem:v14+s30+$0x0] =	vst.idx.msk $0xffff, v11  }
.Ltmp11:
0xba: {  	v19 =	vadd.s32 v7, v16;
	s28 =	sadd.s32 $0x2, s26;
	v8 =	vand.u32 $0x7D, v10;
	v20 =	vld [tilespmem:s1+$0xFFFFFFA0];
	[tilespmem:v15+s30+$0x0] =	vst.idx.msk $0xffff, v13;
	(pc) =	sbr.rel @p3 .LBB2_19-.Ltmp11, $4  }
0xbb: {  	v12 =	vadd.s32 v6, v8;
	v13 =	vmov s28;
	v10 =	vld [tilespmem:s1+$0xFFFFFFB0];
	[tilespmem:v18+s30+$0x0] =	vst.idx.msk $0xffff, v17  }
0xbc: {  	v14 =	vadd.s32 v7, v8;
	v18 =	vand.u32 $0x7E, v13;
	v11 =	vld [tilespmem:s1+$0xFFFFFFC0];
	[tilespmem:v22+s30+$0x0] =	vst.idx.msk $0xffff, v21  }
0xbd: {  	v16 =	vmov s26;
	s26 =	smov.u32 s23;
	s28 =	sadd.s32 $0x3, s23;
	v15 =	vadd.s32 v6, v18;
	v13 =	vld [tilespmem:s1+$0xFFFFFFD0];
	[tilespmem:v24+s30+$0x0] =	vst.idx.msk $0xffff, v23  }
0xbe: {  	v16 =	vand.u32 $0x7C, v16;
	s23 =	sadd.s32 $0x4, s23;
	v8 =	vmov s28;
	v18 =	vadd.s32 v7, v18;
	v17 =	vld [tilespmem:s1+$0xFFFFFFE0];
	[tilespmem:v26+s30+$0x0] =	vst.idx.msk $0xffff, v25  }
0xbf: {  	v21 =	vmov v9;
	v9 =	vmov v20  }
.LBB2_21:
0xc0: {  	_ =	sdelay $0x2  }
0xc1: {  	s23 =	sadd.s32 @p2 $0x80, s1  }
0xc2: {  	v20 =	vld @p2 [tilespmem:s1+$0xFFFFFF90];
	v8 =	vand.u32 $0x7F, v8;
	v22 =	vadd.s32 @p2 v6, v16;
	[tilespmem:v19+s30+$0x0] =	vst.idx.msk @p1 $0xffff, v21;
	s31 =	sadd.s32 $0x1, s26;
	s6 =	smov.u32 @p2 s23  }
0xc3: {  	[tilespmem:v12+s30+$0x0] =	vst.idx.msk @p2 $0xffff, v10;
	v50 =	vadd.s32 v6, v8;
	v51 =	vmov s31;
	v49 =	vld [tilespmem:s6+$0xFFFFFFF0]  }
0xc4: {  	s4 =	sadd.s32 $0x2, s26;
	v8 =	vadd.s32 v7, v8;
	[tilespmem:v14+s30+$0x0] =	vst.idx.msk @p2 $0xffff, v11;
	v52 =	vld [tilespmem:s6+$0x0];
	v10 =	vand.u32 $0x7D, v51  }
0xc5: {  	v11 =	vadd.s32 @p2 v7, v16;
	v55 =	vmov s4;
	[tilespmem:v15+s30+$0x0] =	vst.idx.msk @p2 $0xffff, v13;
	v53 =	vld [tilespmem:s6+$0xFFFFFFB0];
	v54 =	vadd.s32 v6, v10  }
0xc6: {  	v11 =	vpsel p2, v11, v0;
	v15 =	vand.u32 $0x7E, v55;
	[tilespmem:v18+s30+$0x0] =	vst.idx.msk @p2 $0xffff, v17  }
0xc7: {  	v58 =	vld [tilespmem:s6+$0xFFFFFFD0];
	v59 =	vadd.s32 v6, v15;
	[tilespmem:v22+s30+$0x0] =	vst.idx.msk @p2 $0xffff, v20  }
0xc8: {  	v57 =	vmov s26;
	v56 =	vld [tilespmem:s6+$0xFFFFFFC0];
	v10 =	vadd.s32 v7, v10;
	[tilespmem:v50+s30+$0x0] =	vst.idx.msk $0xffff, v49  }
0xc9: {  	v60 =	vld [tilespmem:s6+$0xFFFFFFE0];
	v17 =	vand.u32 $0x7C, v57;
	v15 =	vadd.s32 v7, v15;
	[tilespmem:v8+s30+$0x0] =	vst.idx.msk $0xffff, v52  }
0xca: {  	v61 =	vld [tilespmem:s6+$0xFFFFFF90];
	v62 =	vadd.s32 v6, v17;
	v8 =	vpsel p2, v9, v0;
	[tilespmem:v54+s30+$0x0] =	vst.idx.msk $0xffff, v53  }
0xcb: {  	v63 =	vadd.s32 v7, v17;
	[tilespmem:v11+s30+$0x0] =	vst.idx.msk @p2 $0xffff, v8;
	v8 =	vld [tilespmem:s6+$0xFFFFFFA0]  }
0xcc: {  	[tilespmem:v59+s30+$0x0] =	vst.idx.msk $0xffff, v58  }
0xcd: {  	s26 =	sshll.u32 s22, $0x14;
	[tilespmem:v10+s30+$0x0] =	vst.idx.msk $0xffff, v56  }
0xce: {  	s23 =	sor.u32 s5, s26;
	[tilespmem:v15+s30+$0x0] =	vst.idx.msk $0xffff, v60  }
0xcf: {  	s1 =	sshrl.u32 s23, $0x3;
	[tilespmem:v62+s30+$0x0] =	vst.idx.msk $0xffff, v61  }
0xd0: {  	s1 =	sadd.s32 s2, s1;
	[tilespmem:v63+s30+$0x0] =	vst.idx.msk $0xffff, v8  }
0xd1: {  	[hbm4b:s1+s3] =	stream.linear.scatter [tilespmem:s30], [sflag:$0x3], $0x80, $0x38;
	[tilespmem:$0x16C00] =	vst v63  }
0xd2: {  	s4 =	simm.s32 $0xE488;
	s28 =	sadd.s32 $0x10, s1  }
0xd3: {  	[hbm4b:s28+s3] =	stream.linear.scatter [tilespmem:s4], [sflag:$0x3], $0x80, $0x38;
	[tilespmem:$0x16C00] =	vst v63  }
0xd4: {  	s31 =	simm.s32 $0xE510;
	s29 =	sadd.s32 $0x20, s1  }
0xd5: {  	[hbm4b:s29+s3] =	stream.linear.scatter [tilespmem:s31], [sflag:$0x3], $0x80, $0x38;
	[tilespmem:$0x16C00] =	vst v63  }
0xd6: {  	s23 =	sadd.s32 $0x30, s1;
	s28 =	simm.s32 $0xE598  }
0xd7: {  	[hbm4b:s23+s3] =	stream.linear.scatter [tilespmem:s28], [sflag:$0x3], $0x80, $0x38;
	[tilespmem:$0x16C00] =	vst v63  }
0xd8: {  	s29 =	sadd.s32 $0x40, s1;
	s31 =	simm.s32 $0xE620  }
0xd9: {  	[hbm4b:s29+s3] =	stream.linear.scatter [tilespmem:s31], [sflag:$0x3], $0x80, $0x38;
	[tilespmem:$0x16C00] =	vst v63  }
0xda: {  	s4 =	sadd.s32 $0x50, s1;
	s23 =	simm.s32 $0xE6A8  }
0xdb: {  	[hbm4b:s4+s3] =	stream.linear.scatter [tilespmem:s23], [sflag:$0x3], $0x80, $0x38;
	[tilespmem:$0x16C00] =	vst v63  }
0xdc: {  	s28 =	sadd.s32 $0x60, s1;
	s29 =	simm.s32 $0xE730  }
0xdd: {  	[hbm4b:s28+s3] =	stream.linear.scatter [tilespmem:s29], [sflag:$0x3], $0x80, $0x38;
	[tilespmem:$0x16C00] =	vst v63  }
0xde: {  	s1 =	sadd.s32 $0x70, s1;
	s31 =	simm.s32 $0xE7B8;
	s4 =	sor.u32 s7, s26  }
0xdf: {  	[hbm4b:s1+s3] =	stream.linear.scatter [tilespmem:s31], [sflag:$0x3], $0x80, $0x38;
	[tilespmem:$0x16C00] =	vst v63  }
0xe0: {  	s1 =	sshrl.u32 s4, $0x3  }
0xe1: {  	s6 =	simm.s32 $0xF500;
	s1 =	sadd.s32 s2, s1  }
0xe2: {  	[hbm4b:s1+s3] =	stream.linear.scatter [tilespmem:s6], [sflag:$0x3], $0x80, $0x38;
	[tilespmem:$0x16C00] =	vst v63  }
0xe3: {  	s28 =	simm.s32 $0xF588;
	s23 =	sadd.s32 $0x10, s1  }
0xe4: {  	[hbm4b:s23+s3] =	stream.linear.scatter [tilespmem:s28], [sflag:$0x3], $0x80, $0x38;
	[tilespmem:$0x16C00] =	vst v63  }
0xe5: {  	s31 =	simm.s32 $0xF610;
	s29 =	sadd.s32 $0x20, s1  }
0xe6: {  	[hbm4b:s29+s3] =	stream.linear.scatter [tilespmem:s31], [sflag:$0x3], $0x80, $0x38;
	[tilespmem:$0x16C00] =	vst v63  }
0xe7: {  	s23 =	sadd.s32 $0x30, s1;
	s28 =	simm.s32 $0xF698  }
0xe8: {  	[hbm4b:s23+s3] =	stream.linear.scatter [tilespmem:s28], [sflag:$0x3], $0x80, $0x38;
	[tilespmem:$0x16C00] =	vst v63  }
0xe9: {  	s29 =	sadd.s32 $0x40, s1;
	s31 =	simm.s32 $0xF720  }
0xea: {  	[hbm4b:s29+s3] =	stream.linear.scatter [tilespmem:s31], [sflag:$0x3], $0x80, $0x38;
	[tilespmem:$0x16C00] =	vst v63  }
0xeb: {  	s4 =	sadd.s32 $0x50, s1;
	s23 =	simm.s32 $0xF7A8  }
0xec: {  	[hbm4b:s4+s3] =	stream.linear.scatter [tilespmem:s23], [sflag:$0x3], $0x80, $0x38;
	[tilespmem:$0x16C00] =	vst v63  }
0xed: {  	s28 =	sadd.s32 $0x60, s1;
	s29 =	simm.s32 $0xF830  }
0xee: {  	[hbm4b:s28+s3] =	stream.linear.scatter [tilespmem:s29], [sflag:$0x3], $0x80, $0x38;
	[tilespmem:$0x16C00] =	vst v63  }
0xef: {  	s1 =	sadd.s32 $0x70, s1;
	s31 =	simm.s32 $0xF8B8;
	s4 =	sor.u32 s8, s26  }
0xf0: {  	[hbm4b:s1+s3] =	stream.linear.scatter [tilespmem:s31], [sflag:$0x3], $0x80, $0x38;
	[tilespmem:$0x16C00] =	vst v63  }
0xf1: {  	s1 =	sshrl.u32 s4, $0x3  }
0xf2: {  	s6 =	simm.s32 $0x10600;
	s1 =	sadd.s32 s2, s1  }
0xf3: {  	[hbm4b:s1+s3] =	stream.linear.scatter [tilespmem:s6], [sflag:$0x3], $0x80, $0x38;
	[tilespmem:$0x16C00] =	vst v63  }
0xf4: {  	s28 =	simm.s32 $0x10688;
	s23 =	sadd.s32 $0x10, s1  }
0xf5: {  	[hbm4b:s23+s3] =	stream.linear.scatter [tilespmem:s28], [sflag:$0x3], $0x80, $0x38;
	[tilespmem:$0x16C00] =	vst v63  }
0xf6: {  	s31 =	simm.s32 $0x10710;
	s29 =	sadd.s32 $0x20, s1  }
0xf7: {  	[hbm4b:s29+s3] =	stream.linear.scatter [tilespmem:s31], [sflag:$0x3], $0x80, $0x38;
	[tilespmem:$0x16C00] =	vst v63  }
0xf8: {  	s23 =	sadd.s32 $0x30, s1;
	s28 =	simm.s32 $0x10798  }
0xf9: {  	[hbm4b:s23+s3] =	stream.linear.scatter [tilespmem:s28], [sflag:$0x3], $0x80, $0x38;
	[tilespmem:$0x16C00] =	vst v63  }
0xfa: {  	s29 =	sadd.s32 $0x40, s1;
	s31 =	simm.s32 $0x10820  }
0xfb: {  	[hbm4b:s29+s3] =	stream.linear.scatter [tilespmem:s31], [sflag:$0x3], $0x80, $0x38;
	[tilespmem:$0x16C00] =	vst v63  }
0xfc: {  	s4 =	sadd.s32 $0x50, s1;
	s23 =	simm.s32 $0x108A8  }
0xfd: {  	[hbm4b:s4+s3] =	stream.linear.scatter [tilespmem:s23], [sflag:$0x3], $0x80, $0x38;
	[tilespmem:$0x16C00] =	vst v63  }
0xfe: {  	s28 =	sadd.s32 $0x60, s1;
	s29 =	simm.s32 $0x10930  }
0xff: {  	[hbm4b:s28+s3] =	stream.linear.scatter [tilespmem:s29], [sflag:$0x3], $0x80, $0x38;
	[tilespmem:$0x16C00] =	vst v63  }
0x100: {  	s1 =	sadd.s32 $0x70, s1;
	s31 =	simm.s32 $0x109B8;
	s4 =	sor.u32 s9, s26  }
0x101: {  	[hbm4b:s1+s3] =	stream.linear.scatter [tilespmem:s31], [sflag:$0x3], $0x80, $0x38;
	[tilespmem:$0x16C00] =	vst v63  }
0x102: {  	s1 =	sshrl.u32 s4, $0x3  }
0x103: {  	s6 =	simm.s32 $0x11700;
	s1 =	sadd.s32 s2, s1  }
0x104: {  	[hbm4b:s1+s3] =	stream.linear.scatter [tilespmem:s6], [sflag:$0x3], $0x80, $0x38;
	[tilespmem:$0x16C00] =	vst v63  }
0x105: {  	s28 =	simm.s32 $0x11788;
	s23 =	sadd.s32 $0x10, s1  }
0x106: {  	[hbm4b:s23+s3] =	stream.linear.scatter [tilespmem:s28], [sflag:$0x3], $0x80, $0x38;
	[tilespmem:$0x16C00] =	vst v63  }
0x107: {  	s31 =	simm.s32 $0x11810;
	s29 =	sadd.s32 $0x20, s1  }
0x108: {  	[hbm4b:s29+s3] =	stream.linear.scatter [tilespmem:s31], [sflag:$0x3], $0x80, $0x38;
	[tilespmem:$0x16C00] =	vst v63  }
0x109: {  	s23 =	sadd.s32 $0x30, s1;
	s28 =	simm.s32 $0x11898  }
0x10a: {  	[hbm4b:s23+s3] =	stream.linear.scatter [tilespmem:s28], [sflag:$0x3], $0x80, $0x38;
	[tilespmem:$0x16C00] =	vst v63  }
0x10b: {  	s29 =	sadd.s32 $0x40, s1;
	s31 =	simm.s32 $0x11920  }
0x10c: {  	[hbm4b:s29+s3] =	stream.linear.scatter [tilespmem:s31], [sflag:$0x3], $0x80, $0x38;
	[tilespmem:$0x16C00] =	vst v63  }
0x10d: {  	s4 =	sadd.s32 $0x50, s1;
	s23 =	simm.s32 $0x119A8  }
0x10e: {  	[hbm4b:s4+s3] =	stream.linear.scatter [tilespmem:s23], [sflag:$0x3], $0x80, $0x38;
	[tilespmem:$0x16C00] =	vst v63  }
0x10f: {  	s28 =	sadd.s32 $0x60, s1;
	s29 =	simm.s32 $0x11A30  }
0x110: {  	[hbm4b:s28+s3] =	stream.linear.scatter [tilespmem:s29], [sflag:$0x3], $0x80, $0x38;
	[tilespmem:$0x16C00] =	vst v63  }
0x111: {  	s1 =	sadd.s32 $0x70, s1;
	s31 =	simm.s32 $0x11AB8;
	s4 =	sor.u32 s10, s26  }
0x112: {  	[hbm4b:s1+s3] =	stream.linear.scatter [tilespmem:s31], [sflag:$0x3], $0x80, $0x38;
	[tilespmem:$0x16C00] =	vst v63  }
0x113: {  	s1 =	sshrl.u32 s4, $0x3  }
0x114: {  	s6 =	simm.s32 $0xE840;
	s1 =	sadd.s32 s2, s1  }
0x115: {  	[hbm4b:s1+s3] =	stream.linear.scatter [tilespmem:s6], [sflag:$0x3], $0x80, $0x38;
	[tilespmem:$0x16C00] =	vst v63  }
0x116: {  	s28 =	simm.s32 $0xE8C8;
	s23 =	sadd.s32 $0x10, s1  }
0x117: {  	[hbm4b:s23+s3] =	stream.linear.scatter [tilespmem:s28], [sflag:$0x3], $0x80, $0x38;
	[tilespmem:$0x16C00] =	vst v63  }
0x118: {  	s31 =	simm.s32 $0xE950;
	s29 =	sadd.s32 $0x20, s1  }
0x119: {  	[hbm4b:s29+s3] =	stream.linear.scatter [tilespmem:s31], [sflag:$0x3], $0x80, $0x38;
	[tilespmem:$0x16C00] =	vst v63  }
0x11a: {  	s23 =	sadd.s32 $0x30, s1;
	s28 =	simm.s32 $0xE9D8  }
0x11b: {  	[hbm4b:s23+s3] =	stream.linear.scatter [tilespmem:s28], [sflag:$0x3], $0x80, $0x38;
	[tilespmem:$0x16C00] =	vst v63  }
0x11c: {  	s29 =	sadd.s32 $0x40, s1;
	s31 =	simm.s32 $0xEA60  }
0x11d: {  	[hbm4b:s29+s3] =	stream.linear.scatter [tilespmem:s31], [sflag:$0x3], $0x80, $0x38;
	[tilespmem:$0x16C00] =	vst v63  }
0x11e: {  	s4 =	sadd.s32 $0x50, s1;
	s23 =	simm.s32 $0xEAE8  }
0x11f: {  	[hbm4b:s4+s3] =	stream.linear.scatter [tilespmem:s23], [sflag:$0x3], $0x80, $0x38;
	[tilespmem:$0x16C00] =	vst v63  }
0x120: {  	s28 =	sadd.s32 $0x60, s1;
	s29 =	simm.s32 $0xEB70  }
0x121: {  	[hbm4b:s28+s3] =	stream.linear.scatter [tilespmem:s29], [sflag:$0x3], $0x80, $0x38;
	[tilespmem:$0x16C00] =	vst v63  }
0x122: {  	s1 =	sadd.s32 $0x70, s1;
	s31 =	simm.s32 $0xEBF8;
	s4 =	sor.u32 s11, s26  }
0x123: {  	[hbm4b:s1+s3] =	stream.linear.scatter [tilespmem:s31], [sflag:$0x3], $0x80, $0x38;
	[tilespmem:$0x16C00] =	vst v63  }
0x124: {  	s1 =	sshrl.u32 s4, $0x3  }
0x125: {  	s6 =	simm.s32 $0xF940;
	s1 =	sadd.s32 s2, s1  }
0x126: {  	[hbm4b:s1+s3] =	stream.linear.scatter [tilespmem:s6], [sflag:$0x3], $0x80, $0x38;
	[tilespmem:$0x16C00] =	vst v63  }
0x127: {  	s28 =	simm.s32 $0xF9C8;
	s23 =	sadd.s32 $0x10, s1  }
0x128: {  	[hbm4b:s23+s3] =	stream.linear.scatter [tilespmem:s28], [sflag:$0x3], $0x80, $0x38;
	[tilespmem:$0x16C00] =	vst v63  }
0x129: {  	s31 =	simm.s32 $0xFA50;
	s29 =	sadd.s32 $0x20, s1  }
0x12a: {  	[hbm4b:s29+s3] =	stream.linear.scatter [tilespmem:s31], [sflag:$0x3], $0x80, $0x38;
	[tilespmem:$0x16C00] =	vst v63  }
0x12b: {  	s23 =	sadd.s32 $0x30, s1;
	s28 =	simm.s32 $0xFAD8  }
0x12c: {  	[hbm4b:s23+s3] =	stream.linear.scatter [tilespmem:s28], [sflag:$0x3], $0x80, $0x38;
	[tilespmem:$0x16C00] =	vst v63  }
0x12d: {  	s29 =	sadd.s32 $0x40, s1;
	s31 =	simm.s32 $0xFB60  }
0x12e: {  	[hbm4b:s29+s3] =	stream.linear.scatter [tilespmem:s31], [sflag:$0x3], $0x80, $0x38;
	[tilespmem:$0x16C00] =	vst v63  }
0x12f: {  	s4 =	sadd.s32 $0x50, s1;
	s23 =	simm.s32 $0xFBE8  }
0x130: {  	[hbm4b:s4+s3] =	stream.linear.scatter [tilespmem:s23], [sflag:$0x3], $0x80, $0x38;
	[tilespmem:$0x16C00] =	vst v63  }
0x131: {  	s28 =	sadd.s32 $0x60, s1;
	s29 =	simm.s32 $0xFC70  }
0x132: {  	[hbm4b:s28+s3] =	stream.linear.scatter [tilespmem:s29], [sflag:$0x3], $0x80, $0x38;
	[tilespmem:$0x16C00] =	vst v63  }
0x133: {  	s1 =	sadd.s32 $0x70, s1;
	s31 =	simm.s32 $0xFCF8;
	s4 =	sor.u32 s12, s26  }
0x134: {  	[hbm4b:s1+s3] =	stream.linear.scatter [tilespmem:s31], [sflag:$0x3], $0x80, $0x38;
	[tilespmem:$0x16C00] =	vst v63  }
0x135: {  	s1 =	sshrl.u32 s4, $0x3  }
0x136: {  	s6 =	simm.s32 $0x10A40;
	s1 =	sadd.s32 s2, s1  }
0x137: {  	[hbm4b:s1+s3] =	stream.linear.scatter [tilespmem:s6], [sflag:$0x3], $0x80, $0x38;
	[tilespmem:$0x16C00] =	vst v63  }
0x138: {  	s28 =	simm.s32 $0x10AC8;
	s23 =	sadd.s32 $0x10, s1  }
0x139: {  	[hbm4b:s23+s3] =	stream.linear.scatter [tilespmem:s28], [sflag:$0x3], $0x80, $0x38;
	[tilespmem:$0x16C00] =	vst v63  }
0x13a: {  	s31 =	simm.s32 $0x10B50;
	s29 =	sadd.s32 $0x20, s1  }
0x13b: {  	[hbm4b:s29+s3] =	stream.linear.scatter [tilespmem:s31], [sflag:$0x3], $0x80, $0x38;
	[tilespmem:$0x16C00] =	vst v63  }
0x13c: {  	s23 =	sadd.s32 $0x30, s1;
	s28 =	simm.s32 $0x10BD8  }
0x13d: {  	[hbm4b:s23+s3] =	stream.linear.scatter [tilespmem:s28], [sflag:$0x3], $0x80, $0x38;
	[tilespmem:$0x16C00] =	vst v63  }
0x13e: {  	s29 =	sadd.s32 $0x40, s1;
	s31 =	simm.s32 $0x10C60  }
0x13f: {  	[hbm4b:s29+s3] =	stream.linear.scatter [tilespmem:s31], [sflag:$0x3], $0x80, $0x38;
	[tilespmem:$0x16C00] =	vst v63  }
0x140: {  	s4 =	sadd.s32 $0x50, s1;
	s23 =	simm.s32 $0x10CE8  }
0x141: {  	[hbm4b:s4+s3] =	stream.linear.scatter [tilespmem:s23], [sflag:$0x3], $0x80, $0x38;
	[tilespmem:$0x16C00] =	vst v63  }
0x142: {  	s28 =	sadd.s32 $0x60, s1;
	s29 =	simm.s32 $0x10D70  }
0x143: {  	[hbm4b:s28+s3] =	stream.linear.scatter [tilespmem:s29], [sflag:$0x3], $0x80, $0x38;
	[tilespmem:$0x16C00] =	vst v63  }
0x144: {  	s1 =	sadd.s32 $0x70, s1;
	s31 =	simm.s32 $0x10DF8;
	s4 =	sor.u32 s13, s26  }
0x145: {  	[hbm4b:s1+s3] =	stream.linear.scatter [tilespmem:s31], [sflag:$0x3], $0x80, $0x38;
	[tilespmem:$0x16C00] =	vst v63  }
0x146: {  	s1 =	sshrl.u32 s4, $0x3  }
0x147: {  	s6 =	simm.s32 $0x11B40;
	s1 =	sadd.s32 s2, s1  }
0x148: {  	[hbm4b:s1+s3] =	stream.linear.scatter [tilespmem:s6], [sflag:$0x3], $0x80, $0x38;
	[tilespmem:$0x16C00] =	vst v63  }
0x149: {  	s28 =	simm.s32 $0x11BC8;
	s23 =	sadd.s32 $0x10, s1  }
0x14a: {  	[hbm4b:s23+s3] =	stream.linear.scatter [tilespmem:s28], [sflag:$0x3], $0x80, $0x38;
	[tilespmem:$0x16C00] =	vst v63  }
0x14b: {  	s31 =	simm.s32 $0x11C50;
	s29 =	sadd.s32 $0x20, s1  }
0x14c: {  	[hbm4b:s29+s3] =	stream.linear.scatter [tilespmem:s31], [sflag:$0x3], $0x80, $0x38;
	[tilespmem:$0x16C00] =	vst v63  }
0x14d: {  	s23 =	sadd.s32 $0x30, s1;
	s28 =	simm.s32 $0x11CD8  }
0x14e: {  	[hbm4b:s23+s3] =	stream.linear.scatter [tilespmem:s28], [sflag:$0x3], $0x80, $0x38;
	[tilespmem:$0x16C00] =	vst v63  }
0x14f: {  	s29 =	sadd.s32 $0x40, s1;
	s31 =	simm.s32 $0x11D60  }
0x150: {  	[hbm4b:s29+s3] =	stream.linear.scatter [tilespmem:s31], [sflag:$0x3], $0x80, $0x38;
	[tilespmem:$0x16C00] =	vst v63  }
0x151: {  	s4 =	sadd.s32 $0x50, s1;
	s23 =	simm.s32 $0x11DE8  }
0x152: {  	[hbm4b:s4+s3] =	stream.linear.scatter [tilespmem:s23], [sflag:$0x3], $0x80, $0x38;
	[tilespmem:$0x16C00] =	vst v63  }
0x153: {  	s28 =	sadd.s32 $0x60, s1;
	s29 =	simm.s32 $0x11E70  }
0x154: {  	[hbm4b:s28+s3] =	stream.linear.scatter [tilespmem:s29], [sflag:$0x3], $0x80, $0x38;
	[tilespmem:$0x16C00] =	vst v63  }
0x155: {  	s1 =	sadd.s32 $0x70, s1;
	s31 =	simm.s32 $0x11EF8;
	s4 =	sor.u32 s14, s26  }
0x156: {  	[hbm4b:s1+s3] =	stream.linear.scatter [tilespmem:s31], [sflag:$0x3], $0x80, $0x38;
	[tilespmem:$0x16C00] =	vst v63  }
0x157: {  	s1 =	sshrl.u32 s4, $0x3  }
0x158: {  	s6 =	simm.s32 $0xEC80;
	s1 =	sadd.s32 s2, s1  }
0x159: {  	[hbm4b:s1+s3] =	stream.linear.scatter [tilespmem:s6], [sflag:$0x3], $0x80, $0x38;
	[tilespmem:$0x16C00] =	vst v63  }
0x15a: {  	s28 =	simm.s32 $0xED08;
	s23 =	sadd.s32 $0x10, s1  }
0x15b: {  	[hbm4b:s23+s3] =	stream.linear.scatter [tilespmem:s28], [sflag:$0x3], $0x80, $0x38;
	[tilespmem:$0x16C00] =	vst v63  }
0x15c: {  	s31 =	simm.s32 $0xED90;
	s29 =	sadd.s32 $0x20, s1  }
0x15d: {  	[hbm4b:s29+s3] =	stream.linear.scatter [tilespmem:s31], [sflag:$0x3], $0x80, $0x38;
	[tilespmem:$0x16C00] =	vst v63  }
0x15e: {  	s23 =	sadd.s32 $0x30, s1;
	s28 =	simm.s32 $0xEE18  }
0x15f: {  	[hbm4b:s23+s3] =	stream.linear.scatter [tilespmem:s28], [sflag:$0x3], $0x80, $0x38;
	[tilespmem:$0x16C00] =	vst v63  }
0x160: {  	s29 =	sadd.s32 $0x40, s1;
	s31 =	simm.s32 $0xEEA0  }
0x161: {  	[hbm4b:s29+s3] =	stream.linear.scatter [tilespmem:s31], [sflag:$0x3], $0x80, $0x38;
	[tilespmem:$0x16C00] =	vst v63  }
0x162: {  	s4 =	sadd.s32 $0x50, s1;
	s23 =	simm.s32 $0xEF28  }
0x163: {  	[hbm4b:s4+s3] =	stream.linear.scatter [tilespmem:s23], [sflag:$0x3], $0x80, $0x38;
	[tilespmem:$0x16C00] =	vst v63  }
0x164: {  	s28 =	sadd.s32 $0x60, s1;
	s29 =	simm.s32 $0xEFB0  }
0x165: {  	[hbm4b:s28+s3] =	stream.linear.scatter [tilespmem:s29], [sflag:$0x3], $0x80, $0x38;
	[tilespmem:$0x16C00] =	vst v63  }
0x166: {  	s1 =	sadd.s32 $0x70, s1;
	s31 =	simm.s32 $0xF038;
	s4 =	sor.u32 s15, s26  }
0x167: {  	[hbm4b:s1+s3] =	stream.linear.scatter [tilespmem:s31], [sflag:$0x3], $0x80, $0x38;
	[tilespmem:$0x16C00] =	vst v63  }
0x168: {  	s1 =	sshrl.u32 s4, $0x3  }
0x169: {  	s6 =	simm.s32 $0xFD80;
	s1 =	sadd.s32 s2, s1  }
0x16a: {  	[hbm4b:s1+s3] =	stream.linear.scatter [tilespmem:s6], [sflag:$0x3], $0x80, $0x38;
	[tilespmem:$0x16C00] =	vst v63  }
0x16b: {  	s28 =	simm.s32 $0xFE08;
	s23 =	sadd.s32 $0x10, s1  }
0x16c: {  	[hbm4b:s23+s3] =	stream.linear.scatter [tilespmem:s28], [sflag:$0x3], $0x80, $0x38;
	[tilespmem:$0x16C00] =	vst v63  }
0x16d: {  	s31 =	simm.s32 $0xFE90;
	s29 =	sadd.s32 $0x20, s1  }
0x16e: {  	[hbm4b:s29+s3] =	stream.linear.scatter [tilespmem:s31], [sflag:$0x3], $0x80, $0x38;
	[tilespmem:$0x16C00] =	vst v63  }
0x16f: {  	s23 =	sadd.s32 $0x30, s1;
	s28 =	simm.s32 $0xFF18  }
0x170: {  	[hbm4b:s23+s3] =	stream.linear.scatter [tilespmem:s28], [sflag:$0x3], $0x80, $0x38;
	[tilespmem:$0x16C00] =	vst v63  }
0x171: {  	s29 =	sadd.s32 $0x40, s1;
	s31 =	simm.s32 $0xFFA0  }
0x172: {  	[hbm4b:s29+s3] =	stream.linear.scatter [tilespmem:s31], [sflag:$0x3], $0x80, $0x38;
	[tilespmem:$0x16C00] =	vst v63  }
0x173: {  	s4 =	sadd.s32 $0x50, s1;
	s23 =	simm.s32 $0x10028  }
0x174: {  	[hbm4b:s4+s3] =	stream.linear.scatter [tilespmem:s23], [sflag:$0x3], $0x80, $0x38;
	[tilespmem:$0x16C00] =	vst v63  }
0x175: {  	s28 =	sadd.s32 $0x60, s1;
	s29 =	simm.s32 $0x100B0  }
0x176: {  	[hbm4b:s28+s3] =	stream.linear.scatter [tilespmem:s29], [sflag:$0x3], $0x80, $0x38;
	[tilespmem:$0x16C00] =	vst v63  }
0x177: {  	s1 =	sadd.s32 $0x70, s1;
	s31 =	simm.s32 $0x10138;
	s4 =	sor.u32 s16, s26  }
0x178: {  	[hbm4b:s1+s3] =	stream.linear.scatter [tilespmem:s31], [sflag:$0x3], $0x80, $0x38;
	[tilespmem:$0x16C00] =	vst v63  }
0x179: {  	s1 =	sshrl.u32 s4, $0x3  }
0x17a: {  	s6 =	simm.s32 $0x10E80;
	s1 =	sadd.s32 s2, s1  }
0x17b: {  	[hbm4b:s1+s3] =	stream.linear.scatter [tilespmem:s6], [sflag:$0x3], $0x80, $0x38;
	[tilespmem:$0x16C00] =	vst v63  }
0x17c: {  	s28 =	simm.s32 $0x10F08;
	s23 =	sadd.s32 $0x10, s1  }
0x17d: {  	[hbm4b:s23+s3] =	stream.linear.scatter [tilespmem:s28], [sflag:$0x3], $0x80, $0x38;
	[tilespmem:$0x16C00] =	vst v63  }
0x17e: {  	s31 =	simm.s32 $0x10F90;
	s29 =	sadd.s32 $0x20, s1  }
0x17f: {  	[hbm4b:s29+s3] =	stream.linear.scatter [tilespmem:s31], [sflag:$0x3], $0x80, $0x38;
	[tilespmem:$0x16C00] =	vst v63  }
0x180: {  	s23 =	sadd.s32 $0x30, s1;
	s28 =	simm.s32 $0x11018  }
0x181: {  	[hbm4b:s23+s3] =	stream.linear.scatter [tilespmem:s28], [sflag:$0x3], $0x80, $0x38;
	[tilespmem:$0x16C00] =	vst v63  }
0x182: {  	s29 =	sadd.s32 $0x40, s1;
	s31 =	simm.s32 $0x110A0  }
0x183: {  	[hbm4b:s29+s3] =	stream.linear.scatter [tilespmem:s31], [sflag:$0x3], $0x80, $0x38;
	[tilespmem:$0x16C00] =	vst v63  }
0x184: {  	s4 =	sadd.s32 $0x50, s1;
	s23 =	simm.s32 $0x11128  }
0x185: {  	[hbm4b:s4+s3] =	stream.linear.scatter [tilespmem:s23], [sflag:$0x3], $0x80, $0x38;
	[tilespmem:$0x16C00] =	vst v63  }
0x186: {  	s28 =	sadd.s32 $0x60, s1;
	s29 =	simm.s32 $0x111B0  }
0x187: {  	[hbm4b:s28+s3] =	stream.linear.scatter [tilespmem:s29], [sflag:$0x3], $0x80, $0x38;
	[tilespmem:$0x16C00] =	vst v63  }
0x188: {  	s1 =	sadd.s32 $0x70, s1;
	s31 =	simm.s32 $0x11238;
	s4 =	sor.u32 s17, s26  }
0x189: {  	[hbm4b:s1+s3] =	stream.linear.scatter [tilespmem:s31], [sflag:$0x3], $0x80, $0x38;
	[tilespmem:$0x16C00] =	vst v63  }
0x18a: {  	s1 =	sshrl.u32 s4, $0x3  }
0x18b: {  	s6 =	simm.s32 $0x11F80;
	s1 =	sadd.s32 s2, s1  }
0x18c: {  	[hbm4b:s1+s3] =	stream.linear.scatter [tilespmem:s6], [sflag:$0x3], $0x80, $0x38;
	[tilespmem:$0x16C00] =	vst v63  }
0x18d: {  	s28 =	simm.s32 $0x12008;
	s23 =	sadd.s32 $0x10, s1  }
0x18e: {  	[hbm4b:s23+s3] =	stream.linear.scatter [tilespmem:s28], [sflag:$0x3], $0x80, $0x38;
	[tilespmem:$0x16C00] =	vst v63  }
0x18f: {  	s31 =	simm.s32 $0x12090;
	s29 =	sadd.s32 $0x20, s1  }
0x190: {  	[hbm4b:s29+s3] =	stream.linear.scatter [tilespmem:s31], [sflag:$0x3], $0x80, $0x38;
	[tilespmem:$0x16C00] =	vst v63  }
0x191: {  	s23 =	sadd.s32 $0x30, s1;
	s28 =	simm.s32 $0x12118  }
0x192: {  	[hbm4b:s23+s3] =	stream.linear.scatter [tilespmem:s28], [sflag:$0x3], $0x80, $0x38;
	[tilespmem:$0x16C00] =	vst v63  }
0x193: {  	s29 =	sadd.s32 $0x40, s1;
	s31 =	simm.s32 $0x121A0  }
0x194: {  	[hbm4b:s29+s3] =	stream.linear.scatter [tilespmem:s31], [sflag:$0x3], $0x80, $0x38;
	[tilespmem:$0x16C00] =	vst v63  }
0x195: {  	s4 =	sadd.s32 $0x50, s1;
	s23 =	simm.s32 $0x12228  }
0x196: {  	[hbm4b:s4+s3] =	stream.linear.scatter [tilespmem:s23], [sflag:$0x3], $0x80, $0x38;
	[tilespmem:$0x16C00] =	vst v63  }
0x197: {  	s28 =	sadd.s32 $0x60, s1;
	s29 =	simm.s32 $0x122B0  }
0x198: {  	[hbm4b:s28+s3] =	stream.linear.scatter [tilespmem:s29], [sflag:$0x3], $0x80, $0x38;
	[tilespmem:$0x16C00] =	vst v63  }
0x199: {  	s1 =	sadd.s32 $0x70, s1;
	s31 =	simm.s32 $0x12338;
	s4 =	sor.u32 s18, s26  }
0x19a: {  	[hbm4b:s1+s3] =	stream.linear.scatter [tilespmem:s31], [sflag:$0x3], $0x80, $0x38;
	[tilespmem:$0x16C00] =	vst v63  }
0x19b: {  	s1 =	sshrl.u32 s4, $0x3  }
0x19c: {  	s6 =	simm.s32 $0xF0C0;
	s1 =	sadd.s32 s2, s1  }
0x19d: {  	[hbm4b:s1+s3] =	stream.linear.scatter [tilespmem:s6], [sflag:$0x3], $0x80, $0x38;
	[tilespmem:$0x16C00] =	vst v63  }
0x19e: {  	s28 =	simm.s32 $0xF148;
	s23 =	sadd.s32 $0x10, s1  }
0x19f: {  	[hbm4b:s23+s3] =	stream.linear.scatter [tilespmem:s28], [sflag:$0x3], $0x80, $0x38;
	[tilespmem:$0x16C00] =	vst v63  }
0x1a0: {  	s31 =	simm.s32 $0xF1D0;
	s29 =	sadd.s32 $0x20, s1  }
0x1a1: {  	[hbm4b:s29+s3] =	stream.linear.scatter [tilespmem:s31], [sflag:$0x3], $0x80, $0x38;
	[tilespmem:$0x16C00] =	vst v63  }
0x1a2: {  	s23 =	sadd.s32 $0x30, s1;
	s28 =	simm.s32 $0xF258  }
0x1a3: {  	[hbm4b:s23+s3] =	stream.linear.scatter [tilespmem:s28], [sflag:$0x3], $0x80, $0x38;
	[tilespmem:$0x16C00] =	vst v63  }
0x1a4: {  	s29 =	sadd.s32 $0x40, s1;
	s31 =	simm.s32 $0xF2E0  }
0x1a5: {  	[hbm4b:s29+s3] =	stream.linear.scatter [tilespmem:s31], [sflag:$0x3], $0x80, $0x38;
	[tilespmem:$0x16C00] =	vst v63  }
0x1a6: {  	s4 =	sadd.s32 $0x50, s1;
	s23 =	simm.s32 $0xF368  }
0x1a7: {  	[hbm4b:s4+s3] =	stream.linear.scatter [tilespmem:s23], [sflag:$0x3], $0x80, $0x38;
	[tilespmem:$0x16C00] =	vst v63  }
0x1a8: {  	s28 =	sadd.s32 $0x60, s1;
	s29 =	simm.s32 $0xF3F0  }
0x1a9: {  	[hbm4b:s28+s3] =	stream.linear.scatter [tilespmem:s29], [sflag:$0x3], $0x80, $0x38;
	[tilespmem:$0x16C00] =	vst v63  }
0x1aa: {  	s1 =	sadd.s32 $0x70, s1;
	s31 =	simm.s32 $0xF478;
	s4 =	sor.u32 s19, s26  }
0x1ab: {  	[hbm4b:s1+s3] =	stream.linear.scatter [tilespmem:s31], [sflag:$0x3], $0x80, $0x38;
	[tilespmem:$0x16C00] =	vst v63  }
0x1ac: {  	s1 =	sshrl.u32 s4, $0x3  }
0x1ad: {  	s6 =	simm.s32 $0x101C0;
	s1 =	sadd.s32 s2, s1  }
0x1ae: {  	[hbm4b:s1+s3] =	stream.linear.scatter [tilespmem:s6], [sflag:$0x3], $0x80, $0x38;
	[tilespmem:$0x16C00] =	vst v63  }
0x1af: {  	s28 =	simm.s32 $0x10248;
	s23 =	sadd.s32 $0x10, s1  }
0x1b0: {  	[hbm4b:s23+s3] =	stream.linear.scatter [tilespmem:s28], [sflag:$0x3], $0x80, $0x38;
	[tilespmem:$0x16C00] =	vst v63  }
0x1b1: {  	s31 =	simm.s32 $0x102D0;
	s29 =	sadd.s32 $0x20, s1  }
0x1b2: {  	[hbm4b:s29+s3] =	stream.linear.scatter [tilespmem:s31], [sflag:$0x3], $0x80, $0x38;
	[tilespmem:$0x16C00] =	vst v63  }
0x1b3: {  	s23 =	sadd.s32 $0x30, s1;
	s28 =	simm.s32 $0x10358  }
0x1b4: {  	[hbm4b:s23+s3] =	stream.linear.scatter [tilespmem:s28], [sflag:$0x3], $0x80, $0x38;
	[tilespmem:$0x16C00] =	vst v63  }
0x1b5: {  	s29 =	sadd.s32 $0x40, s1;
	s31 =	simm.s32 $0x103E0  }
0x1b6: {  	[hbm4b:s29+s3] =	stream.linear.scatter [tilespmem:s31], [sflag:$0x3], $0x80, $0x38;
	[tilespmem:$0x16C00] =	vst v63  }
0x1b7: {  	s4 =	sadd.s32 $0x50, s1;
	s23 =	simm.s32 $0x10468  }
0x1b8: {  	[hbm4b:s4+s3] =	stream.linear.scatter [tilespmem:s23], [sflag:$0x3], $0x80, $0x38;
	[tilespmem:$0x16C00] =	vst v63  }
0x1b9: {  	s28 =	sadd.s32 $0x60, s1;
	s29 =	simm.s32 $0x104F0  }
0x1ba: {  	[hbm4b:s28+s3] =	stream.linear.scatter [tilespmem:s29], [sflag:$0x3], $0x80, $0x38;
	[tilespmem:$0x16C00] =	vst v63  }
0x1bb: {  	s1 =	sadd.s32 $0x70, s1;
	s31 =	simm.s32 $0x10578;
	s4 =	sor.u32 s20, s26  }
0x1bc: {  	[hbm4b:s1+s3] =	stream.linear.scatter [tilespmem:s31], [sflag:$0x3], $0x80, $0x38;
	[tilespmem:$0x16C00] =	vst v63  }
0x1bd: {  	s1 =	sshrl.u32 s4, $0x3  }
0x1be: {  	s6 =	simm.s32 $0x112C0;
	s1 =	sadd.s32 s2, s1  }
0x1bf: {  	[hbm4b:s1+s3] =	stream.linear.scatter [tilespmem:s6], [sflag:$0x3], $0x80, $0x38;
	[tilespmem:$0x16C00] =	vst v63  }
0x1c0: {  	s28 =	simm.s32 $0x11348;
	s23 =	sadd.s32 $0x10, s1  }
0x1c1: {  	[hbm4b:s23+s3] =	stream.linear.scatter [tilespmem:s28], [sflag:$0x3], $0x80, $0x38;
	[tilespmem:$0x16C00] =	vst v63  }
0x1c2: {  	s31 =	simm.s32 $0x113D0;
	s29 =	sadd.s32 $0x20, s1  }
0x1c3: {  	[hbm4b:s29+s3] =	stream.linear.scatter [tilespmem:s31], [sflag:$0x3], $0x80, $0x38;
	[tilespmem:$0x16C00] =	vst v63  }
0x1c4: {  	s23 =	sadd.s32 $0x30, s1;
	s28 =	simm.s32 $0x11458  }
0x1c5: {  	[hbm4b:s23+s3] =	stream.linear.scatter [tilespmem:s28], [sflag:$0x3], $0x80, $0x38;
	[tilespmem:$0x16C00] =	vst v63  }
0x1c6: {  	s29 =	sadd.s32 $0x40, s1;
	s31 =	simm.s32 $0x114E0  }
0x1c7: {  	[hbm4b:s29+s3] =	stream.linear.scatter [tilespmem:s31], [sflag:$0x3], $0x80, $0x38;
	[tilespmem:$0x16C00] =	vst v63  }
0x1c8: {  	s4 =	sadd.s32 $0x50, s1;
	s23 =	simm.s32 $0x11568  }
0x1c9: {  	[hbm4b:s4+s3] =	stream.linear.scatter [tilespmem:s23], [sflag:$0x3], $0x80, $0x38;
	[tilespmem:$0x16C00] =	vst v63  }
0x1ca: {  	s28 =	sadd.s32 $0x60, s1;
	s29 =	simm.s32 $0x115F0  }
0x1cb: {  	[hbm4b:s28+s3] =	stream.linear.scatter [tilespmem:s29], [sflag:$0x3], $0x80, $0x38;
	[tilespmem:$0x16C00] =	vst v63  }
0x1cc: {  	s1 =	sadd.s32 $0x70, s1;
	s31 =	simm.s32 $0x11678;
	s4 =	sor.u32 s21, s26  }
0x1cd: {  	[hbm4b:s1+s3] =	stream.linear.scatter [tilespmem:s31], [sflag:$0x3], $0x80, $0x38;
	[tilespmem:$0x16C00] =	vst v63  }
0x1ce: {  	s1 =	sshrl.u32 s4, $0x3  }
0x1cf: {  	s6 =	simm.s32 $0x123C0;
	s1 =	sadd.s32 s2, s1  }
0x1d0: {  	[hbm4b:s1+s3] =	stream.linear.scatter [tilespmem:s6], [sflag:$0x3], $0x80, $0x38;
	[tilespmem:$0x16C00] =	vst v63  }
0x1d1: {  	s28 =	simm.s32 $0x12448;
	s23 =	sadd.s32 $0x10, s1  }
0x1d2: {  	[hbm4b:s23+s3] =	stream.linear.scatter [tilespmem:s28], [sflag:$0x3], $0x80, $0x38;
	[tilespmem:$0x16C00] =	vst v63  }
0x1d3: {  	s31 =	simm.s32 $0x124D0;
	s29 =	sadd.s32 $0x20, s1  }
0x1d4: {  	[hbm4b:s29+s3] =	stream.linear.scatter [tilespmem:s31], [sflag:$0x3], $0x80, $0x38;
	[tilespmem:$0x16C00] =	vst v63  }
0x1d5: {  	s23 =	sadd.s32 $0x30, s1;
	s28 =	simm.s32 $0x12558  }
0x1d6: {  	[hbm4b:s23+s3] =	stream.linear.scatter [tilespmem:s28], [sflag:$0x3], $0x80, $0x38;
	[tilespmem:$0x16C00] =	vst v63  }
0x1d7: {  	s29 =	sadd.s32 $0x40, s1;
	s31 =	simm.s32 $0x125E0  }
0x1d8: {  	[hbm4b:s29+s3] =	stream.linear.scatter [tilespmem:s31], [sflag:$0x3], $0x80, $0x38;
	[tilespmem:$0x16C00] =	vst v63  }
0x1d9: {  	p1 =	sne.s32 s22, $0x18;
	s4 =	sadd.s32 $0x50, s1;
	s23 =	simm.s32 $0x12668  }
0x1da: {  	[hbm4b:s4+s3] =	stream.linear.scatter [tilespmem:s23], [sflag:$0x3], $0x80, $0x38;
	[tilespmem:$0x16C00] =	vst v63  }
.Ltmp12:
0x1db: {  	_ = 	snop;
	(pc) =	sbr.rel @p1 .LBB2_23-.Ltmp12, $4  }
0x1dc: {  	s28 =	sadd.s32 $0x60, s1;
	s29 =	simm.s32 $0x126F0  }
0x1dd: {  	[hbm4b:s28+s3] =	stream.linear.scatter [tilespmem:s29], [sflag:$0x3], $0x80, $0x38;
	[tilespmem:$0x16C00] =	vst v63  }
0x1de: {  	s1 =	sadd.s32 $0x70, s1;
	s31 =	simm.s32 $0x12778  }
0x1df: {  	[hbm4b:s1+s3] =	stream.linear.scatter [tilespmem:s31], [sflag:$0x3], $0x80, $0x38;
	[tilespmem:$0x16C00] =	vst v63  }
.Ltmp13:
0x1e0: {  	(pc) =	sbr.rel .LBB2_24-.Ltmp13, $4  }
0x1e1: {  	_ = 	snop  }
0x1e2: {  	_ =	swait.ge [sflag:s0], $0x4000  }
0x1e3: {  	[sflag:s0] =	ssyncset.done $0x0  }
0x1e4: {  	[sflag:s0] =	ssyncadd.s32 $0xFFFFC000  }
.LBB2_23:
0x1e5: {  	s1 =	sshrl.u32 s25, $0x2;
	s4 =	rddreg [dreg:$0x3];
	s6 =	simm.s32 $0x200  }
.Ltmp14:
0x1e6: {  	s23 =	simm.s32 $0x6400;
	s1 =	sadd.s32 $0x400, s1;
	(pc) =	sbr.rel @p0 .LBB2_25-.Ltmp14, $4  }
0x1e7: {  	[tilespmem:s23], [sflag:$0x1] =	stream.indirect.gather [hbm4b:s4+s6], $0x20, s1, s6, $0xb8;
	[tilespmem:$0x16C00] =	vst v63  }
0x1e8: {  	_ =	swait.ge [sflag:s0], $0x4000  }
0x1e9: {  	[sflag:s0] =	ssyncset.done $0x0  }
0x1ea: {  	[sflag:s0] =	ssyncadd.s32 $0xFFFFC000  }
.LBB2_24:
0x1eb: {  	s1 =	simm.s32 $0x4  }
0x1ec: {  	_ =	swait.ge [sflag:s1], $0x4000  }
0x1ed: {  	[sflag:s1] =	ssyncset.done $0x0  }
0x1ee: {  	[sflag:s1] =	ssyncadd.s32 $0xFFFFC000  }
.LBB2_25:
0x1ef: {  	s1 =	simm.s32 $0x3  }
0x1f0: {  	s6 =	simm.s32 $0xA440;
	s4 =	simm.s32 $0x1;
	v8 =	vmov s1  }
0x1f1: {  	s23 =	simm.s32 $0x2;
	v10 =	vmov s4;
	v13 =	vld [tilespmem:s6+$0x30];
	v9 =	vand.u32 $0x7F, v8  }
0x1f2: {  	v11 =	vmov s23;
	v8 =	vld [tilespmem:s6+$0x20];
	v10 =	vand.u32 $0x7D, v10;
	v12 =	vadd.s32 v0, v9  }
0x1f3: {  	v15 =	vld [tilespmem:s6+$0xFFFFFFE0];
	v11 =	vand.u32 $0x7E, v11;
	v17 =	vadd.s32 v0, v10  }
0x1f4: {  	v21 =	vld [tilespmem:s6+$0x0];
	v22 =	vadd.s32 v0, v11  }
0x1f5: {  	s29 =	simm.s32 $0x0;
	v16 =	vld [tilespmem:s6+$0xFFFFFFD0];
	v14 =	vadd.s32 v1, v9  }
0x1f6: {  	v18 =	vld [tilespmem:s6+$0xFFFFFFF0];
	s23 =	simm.s32 $0x7;
	v20 =	vmov s29;
	v19 =	vadd.s32 v1, v10  }
0x1f7: {  	v23 =	vadd.s32 v1, v11;
	[tilespmem:v12+s24+$0x0] =	vst.idx.msk $0xffff, v8;
	v12 =	vmov s23;
	v8 =	vand.u32 $0x7C, v20;
	v20 =	vld [tilespmem:s6+$0x10]  }
0x1f8: {  	v25 =	vld [tilespmem:s6+$0xFFFFFFC0];
	s1 =	simm.s32 $0xA4C0;
	[tilespmem:v17+s24+$0x0] =	vst.idx.msk $0xffff, v15;
	v12 =	vand.u32 $0x7F, v12;
	v26 =	vadd.s32 v0, v8  }
0x1f9: {  	s4 =	simm.s32 $0x5;
	v27 =	vld [tilespmem:s1+$0x20];
	[tilespmem:v22+s24+$0x0] =	vst.idx.msk $0xffff, v21;
	v28 =	vadd.s32 v0, v12  }
0x1fa: {  	v29 =	vld [tilespmem:s1+$0x30];
	[tilespmem:v14+s24+$0x0] =	vst.idx.msk $0xffff, v13;
	v13 =	vmov s4;
	v30 =	vadd.s32 v1, v12  }
0x1fb: {  	v17 =	vld [tilespmem:s1+$0xFFFFFFD0];
	s23 =	simm.s32 $0x6;
	[tilespmem:v19+s24+$0x0] =	vst.idx.msk $0xffff, v18;
	v24 =	vadd.s32 v1, v8;
	v13 =	vand.u32 $0x7D, v13  }
0x1fc: {  	v18 =	vld [tilespmem:s1+$0xFFFFFFE0];
	v14 =	vmov s23;
	v21 =	vadd.s32 v0, v13;
	[tilespmem:v23+s24+$0x0] =	vst.idx.msk $0xffff, v20  }
0x1fd: {  	s29 =	simm.s32 $0x4;
	v19 =	vld [tilespmem:s1+$0xFFFFFFF0];
	v14 =	vand.u32 $0x7E, v14;
	v22 =	vadd.s32 v1, v13;
	[tilespmem:v26+s24+$0x0] =	vst.idx.msk $0xffff, v25  }
0x1fe: {  	s6 =	simm.s32 $0xB;
	v15 =	vmov s29;
	v20 =	vld [tilespmem:s1+$0x0];
	v23 =	vadd.s32 v0, v14;
	[tilespmem:v28+s24+$0x0] =	vst.idx.msk $0xffff, v27  }
0x1ff: {  	s28 =	simm.s32 $0x8;
	s31 =	simm.s32 $0xC;
	s23 =	simm.s32 $0x8;
	v25 =	vld [tilespmem:s1+$0x10];
	v26 =	vadd.s32 v1, v14;
	v28 =	vmov s6;
	v27 =	vand.u32 $0x7C, v15;
	[tilespmem:v30+s24+$0x0] =	vst.idx.msk $0xffff, v29  }
.LBB2_26:
0x200: {  	p0 =	slt.u32 s31, $0x7C;
	v28 =	vand.u32 $0x7F, v28;
	v29 =	vld [tilespmem:s1+$0xFFFFFFC0];
	v30 =	vadd.s32 v0, v27;
	s1 =	sadd.s32 $0x80, s1;
	[tilespmem:v24+s24+$0x0] =	vst.idx.msk $0xffff, v16;
	v16 =	vmov v17  }
0x201: {  	s29 =	sadd.s32 $0x1, s23;
	v31 =	vld [tilespmem:s1+$0x20];
	v32 =	vadd.s32 v0, v28;
	[tilespmem:v21+s24+$0x0] =	vst.idx.msk $0xffff, v18  }
0x202: {  	v18 =	vmov s29;
	v34 =	vadd.s32 v1, v28;
	v33 =	vld [tilespmem:s1+$0x30];
	[tilespmem:v22+s24+$0x0] =	vst.idx.msk $0xffff, v19  }
.Ltmp15:
0x203: {  	v24 =	vadd.s32 v1, v27;
	s29 =	sadd.s32 $0x2, s23;
	v22 =	vand.u32 $0x7D, v18;
	v17 =	vld [tilespmem:s1+$0xFFFFFFD0];
	[tilespmem:v23+s24+$0x0] =	vst.idx.msk $0xffff, v20;
	(pc) =	sbr.rel @p0 .LBB2_26-.Ltmp15, $4  }
0x204: {  	v21 =	vadd.s32 v0, v22;
	v20 =	vmov s29;
	v18 =	vld [tilespmem:s1+$0xFFFFFFE0];
	[tilespmem:v26+s24+$0x0] =	vst.idx.msk $0xffff, v25  }
0x205: {  	v22 =	vadd.s32 v1, v22;
	v26 =	vand.u32 $0x7E, v20;
	v19 =	vld [tilespmem:s1+$0xFFFFFFF0];
	[tilespmem:v30+s24+$0x0] =	vst.idx.msk $0xffff, v29  }
0x206: {  	s29 =	sadd.s32 $0x3, s31;
	v25 =	vmov s23;
	s23 =	smov.u32 s31;
	v23 =	vadd.s32 v0, v26;
	v20 =	vld [tilespmem:s1+$0x0];
	[tilespmem:v32+s24+$0x0] =	vst.idx.msk $0xffff, v31  }
0x207: {  	v28 =	vmov s29;
	s31 =	sadd.s32 $0x4, s31;
	v27 =	vand.u32 $0x7C, v25;
	v26 =	vadd.s32 v1, v26;
	v25 =	vld [tilespmem:s1+$0x10];
	[tilespmem:v34+s24+$0x0] =	vst.idx.msk $0xffff, v33  }
0x208: {  	_ =	sdelay $0x3  }
0x209: {  	v28 =	vand.u32 $0x7F, v28;
	v29 =	vld [tilespmem:s1+$0xFFFFFFC0];
	v30 =	vadd.s32 v0, v27;
	s31 =	sadd.s32 $0x80, s1;
	[tilespmem:v24+s24+$0x0] =	vst.idx.msk $0xffff, v16  }
0x20a: {  	s29 =	sadd.s32 $0x1, s23;
	v16 =	vld [tilespmem:s31+$0x20];
	v54 =	vadd.s32 v0, v28;
	[tilespmem:v21+s24+$0x0] =	vst.idx.msk $0xffff, v18  }
0x20b: {  	v18 =	vmov s29;
	v21 =	vld [tilespmem:s31+$0x30];
	v28 =	vadd.s32 v1, v28;
	[tilespmem:v22+s24+$0x0] =	vst.idx.msk $0xffff, v19  }
0x20c: {  	s4 =	sadd.s32 $0x2, s23;
	v18 =	vand.u32 $0x7D, v18;
	v19 =	vadd.s32 v1, v27;
	[tilespmem:v23+s24+$0x0] =	vst.idx.msk $0xffff, v20  }
0x20d: {  	v20 =	vld [tilespmem:s31+$0xFFFFFFE0];
	v22 =	vadd.s32 v0, v18;
	v23 =	vmov s4;
	[tilespmem:v26+s24+$0x0] =	vst.idx.msk $0xffff, v25  }
0x20e: {  	v55 =	vld [tilespmem:s31+$0xFFFFFFF0];
	v18 =	vadd.s32 v1, v18;
	v23 =	vand.u32 $0x7E, v23;
	[tilespmem:v30+s24+$0x0] =	vst.idx.msk $0xffff, v29  }
0x20f: {  	v56 =	vmov s23;
	v57 =	vld [tilespmem:s31+$0x0];
	v58 =	vadd.s32 v0, v23;
	[tilespmem:v54+s24+$0x0] =	vst.idx.msk $0xffff, v16  }
0x210: {  	v59 =	vld [tilespmem:s31+$0x10];
	v23 =	vadd.s32 v1, v23;
	v16 =	vand.u32 $0x7C, v56;
	[tilespmem:v28+s24+$0x0] =	vst.idx.msk $0xffff, v21  }
0x211: {  	v21 =	vld [tilespmem:s31+$0xFFFFFFC0];
	v26 =	vadd.s32 v0, v16;
	[tilespmem:v19+s24+$0x0] =	vst.idx.msk $0xffff, v17  }
0x212: {  	v17 =	vld [tilespmem:s31+$0xFFFFFFD0];
	v16 =	vadd.s32 v1, v16;
	[tilespmem:v22+s24+$0x0] =	vst.idx.msk $0xffff, v20  }
0x213: {  	[tilespmem:v18+s24+$0x0] =	vst.idx.msk $0xffff, v55  }
0x214: {  	[tilespmem:v58+s24+$0x0] =	vst.idx.msk $0xffff, v57  }
0x215: {  	[tilespmem:v23+s24+$0x0] =	vst.idx.msk $0xffff, v59  }
0x216: {  	[tilespmem:v26+s24+$0x0] =	vst.idx.msk $0xffff, v21  }
0x217: {  	s31 =	simm.s32 $0xB470;
	[tilespmem:v16+s24+$0x0] =	vst.idx.msk $0xffff, v17  }
0x218: {  	v16 =	vld [tilespmem:s31+$0xFFFFFFF0]  }
0x219: {  	v17 =	vadd.s32 v2, v9;
	v18 =	vld [tilespmem:s31+$0x0]  }
0x21a: {  	v21 =	vadd.s32 v2, v10;
	v20 =	vld [tilespmem:s31+$0xFFFFFFB0]  }
0x21b: {  	v60 =	vadd.s32 v2, v11;
	v23 =	vld [tilespmem:s31+$0xFFFFFFD0]  }
0x21c: {  	v19 =	vadd.s32 v3, v9;
	v9 =	vld [tilespmem:s31+$0xFFFFFFA0]  }
0x21d: {  	v10 =	vadd.s32 v3, v10;
	v22 =	vld [tilespmem:s31+$0xFFFFFFC0]  }
0x21e: {  	s1 =	simm.s32 $0xB4F0;
	[tilespmem:v17+s24+$0x0] =	vst.idx.msk $0xffff, v16;
	v16 =	vld [tilespmem:s31+$0xFFFFFFE0];
	v17 =	vadd.s32 v3, v11  }
0x21f: {  	v62 =	vadd.s32 v2, v12;
	v26 =	vld [tilespmem:s1+$0xFFFFFFF0];
	[tilespmem:v21+s24+$0x0] =	vst.idx.msk $0xffff, v20  }
0x220: {  	v63 =	vadd.s32 v3, v12;
	v21 =	vld [tilespmem:s1+$0x0];
	[tilespmem:v60+s24+$0x0] =	vst.idx.msk $0xffff, v23  }
0x221: {  	v61 =	vadd.s32 v2, v8;
	[tilespmem:v19+s24+$0x0] =	vst.idx.msk $0xffff, v18;
	v19 =	vld [tilespmem:s31+$0xFFFFFF90]  }
0x222: {  	[tilespmem:v10+s24+$0x0] =	vst.idx.msk $0xffff, v22;
	v10 =	vld [tilespmem:s1+$0xFFFFFFA0];
	v18 =	vadd.s32 v3, v8  }
0x223: {  	v11 =	vld [tilespmem:s1+$0xFFFFFFB0];
	[tilespmem:v17+s24+$0x0] =	vst.idx.msk $0xffff, v16;
	v17 =	vadd.s32 v2, v13  }
0x224: {  	[tilespmem:v62+s24+$0x0] =	vst.idx.msk $0xffff, v26;
	v8 =	vld [tilespmem:s1+$0xFFFFFFC0];
	v16 =	vadd.s32 v3, v13  }
0x225: {  	v12 =	vld [tilespmem:s1+$0xFFFFFFD0];
	v13 =	vadd.s32 v2, v14;
	[tilespmem:v63+s24+$0x0] =	vst.idx.msk $0xffff, v21  }
0x226: {  	v20 =	vmov s6;
	s6 =	simm.s32 $0xC;
	v14 =	vadd.s32 v3, v14;
	[tilespmem:v61+s24+$0x0] =	vst.idx.msk $0xffff, v19;
	v19 =	vand.u32 $0x7C, v15;
	v15 =	vld [tilespmem:s1+$0xFFFFFFE0]  }
.LBB2_28:
0x227: {  	p0 =	slt.u32 s6, $0x7C;
	v20 =	vand.u32 $0x7F, v20;
	v21 =	vld [tilespmem:s1+$0xFFFFFF90];
	v22 =	vadd.s32 v2, v19;
	s1 =	sadd.s32 $0x80, s1;
	[tilespmem:v18+s24+$0x0] =	vst.idx.msk $0xffff, v9;
	v9 =	vmov v10  }
0x228: {  	s23 =	sadd.s32 $0x1, s28;
	v23 =	vld [tilespmem:s1+$0xFFFFFFF0];
	v24 =	vadd.s32 v2, v20;
	[tilespmem:v17+s24+$0x0] =	vst.idx.msk $0xffff, v11  }
0x229: {  	v11 =	vmov s23;
	v26 =	vadd.s32 v3, v20;
	v25 =	vld [tilespmem:s1+$0x0];
	[tilespmem:v16+s24+$0x0] =	vst.idx.msk $0xffff, v8  }
.Ltmp16:
0x22a: {  	v18 =	vadd.s32 v3, v19;
	s23 =	sadd.s32 $0x2, s28;
	v16 =	vand.u32 $0x7D, v11;
	v10 =	vld [tilespmem:s1+$0xFFFFFFA0];
	[tilespmem:v13+s24+$0x0] =	vst.idx.msk $0xffff, v12;
	(pc) =	sbr.rel @p0 .LBB2_28-.Ltmp16, $4  }
0x22b: {  	v17 =	vadd.s32 v2, v16;
	v12 =	vmov s23;
	v11 =	vld [tilespmem:s1+$0xFFFFFFB0];
	[tilespmem:v14+s24+$0x0] =	vst.idx.msk $0xffff, v15  }
0x22c: {  	v16 =	vadd.s32 v3, v16;
	v14 =	vand.u32 $0x7E, v12;
	v8 =	vld [tilespmem:s1+$0xFFFFFFC0];
	[tilespmem:v22+s24+$0x0] =	vst.idx.msk $0xffff, v21  }
0x22d: {  	s23 =	sadd.s32 $0x3, s6;
	v15 =	vmov s28;
	s28 =	smov.u32 s6;
	v13 =	vadd.s32 v2, v14;
	v12 =	vld [tilespmem:s1+$0xFFFFFFD0];
	[tilespmem:v24+s24+$0x0] =	vst.idx.msk $0xffff, v23  }
0x22e: {  	v20 =	vmov s23;
	s6 =	sadd.s32 $0x4, s6;
	v19 =	vand.u32 $0x7C, v15;
	v14 =	vadd.s32 v3, v14;
	v15 =	vld [tilespmem:s1+$0xFFFFFFE0];
	[tilespmem:v26+s24+$0x0] =	vst.idx.msk $0xffff, v25  }
0x22f: {  	_ =	sdelay $0x3  }
0x230: {  	v20 =	vand.u32 $0x7F, v20;
	v21 =	vld [tilespmem:s1+$0xFFFFFF90];
	v22 =	vadd.s32 v2, v19;
	s4 =	sadd.s32 $0x80, s1;
	[tilespmem:v18+s24+$0x0] =	vst.idx.msk $0xffff, v9  }
0x231: {  	s6 =	sadd.s32 $0x1, s28;
	v9 =	vld [tilespmem:s4+$0xFFFFFFF0];
	v18 =	vadd.s32 v2, v20;
	[tilespmem:v17+s24+$0x0] =	vst.idx.msk $0xffff, v11  }
0x232: {  	v11 =	vmov s6;
	v17 =	vld [tilespmem:s4+$0x0];
	v20 =	vadd.s32 v3, v20;
	[tilespmem:v16+s24+$0x0] =	vst.idx.msk $0xffff, v8  }
0x233: {  	s23 =	sadd.s32 $0x2, s28;
	v8 =	vand.u32 $0x7D, v11;
	v11 =	vadd.s32 v3, v19;
	[tilespmem:v13+s24+$0x0] =	vst.idx.msk $0xffff, v12  }
0x234: {  	v16 =	vmov s23;
	v12 =	vld [tilespmem:s4+$0xFFFFFFB0];
	v13 =	vadd.s32 v2, v8;
	[tilespmem:v14+s24+$0x0] =	vst.idx.msk $0xffff, v15  }
0x235: {  	v8 =	vadd.s32 v3, v8;
	v14 =	vld [tilespmem:s4+$0xFFFFFFC0];
	v15 =	vand.u32 $0x7E, v16;
	[tilespmem:v22+s24+$0x0] =	vst.idx.msk $0xffff, v21  }
0x236: {  	v19 =	vld [tilespmem:s4+$0xFFFFFFD0];
	v16 =	vmov s28;
	v21 =	vadd.s32 v2, v15;
	[tilespmem:v18+s24+$0x0] =	vst.idx.msk $0xffff, v9  }
0x237: {  	v15 =	vadd.s32 v3, v15;
	v9 =	vand.u32 $0x7C, v16;
	v16 =	vld [tilespmem:s4+$0xFFFFFFE0];
	[tilespmem:v20+s24+$0x0] =	vst.idx.msk $0xffff, v17  }
0x238: {  	v17 =	vld [tilespmem:s4+$0xFFFFFF90];
	v18 =	vadd.s32 v2, v9;
	[tilespmem:v11+s24+$0x0] =	vst.idx.msk $0xffff, v10  }
0x239: {  	p1 =	por $0x1, $0x1;
	v10 =	vld [tilespmem:s4+$0xFFFFFFA0];
	v9 =	vadd.s32 v3, v9;
	[tilespmem:v13+s24+$0x0] =	vst.idx.msk $0xffff, v12  }
.Ltmp17:
0x23a: {  	[tilespmem:v8+s24+$0x0] =	vst.idx.msk $0xffff, v14;
	(pc) =	sbr.rel @!p1 .LBB2_36-.Ltmp17, $4  }
0x23b: {  	[tilespmem:v21+s24+$0x0] =	vst.idx.msk $0xffff, v19  }
0x23c: {  	s29 =	simm.s32 $0x3;
	s31 =	simm.s32 $0x4;
	p2 =	por $0x0, $0x0;
	[tilespmem:v15+s24+$0x0] =	vst.idx.msk $0xffff, v16  }
0x23d: {  	p0 =	por $0x0, $0x0;
	s1 =	simm.s32 $0xC470;
	p3 =	por $0x0, $0x0;
	v8 =	vmov s29;
	[tilespmem:v18+s24+$0x0] =	vst.idx.msk $0xffff, v17  }
0x23e: {  	s6 =	simm.s32 $0xC470;
	s23 =	simm.s32 $0x0;
	s28 =	simm.s32 $0x0;
	v21 =	vmov v8;
	[tilespmem:v9+s24+$0x0] =	vst.idx.msk $0xffff, v10  }
0x23f: {  	v9 =	vand.u32 $0x7F, v8  }
0x240: {  	v16 =	vld [tilespmem:s6+$0xFFFFFFF0];
	v17 =	vadd.s32 v4, v9  }
0x241: {  	v19 =	vld [tilespmem:s6+$0x0];
	p3 =	por $0x1, $0x1;
	v20 =	vadd.s32 v5, v9  }
.Ltmp18:
0x242: {  	s1 =	simm.s32 $0x1;
	v9 =	vld [tilespmem:s6+$0xFFFFFFA0];
	(pc) =	sbr.rel @!p3 .LBB2_31-.Ltmp18, $4  }
0x243: {  	s23 =	simm.s32 $0x2;
	v11 =	vld [tilespmem:s6+$0xFFFFFFC0];
	s29 =	simm.s32 $0x7;
	v22 =	vmov s28;
	v10 =	vmov s1  }
0x244: {  	v14 =	vmov s23;
	v21 =	vmov s29;
	v13 =	vand.u32 $0x7D, v10;
	v10 =	vld [tilespmem:s6+$0xFFFFFFB0]  }
0x245: {  	v18 =	vand.u32 $0x7E, v14;
	v12 =	vadd.s32 v4, v13;
	v14 =	vadd.s32 v5, v13;
	v13 =	vld [tilespmem:s6+$0xFFFFFFD0];
	[tilespmem:v17+s24+$0x0] =	vst.idx.msk $0xffff, v16  }
0x246: {  	p2 =	por $0x1, $0x1;
	s23 =	simm.s32 $0x8;
	v15 =	vadd.s32 v4, v18;
	v18 =	vadd.s32 v5, v18;
	v16 =	vand.u32 $0x7C, v22;
	v17 =	vld [tilespmem:s6+$0xFFFFFFE0];
	[tilespmem:v20+s24+$0x0] =	vst.idx.msk $0xffff, v19  }
0x247: {  	_ =	sdelay $0x2  }
0x248: {  	v19 =	vand.u32 $0x7F, v21;
	v21 =	vld [tilespmem:s6+$0xFFFFFF90];
	v22 =	vadd.s32 v4, v16;
	s1 =	simm.s32 $0xC4F0  }
0x249: {  	s29 =	simm.s32 $0x5;
	v23 =	vld [tilespmem:s1+$0xFFFFFFF0];
	v24 =	vadd.s32 v4, v19;
	[tilespmem:v12+s24+$0x0] =	vst.idx.msk $0xffff, v10  }
0x24a: {  	p4 =	por $0x1, $0x1;
	v25 =	vld [tilespmem:s1+$0x0];
	v26 =	vadd.s32 v5, v19;
	v10 =	vmov s29;
	[tilespmem:v14+s24+$0x0] =	vst.idx.msk $0xffff, v11  }
.Ltmp19:
0x24b: {  	v20 =	vld [tilespmem:s1+$0xFFFFFFA0];
	v19 =	vadd.s32 v5, v16;
	s29 =	simm.s32 $0x6;
	[tilespmem:v15+s24+$0x0] =	vst.idx.msk $0xffff, v13;
	v13 =	vand.u32 $0x7D, v10;
	(pc) =	sbr.rel @!p4 .LBB2_33-.Ltmp19, $4  }
0x24c: {  	v10 =	vld [tilespmem:s1+$0xFFFFFFB0];
	v14 =	vmov s29;
	[tilespmem:v18+s24+$0x0] =	vst.idx.msk $0xffff, v17;
	v12 =	vadd.s32 v4, v13  }
0x24d: {  	v11 =	vld [tilespmem:s1+$0xFFFFFFC0];
	v18 =	vand.u32 $0x7E, v14;
	v14 =	vadd.s32 v5, v13;
	[tilespmem:v22+s24+$0x0] =	vst.idx.msk $0xffff, v21  }
0x24e: {  	v16 =	vmov s31;
	s29 =	simm.s32 $0xB;
	v13 =	vld [tilespmem:s1+$0xFFFFFFD0];
	v15 =	vadd.s32 v4, v18;
	[tilespmem:v24+s24+$0x0] =	vst.idx.msk $0xffff, v23  }
0x24f: {  	p3 =	por $0x1, $0x1;
	v16 =	vand.u32 $0x7C, v16;
	v17 =	vld [tilespmem:s1+$0xFFFFFFE0];
	v21 =	vmov s29;
	s29 =	simm.s32 $0xC;
	v18 =	vadd.s32 v5, v18;
	[tilespmem:v26+s24+$0x0] =	vst.idx.msk $0xffff, v25  }
.LBB2_34:
0x250: {  	p4 =	slt.u32 s29, $0x7C;
	v21 =	vand.u32 $0x7F, v21;
	v22 =	vld [tilespmem:s1+$0xFFFFFF90];
	v23 =	vadd.s32 v4, v16;
	s1 =	sadd.s32 $0x80, s1;
	[tilespmem:v19+s24+$0x0] =	vst.idx.msk $0xffff, v9;
	v9 =	vmov v20  }
0x251: {  	s4 =	sadd.s32 $0x1, s23;
	v24 =	vld [tilespmem:s1+$0xFFFFFFF0];
	v25 =	vadd.s32 v4, v21;
	[tilespmem:v12+s24+$0x0] =	vst.idx.msk $0xffff, v10  }
0x252: {  	v10 =	vmov s4;
	v27 =	vadd.s32 v5, v21;
	v26 =	vld [tilespmem:s1+$0x0];
	[tilespmem:v14+s24+$0x0] =	vst.idx.msk $0xffff, v11  }
.Ltmp20:
0x253: {  	v19 =	vadd.s32 v5, v16;
	s4 =	sadd.s32 $0x2, s23;
	v14 =	vand.u32 $0x7D, v10;
	v20 =	vld [tilespmem:s1+$0xFFFFFFA0];
	[tilespmem:v15+s24+$0x0] =	vst.idx.msk $0xffff, v13;
	(pc) =	sbr.rel @p4 .LBB2_34-.Ltmp20, $4  }
0x254: {  	v12 =	vadd.s32 v4, v14;
	v13 =	vmov s4;
	v10 =	vld [tilespmem:s1+$0xFFFFFFB0];
	[tilespmem:v18+s24+$0x0] =	vst.idx.msk $0xffff, v17  }
0x255: {  	v14 =	vadd.s32 v5, v14;
	v18 =	vand.u32 $0x7E, v13;
	v11 =	vld [tilespmem:s1+$0xFFFFFFC0];
	[tilespmem:v23+s24+$0x0] =	vst.idx.msk $0xffff, v22  }
0x256: {  	v16 =	vmov s23;
	s23 =	smov.u32 s29;
	s4 =	sadd.s32 $0x3, s29;
	v15 =	vadd.s32 v4, v18;
	v13 =	vld [tilespmem:s1+$0xFFFFFFD0];
	[tilespmem:v25+s24+$0x0] =	vst.idx.msk $0xffff, v24  }
0x257: {  	v16 =	vand.u32 $0x7C, v16;
	s29 =	sadd.s32 $0x4, s29;
	v21 =	vmov s4;
	v18 =	vadd.s32 v5, v18;
	v17 =	vld [tilespmem:s1+$0xFFFFFFE0];
	[tilespmem:v27+s24+$0x0] =	vst.idx.msk $0xffff, v26  }
0x258: {  	v22 =	vmov v9;
	v9 =	vmov v20  }
.LBB2_36:
0x259: {  	_ =	sdelay $0x2  }
0x25a: {  	s4 =	sadd.s32 @p2 $0x80, s1  }
0x25b: {  	v20 =	vand.u32 $0x7F, v21;
	v21 =	vld @p2 [tilespmem:s1+$0xFFFFFF90];
	v23 =	vadd.s32 @p2 v4, v16;
	[tilespmem:v12+s24+$0x0] =	vst.idx.msk @p2 $0xffff, v10;
	s6 =	smov.u32 @p2 s4  }
0x25c: {  	s29 =	sadd.s32 $0x2, s23;
	v52 =	vadd.s32 v4, v20;
	[tilespmem:v14+s24+$0x0] =	vst.idx.msk @p2 $0xffff, v11;
	v11 =	vadd.s32 @p2 v5, v16;
	v51 =	vld [tilespmem:s6+$0xFFFFFFF0]  }
0x25d: {  	[tilespmem:v19+s24+$0x0] =	vst.idx.msk @p3 $0xffff, v22;
	s4 =	sadd.s32 $0x1, s23;
	v56 =	vmov s29;
	v11 =	vpsel p2, v11, v0  }
0x25e: {  	v20 =	vadd.s32 v5, v20;
	v10 =	vmov s4;
	v53 =	vld [tilespmem:s6+$0x0];
	[tilespmem:v15+s24+$0x0] =	vst.idx.msk @p2 $0xffff, v13;
	v15 =	vand.u32 $0x7E, v56  }
0x25f: {  	v59 =	vld [tilespmem:s6+$0xFFFFFFD0];
	v10 =	vand.u32 $0x7D, v10;
	[tilespmem:v18+s24+$0x0] =	vst.idx.msk @p2 $0xffff, v17;
	v60 =	vadd.s32 v4, v15  }
0x260: {  	v58 =	vmov s23;
	v54 =	vld [tilespmem:s6+$0xFFFFFFB0];
	v55 =	vadd.s32 v4, v10;
	[tilespmem:v23+s24+$0x0] =	vst.idx.msk @p2 $0xffff, v21  }
0x261: {  	v9 =	vpsel p2, v9, v0;
	v61 =	vld [tilespmem:s6+$0xFFFFFFE0];
	v17 =	vand.u32 $0x7C, v58;
	v15 =	vadd.s32 v5, v15;
	[tilespmem:v52+s24+$0x0] =	vst.idx.msk $0xffff, v51  }
0x262: {  	v62 =	vld [tilespmem:s6+$0xFFFFFF90];
	v63 =	vadd.s32 v4, v17;
	[tilespmem:v11+s24+$0x0] =	vst.idx.msk @p2 $0xffff, v9  }
0x263: {  	v57 =	vld [tilespmem:s6+$0xFFFFFFC0];
	v10 =	vadd.s32 v5, v10;
	[tilespmem:v20+s24+$0x0] =	vst.idx.msk $0xffff, v53  }
0x264: {  	v9 =	vld [tilespmem:s6+$0xFFFFFFA0];
	v11 =	vadd.s32 v5, v17;
	[tilespmem:v60+s24+$0x0] =	vst.idx.msk $0xffff, v59  }
.Ltmp21:
0x265: {  	[tilespmem:v55+s24+$0x0] =	vst.idx.msk $0xffff, v54;
	(pc) =	sbr.rel @!p1 .LBB2_37-.Ltmp21, $4  }
0x266: {  	[tilespmem:v15+s24+$0x0] =	vst.idx.msk $0xffff, v61  }
0x267: {  	[tilespmem:v63+s24+$0x0] =	vst.idx.msk $0xffff, v62  }
0x268: {  	[tilespmem:v10+s24+$0x0] =	vst.idx.msk $0xffff, v57  }
0x269: {  	s6 =	simm.s32 $0xD470;
	[tilespmem:v11+s24+$0x0] =	vst.idx.msk $0xffff, v9  }
0x26a: {  	v8 =	vand.u32 $0x7F, v8  }
0x26b: {  	v16 =	vld [tilespmem:s6+$0xFFFFFFF0];
	v17 =	vadd.s32 v6, v8  }
0x26c: {  	s1 =	simm.s32 $0x1;
	v19 =	vld [tilespmem:s6+$0x0];
	p2 =	por $0x1, $0x1;
	v20 =	vadd.s32 v7, v8  }
.Ltmp22:
0x26d: {  	v9 =	vld [tilespmem:s6+$0xFFFFFFA0];
	s23 =	simm.s32 $0x2;
	v8 =	vmov s1;
	(pc) =	sbr.rel @!p2 .LBB2_39-.Ltmp22, $4  }
0x26e: {  	v10 =	vld [tilespmem:s6+$0xFFFFFFB0];
	v13 =	vmov s23;
	v8 =	vand.u32 $0x7D, v8  }
0x26f: {  	v11 =	vld [tilespmem:s6+$0xFFFFFFC0];
	v18 =	vand.u32 $0x7E, v13;
	v12 =	vadd.s32 v6, v8  }
0x270: {  	s29 =	simm.s32 $0x7;
	v21 =	vmov s28;
	v13 =	vld [tilespmem:s6+$0xFFFFFFD0];
	v14 =	vadd.s32 v7, v8;
	v15 =	vadd.s32 v6, v18;
	[tilespmem:v17+s24+$0x0] =	vst.idx.msk $0xffff, v16  }
0x271: {  	s28 =	simm.s32 $0x8;
	p1 =	por $0x1, $0x1;
	v8 =	vmov s29;
	v18 =	vadd.s32 v7, v18;
	v16 =	vand.u32 $0x7C, v21;
	v17 =	vld [tilespmem:s6+$0xFFFFFFE0];
	[tilespmem:v20+s24+$0x0] =	vst.idx.msk $0xffff, v19  }
0x272: {  	_ =	sdelay $0x2  }
0x273: {  	v8 =	vand.u32 $0x7F, v8;
	v21 =	vld [tilespmem:s6+$0xFFFFFF90];
	v22 =	vadd.s32 v6, v16;
	s1 =	simm.s32 $0xD4F0  }
0x274: {  	s4 =	simm.s32 $0x5;
	v23 =	vld [tilespmem:s1+$0xFFFFFFF0];
	v24 =	vadd.s32 v6, v8;
	[tilespmem:v12+s24+$0x0] =	vst.idx.msk $0xffff, v10  }
0x275: {  	p2 =	por $0x1, $0x1;
	v25 =	vld [tilespmem:s1+$0x0];
	v26 =	vadd.s32 v7, v8;
	v8 =	vmov s4;
	[tilespmem:v14+s24+$0x0] =	vst.idx.msk $0xffff, v11  }
.Ltmp23:
0x276: {  	s23 =	simm.s32 $0x6;
	v19 =	vadd.s32 v7, v16;
	v20 =	vld [tilespmem:s1+$0xFFFFFFA0];
	v8 =	vand.u32 $0x7D, v8;
	[tilespmem:v15+s24+$0x0] =	vst.idx.msk $0xffff, v13;
	(pc) =	sbr.rel @!p2 .LBB2_41-.Ltmp23, $4  }
0x277: {  	v10 =	vld [tilespmem:s1+$0xFFFFFFB0];
	v13 =	vmov s23;
	v12 =	vadd.s32 v6, v8;
	[tilespmem:v18+s24+$0x0] =	vst.idx.msk $0xffff, v17  }
0x278: {  	v11 =	vld [tilespmem:s1+$0xFFFFFFC0];
	v14 =	vadd.s32 v7, v8;
	v18 =	vand.u32 $0x7E, v13;
	[tilespmem:v22+s24+$0x0] =	vst.idx.msk $0xffff, v21  }
0x279: {  	s29 =	simm.s32 $0xB;
	v16 =	vmov s31;
	v13 =	vld [tilespmem:s1+$0xFFFFFFD0];
	v15 =	vadd.s32 v6, v18;
	[tilespmem:v24+s24+$0x0] =	vst.idx.msk $0xffff, v23  }
0x27a: {  	p0 =	por $0x1, $0x1;
	v16 =	vand.u32 $0x7C, v16;
	v8 =	vmov s29;
	s23 =	simm.s32 $0xC;
	v17 =	vld [tilespmem:s1+$0xFFFFFFE0];
	v18 =	vadd.s32 v7, v18;
	[tilespmem:v26+s24+$0x0] =	vst.idx.msk $0xffff, v25  }
.LBB2_42:
0x27b: {  	p2 =	slt.u32 s23, $0x7C;
	v8 =	vand.u32 $0x7F, v8;
	v21 =	vld [tilespmem:s1+$0xFFFFFF90];
	v22 =	vadd.s32 v6, v16;
	s1 =	sadd.s32 $0x80, s1;
	[tilespmem:v19+s24+$0x0] =	vst.idx.msk $0xffff, v9;
	v9 =	vmov v20  }
0x27c: {  	s4 =	sadd.s32 $0x1, s28;
	v23 =	vld [tilespmem:s1+$0xFFFFFFF0];
	v24 =	vadd.s32 v6, v8;
	[tilespmem:v12+s24+$0x0] =	vst.idx.msk $0xffff, v10  }
0x27d: {  	v10 =	vmov s4;
	v26 =	vadd.s32 v7, v8;
	v25 =	vld [tilespmem:s1+$0x0];
	[tilespmem:v14+s24+$0x0] =	vst.idx.msk $0xffff, v11  }
.Ltmp24:
0x27e: {  	v19 =	vadd.s32 v7, v16;
	s4 =	sadd.s32 $0x2, s28;
	v8 =	vand.u32 $0x7D, v10;
	v20 =	vld [tilespmem:s1+$0xFFFFFFA0];
	[tilespmem:v15+s24+$0x0] =	vst.idx.msk $0xffff, v13;
	(pc) =	sbr.rel @p2 .LBB2_42-.Ltmp24, $4  }
0x27f: {  	v12 =	vadd.s32 v6, v8;
	v13 =	vmov s4;
	v10 =	vld [tilespmem:s1+$0xFFFFFFB0];
	[tilespmem:v18+s24+$0x0] =	vst.idx.msk $0xffff, v17  }
0x280: {  	v14 =	vadd.s32 v7, v8;
	v18 =	vand.u32 $0x7E, v13;
	v11 =	vld [tilespmem:s1+$0xFFFFFFC0];
	[tilespmem:v22+s24+$0x0] =	vst.idx.msk $0xffff, v21  }
0x281: {  	v16 =	vmov s28;
	s28 =	smov.u32 s23;
	s4 =	sadd.s32 $0x3, s23;
	v15 =	vadd.s32 v6, v18;
	v13 =	vld [tilespmem:s1+$0xFFFFFFD0];
	[tilespmem:v24+s24+$0x0] =	vst.idx.msk $0xffff, v23  }
0x282: {  	v16 =	vand.u32 $0x7C, v16;
	s23 =	sadd.s32 $0x4, s23;
	v8 =	vmov s4;
	v18 =	vadd.s32 v7, v18;
	v17 =	vld [tilespmem:s1+$0xFFFFFFE0];
	[tilespmem:v26+s24+$0x0] =	vst.idx.msk $0xffff, v25  }
0x283: {  	v21 =	vmov v9;
	v9 =	vmov v20  }
.LBB2_44:
0x284: {  	_ =	sdelay $0x2  }
0x285: {  	s4 =	sadd.s32 @p1 $0x80, s1  }
0x286: {  	v20 =	vld @p1 [tilespmem:s1+$0xFFFFFF90];
	v8 =	vand.u32 $0x7F, v8;
	v22 =	vadd.s32 @p1 v6, v16;
	[tilespmem:v19+s24+$0x0] =	vst.idx.msk @p0 $0xffff, v21;
	s31 =	sadd.s32 $0x1, s28;
	s6 =	smov.u32 @p1 s4  }
0x287: {  	[tilespmem:v12+s24+$0x0] =	vst.idx.msk @p1 $0xffff, v10;
	v50 =	vadd.s32 v6, v8;
	v51 =	vmov s31;
	v49 =	vld [tilespmem:s6+$0xFFFFFFF0]  }
0x288: {  	v8 =	vadd.s32 v7, v8;
	[tilespmem:v14+s24+$0x0] =	vst.idx.msk @p1 $0xffff, v11;
	v52 =	vld [tilespmem:s6+$0x0];
	v10 =	vand.u32 $0x7D, v51  }
0x289: {  	v11 =	vadd.s32 @p1 v7, v16;
	s4 =	sadd.s32 $0x2, s28;
	[tilespmem:v15+s24+$0x0] =	vst.idx.msk @p1 $0xffff, v13;
	v54 =	vld [tilespmem:s6+$0xFFFFFFB0];
	v55 =	vadd.s32 v6, v10  }
0x28a: {  	v11 =	vpsel p1, v11, v0;
	v53 =	vmov s4;
	[tilespmem:v18+s24+$0x0] =	vst.idx.msk @p1 $0xffff, v17  }
0x28b: {  	v57 =	vmov s28;
	v56 =	vld [tilespmem:s6+$0xFFFFFFC0];
	v10 =	vadd.s32 v7, v10;
	v13 =	vand.u32 $0x7E, v53;
	[tilespmem:v22+s24+$0x0] =	vst.idx.msk @p1 $0xffff, v20  }
0x28c: {  	v58 =	vld [tilespmem:s6+$0xFFFFFFD0];
	v17 =	vand.u32 $0x7C, v57;
	v59 =	vadd.s32 v6, v13;
	[tilespmem:v50+s24+$0x0] =	vst.idx.msk $0xffff, v49  }
0x28d: {  	v61 =	vld [tilespmem:s6+$0xFFFFFF90];
	v62 =	vadd.s32 v6, v17;
	[tilespmem:v8+s24+$0x0] =	vst.idx.msk $0xffff, v52  }
0x28e: {  	v60 =	vld [tilespmem:s6+$0xFFFFFFE0];
	v13 =	vadd.s32 v7, v13;
	v8 =	vpsel p1, v9, v0;
	[tilespmem:v55+s24+$0x0] =	vst.idx.msk $0xffff, v54  }
0x28f: {  	v63 =	vadd.s32 v7, v17;
	[tilespmem:v11+s24+$0x0] =	vst.idx.msk @p1 $0xffff, v8;
	v8 =	vld [tilespmem:s6+$0xFFFFFFA0]  }
0x290: {  	[tilespmem:v10+s24+$0x0] =	vst.idx.msk $0xffff, v56  }
0x291: {  	s26 =	sor.u32 $0x80000, s26;
	[tilespmem:v59+s24+$0x0] =	vst.idx.msk $0xffff, v58  }
0x292: {  	s6 =	sor.u32 s5, s26;
	[tilespmem:v62+s24+$0x0] =	vst.idx.msk $0xffff, v61  }
0x293: {  	[tilespmem:v13+s24+$0x0] =	vst.idx.msk $0xffff, v60;
	s1 =	sshrl.u32 s6, $0x3  }
0x294: {  	s1 =	sadd.s32 s2, s1;
	[tilespmem:v63+s24+$0x0] =	vst.idx.msk $0xffff, v8  }
0x295: {  	[hbm4b:s1+s3] =	stream.linear.scatter [tilespmem:s24], [sflag:$0x4], $0x80, $0x38;
	[tilespmem:$0x16C00] =	vst v63  }
0x296: {  	s28 =	simm.s32 $0x12888;
	s23 =	sadd.s32 $0x10, s1  }
0x297: {  	[hbm4b:s23+s3] =	stream.linear.scatter [tilespmem:s28], [sflag:$0x4], $0x80, $0x38;
	[tilespmem:$0x16C00] =	vst v63  }
0x298: {  	s31 =	simm.s32 $0x12910;
	s29 =	sadd.s32 $0x20, s1  }
0x299: {  	[hbm4b:s29+s3] =	stream.linear.scatter [tilespmem:s31], [sflag:$0x4], $0x80, $0x38;
	[tilespmem:$0x16C00] =	vst v63  }
0x29a: {  	s23 =	sadd.s32 $0x30, s1;
	s28 =	simm.s32 $0x12998  }
0x29b: {  	[hbm4b:s23+s3] =	stream.linear.scatter [tilespmem:s28], [sflag:$0x4], $0x80, $0x38;
	[tilespmem:$0x16C00] =	vst v63  }
0x29c: {  	s29 =	sadd.s32 $0x40, s1;
	s31 =	simm.s32 $0x12A20  }
0x29d: {  	[hbm4b:s29+s3] =	stream.linear.scatter [tilespmem:s31], [sflag:$0x4], $0x80, $0x38;
	[tilespmem:$0x16C00] =	vst v63  }
0x29e: {  	s6 =	sadd.s32 $0x50, s1;
	s23 =	simm.s32 $0x12AA8  }
0x29f: {  	[hbm4b:s6+s3] =	stream.linear.scatter [tilespmem:s23], [sflag:$0x4], $0x80, $0x38;
	[tilespmem:$0x16C00] =	vst v63  }
0x2a0: {  	s28 =	sadd.s32 $0x60, s1;
	s29 =	simm.s32 $0x12B30  }
0x2a1: {  	[hbm4b:s28+s3] =	stream.linear.scatter [tilespmem:s29], [sflag:$0x4], $0x80, $0x38;
	[tilespmem:$0x16C00] =	vst v63  }
0x2a2: {  	s4 =	sor.u32 s7, s26;
	s1 =	sadd.s32 $0x70, s1;
	s31 =	simm.s32 $0x12BB8  }
0x2a3: {  	[hbm4b:s1+s3] =	stream.linear.scatter [tilespmem:s31], [sflag:$0x4], $0x80, $0x38;
	[tilespmem:$0x16C00] =	vst v63  }
0x2a4: {  	s1 =	sshrl.u32 s4, $0x3  }
0x2a5: {  	s6 =	simm.s32 $0x13900;
	s1 =	sadd.s32 s2, s1  }
0x2a6: {  	[hbm4b:s1+s3] =	stream.linear.scatter [tilespmem:s6], [sflag:$0x4], $0x80, $0x38;
	[tilespmem:$0x16C00] =	vst v63  }
0x2a7: {  	s28 =	simm.s32 $0x13988;
	s23 =	sadd.s32 $0x10, s1  }
0x2a8: {  	[hbm4b:s23+s3] =	stream.linear.scatter [tilespmem:s28], [sflag:$0x4], $0x80, $0x38;
	[tilespmem:$0x16C00] =	vst v63  }
0x2a9: {  	s31 =	simm.s32 $0x13A10;
	s29 =	sadd.s32 $0x20, s1  }
0x2aa: {  	[hbm4b:s29+s3] =	stream.linear.scatter [tilespmem:s31], [sflag:$0x4], $0x80, $0x38;
	[tilespmem:$0x16C00] =	vst v63  }
0x2ab: {  	s23 =	sadd.s32 $0x30, s1;
	s28 =	simm.s32 $0x13A98  }
0x2ac: {  	[hbm4b:s23+s3] =	stream.linear.scatter [tilespmem:s28], [sflag:$0x4], $0x80, $0x38;
	[tilespmem:$0x16C00] =	vst v63  }
0x2ad: {  	s29 =	sadd.s32 $0x40, s1;
	s31 =	simm.s32 $0x13B20  }
0x2ae: {  	[hbm4b:s29+s3] =	stream.linear.scatter [tilespmem:s31], [sflag:$0x4], $0x80, $0x38;
	[tilespmem:$0x16C00] =	vst v63  }
0x2af: {  	s6 =	sadd.s32 $0x50, s1;
	s23 =	simm.s32 $0x13BA8  }
0x2b0: {  	[hbm4b:s6+s3] =	stream.linear.scatter [tilespmem:s23], [sflag:$0x4], $0x80, $0x38;
	[tilespmem:$0x16C00] =	vst v63  }
0x2b1: {  	s28 =	sadd.s32 $0x60, s1;
	s29 =	simm.s32 $0x13C30  }
0x2b2: {  	[hbm4b:s28+s3] =	stream.linear.scatter [tilespmem:s29], [sflag:$0x4], $0x80, $0x38;
	[tilespmem:$0x16C00] =	vst v63  }
0x2b3: {  	s4 =	sor.u32 s8, s26;
	s1 =	sadd.s32 $0x70, s1;
	s31 =	simm.s32 $0x13CB8  }
0x2b4: {  	[hbm4b:s1+s3] =	stream.linear.scatter [tilespmem:s31], [sflag:$0x4], $0x80, $0x38;
	[tilespmem:$0x16C00] =	vst v63  }
0x2b5: {  	s1 =	sshrl.u32 s4, $0x3  }
0x2b6: {  	s6 =	simm.s32 $0x14A00;
	s1 =	sadd.s32 s2, s1  }
0x2b7: {  	[hbm4b:s1+s3] =	stream.linear.scatter [tilespmem:s6], [sflag:$0x4], $0x80, $0x38;
	[tilespmem:$0x16C00] =	vst v63  }
0x2b8: {  	s28 =	simm.s32 $0x14A88;
	s23 =	sadd.s32 $0x10, s1  }
0x2b9: {  	[hbm4b:s23+s3] =	stream.linear.scatter [tilespmem:s28], [sflag:$0x4], $0x80, $0x38;
	[tilespmem:$0x16C00] =	vst v63  }
0x2ba: {  	s31 =	simm.s32 $0x14B10;
	s29 =	sadd.s32 $0x20, s1  }
0x2bb: {  	[hbm4b:s29+s3] =	stream.linear.scatter [tilespmem:s31], [sflag:$0x4], $0x80, $0x38;
	[tilespmem:$0x16C00] =	vst v63  }
0x2bc: {  	s23 =	sadd.s32 $0x30, s1;
	s28 =	simm.s32 $0x14B98  }
0x2bd: {  	[hbm4b:s23+s3] =	stream.linear.scatter [tilespmem:s28], [sflag:$0x4], $0x80, $0x38;
	[tilespmem:$0x16C00] =	vst v63  }
0x2be: {  	s29 =	sadd.s32 $0x40, s1;
	s31 =	simm.s32 $0x14C20  }
0x2bf: {  	[hbm4b:s29+s3] =	stream.linear.scatter [tilespmem:s31], [sflag:$0x4], $0x80, $0x38;
	[tilespmem:$0x16C00] =	vst v63  }
0x2c0: {  	s6 =	sadd.s32 $0x50, s1;
	s23 =	simm.s32 $0x14CA8  }
0x2c1: {  	[hbm4b:s6+s3] =	stream.linear.scatter [tilespmem:s23], [sflag:$0x4], $0x80, $0x38;
	[tilespmem:$0x16C00] =	vst v63  }
0x2c2: {  	s28 =	sadd.s32 $0x60, s1;
	s29 =	simm.s32 $0x14D30  }
0x2c3: {  	[hbm4b:s28+s3] =	stream.linear.scatter [tilespmem:s29], [sflag:$0x4], $0x80, $0x38;
	[tilespmem:$0x16C00] =	vst v63  }
0x2c4: {  	s4 =	sor.u32 s9, s26;
	s1 =	sadd.s32 $0x70, s1;
	s31 =	simm.s32 $0x14DB8  }
0x2c5: {  	[hbm4b:s1+s3] =	stream.linear.scatter [tilespmem:s31], [sflag:$0x4], $0x80, $0x38;
	[tilespmem:$0x16C00] =	vst v63  }
0x2c6: {  	s1 =	sshrl.u32 s4, $0x3  }
0x2c7: {  	s6 =	simm.s32 $0x15B00;
	s1 =	sadd.s32 s2, s1  }
0x2c8: {  	[hbm4b:s1+s3] =	stream.linear.scatter [tilespmem:s6], [sflag:$0x4], $0x80, $0x38;
	[tilespmem:$0x16C00] =	vst v63  }
0x2c9: {  	s28 =	simm.s32 $0x15B88;
	s23 =	sadd.s32 $0x10, s1  }
0x2ca: {  	[hbm4b:s23+s3] =	stream.linear.scatter [tilespmem:s28], [sflag:$0x4], $0x80, $0x38;
	[tilespmem:$0x16C00] =	vst v63  }
0x2cb: {  	s31 =	simm.s32 $0x15C10;
	s29 =	sadd.s32 $0x20, s1  }
0x2cc: {  	[hbm4b:s29+s3] =	stream.linear.scatter [tilespmem:s31], [sflag:$0x4], $0x80, $0x38;
	[tilespmem:$0x16C00] =	vst v63  }
0x2cd: {  	s23 =	sadd.s32 $0x30, s1;
	s28 =	simm.s32 $0x15C98  }
0x2ce: {  	[hbm4b:s23+s3] =	stream.linear.scatter [tilespmem:s28], [sflag:$0x4], $0x80, $0x38;
	[tilespmem:$0x16C00] =	vst v63  }
0x2cf: {  	s29 =	sadd.s32 $0x40, s1;
	s31 =	simm.s32 $0x15D20  }
0x2d0: {  	[hbm4b:s29+s3] =	stream.linear.scatter [tilespmem:s31], [sflag:$0x4], $0x80, $0x38;
	[tilespmem:$0x16C00] =	vst v63  }
0x2d1: {  	s6 =	sadd.s32 $0x50, s1;
	s23 =	simm.s32 $0x15DA8  }
0x2d2: {  	[hbm4b:s6+s3] =	stream.linear.scatter [tilespmem:s23], [sflag:$0x4], $0x80, $0x38;
	[tilespmem:$0x16C00] =	vst v63  }
0x2d3: {  	s28 =	sadd.s32 $0x60, s1;
	s29 =	simm.s32 $0x15E30  }
0x2d4: {  	[hbm4b:s28+s3] =	stream.linear.scatter [tilespmem:s29], [sflag:$0x4], $0x80, $0x38;
	[tilespmem:$0x16C00] =	vst v63  }
0x2d5: {  	s4 =	sor.u32 s10, s26;
	s1 =	sadd.s32 $0x70, s1;
	s31 =	simm.s32 $0x15EB8  }
0x2d6: {  	[hbm4b:s1+s3] =	stream.linear.scatter [tilespmem:s31], [sflag:$0x4], $0x80, $0x38;
	[tilespmem:$0x16C00] =	vst v63  }
0x2d7: {  	s1 =	sshrl.u32 s4, $0x3  }
0x2d8: {  	s6 =	simm.s32 $0x12C40;
	s1 =	sadd.s32 s2, s1  }
0x2d9: {  	[hbm4b:s1+s3] =	stream.linear.scatter [tilespmem:s6], [sflag:$0x4], $0x80, $0x38;
	[tilespmem:$0x16C00] =	vst v63  }
0x2da: {  	s28 =	simm.s32 $0x12CC8;
	s23 =	sadd.s32 $0x10, s1  }
0x2db: {  	[hbm4b:s23+s3] =	stream.linear.scatter [tilespmem:s28], [sflag:$0x4], $0x80, $0x38;
	[tilespmem:$0x16C00] =	vst v63  }
0x2dc: {  	s31 =	simm.s32 $0x12D50;
	s29 =	sadd.s32 $0x20, s1  }
0x2dd: {  	[hbm4b:s29+s3] =	stream.linear.scatter [tilespmem:s31], [sflag:$0x4], $0x80, $0x38;
	[tilespmem:$0x16C00] =	vst v63  }
0x2de: {  	s23 =	sadd.s32 $0x30, s1;
	s28 =	simm.s32 $0x12DD8  }
0x2df: {  	[hbm4b:s23+s3] =	stream.linear.scatter [tilespmem:s28], [sflag:$0x4], $0x80, $0x38;
	[tilespmem:$0x16C00] =	vst v63  }
0x2e0: {  	s29 =	sadd.s32 $0x40, s1;
	s31 =	simm.s32 $0x12E60  }
0x2e1: {  	[hbm4b:s29+s3] =	stream.linear.scatter [tilespmem:s31], [sflag:$0x4], $0x80, $0x38;
	[tilespmem:$0x16C00] =	vst v63  }
0x2e2: {  	s6 =	sadd.s32 $0x50, s1;
	s23 =	simm.s32 $0x12EE8  }
0x2e3: {  	[hbm4b:s6+s3] =	stream.linear.scatter [tilespmem:s23], [sflag:$0x4], $0x80, $0x38;
	[tilespmem:$0x16C00] =	vst v63  }
0x2e4: {  	s28 =	sadd.s32 $0x60, s1;
	s29 =	simm.s32 $0x12F70  }
0x2e5: {  	[hbm4b:s28+s3] =	stream.linear.scatter [tilespmem:s29], [sflag:$0x4], $0x80, $0x38;
	[tilespmem:$0x16C00] =	vst v63  }
0x2e6: {  	s4 =	sor.u32 s11, s26;
	s1 =	sadd.s32 $0x70, s1;
	s31 =	simm.s32 $0x12FF8  }
0x2e7: {  	[hbm4b:s1+s3] =	stream.linear.scatter [tilespmem:s31], [sflag:$0x4], $0x80, $0x38;
	[tilespmem:$0x16C00] =	vst v63  }
0x2e8: {  	s1 =	sshrl.u32 s4, $0x3  }
0x2e9: {  	s6 =	simm.s32 $0x13D40;
	s1 =	sadd.s32 s2, s1  }
0x2ea: {  	[hbm4b:s1+s3] =	stream.linear.scatter [tilespmem:s6], [sflag:$0x4], $0x80, $0x38;
	[tilespmem:$0x16C00] =	vst v63  }
0x2eb: {  	s28 =	simm.s32 $0x13DC8;
	s23 =	sadd.s32 $0x10, s1  }
0x2ec: {  	[hbm4b:s23+s3] =	stream.linear.scatter [tilespmem:s28], [sflag:$0x4], $0x80, $0x38;
	[tilespmem:$0x16C00] =	vst v63  }
0x2ed: {  	s31 =	simm.s32 $0x13E50;
	s29 =	sadd.s32 $0x20, s1  }
0x2ee: {  	[hbm4b:s29+s3] =	stream.linear.scatter [tilespmem:s31], [sflag:$0x4], $0x80, $0x38;
	[tilespmem:$0x16C00] =	vst v63  }
0x2ef: {  	s23 =	sadd.s32 $0x30, s1;
	s28 =	simm.s32 $0x13ED8  }
0x2f0: {  	[hbm4b:s23+s3] =	stream.linear.scatter [tilespmem:s28], [sflag:$0x4], $0x80, $0x38;
	[tilespmem:$0x16C00] =	vst v63  }
0x2f1: {  	s29 =	sadd.s32 $0x40, s1;
	s31 =	simm.s32 $0x13F60  }
0x2f2: {  	[hbm4b:s29+s3] =	stream.linear.scatter [tilespmem:s31], [sflag:$0x4], $0x80, $0x38;
	[tilespmem:$0x16C00] =	vst v63  }
0x2f3: {  	s6 =	sadd.s32 $0x50, s1;
	s23 =	simm.s32 $0x13FE8  }
0x2f4: {  	[hbm4b:s6+s3] =	stream.linear.scatter [tilespmem:s23], [sflag:$0x4], $0x80, $0x38;
	[tilespmem:$0x16C00] =	vst v63  }
0x2f5: {  	s28 =	sadd.s32 $0x60, s1;
	s29 =	simm.s32 $0x14070  }
0x2f6: {  	[hbm4b:s28+s3] =	stream.linear.scatter [tilespmem:s29], [sflag:$0x4], $0x80, $0x38;
	[tilespmem:$0x16C00] =	vst v63  }
0x2f7: {  	s4 =	sor.u32 s12, s26;
	s1 =	sadd.s32 $0x70, s1;
	s31 =	simm.s32 $0x140F8  }
0x2f8: {  	[hbm4b:s1+s3] =	stream.linear.scatter [tilespmem:s31], [sflag:$0x4], $0x80, $0x38;
	[tilespmem:$0x16C00] =	vst v63  }
0x2f9: {  	s1 =	sshrl.u32 s4, $0x3  }
0x2fa: {  	s6 =	simm.s32 $0x14E40;
	s1 =	sadd.s32 s2, s1  }
0x2fb: {  	[hbm4b:s1+s3] =	stream.linear.scatter [tilespmem:s6], [sflag:$0x4], $0x80, $0x38;
	[tilespmem:$0x16C00] =	vst v63  }
0x2fc: {  	s28 =	simm.s32 $0x14EC8;
	s23 =	sadd.s32 $0x10, s1  }
0x2fd: {  	[hbm4b:s23+s3] =	stream.linear.scatter [tilespmem:s28], [sflag:$0x4], $0x80, $0x38;
	[tilespmem:$0x16C00] =	vst v63  }
0x2fe: {  	s31 =	simm.s32 $0x14F50;
	s29 =	sadd.s32 $0x20, s1  }
0x2ff: {  	[hbm4b:s29+s3] =	stream.linear.scatter [tilespmem:s31], [sflag:$0x4], $0x80, $0x38;
	[tilespmem:$0x16C00] =	vst v63  }
0x300: {  	s23 =	sadd.s32 $0x30, s1;
	s28 =	simm.s32 $0x14FD8  }
0x301: {  	[hbm4b:s23+s3] =	stream.linear.scatter [tilespmem:s28], [sflag:$0x4], $0x80, $0x38;
	[tilespmem:$0x16C00] =	vst v63  }
0x302: {  	s29 =	sadd.s32 $0x40, s1;
	s31 =	simm.s32 $0x15060  }
0x303: {  	[hbm4b:s29+s3] =	stream.linear.scatter [tilespmem:s31], [sflag:$0x4], $0x80, $0x38;
	[tilespmem:$0x16C00] =	vst v63  }
0x304: {  	s6 =	sadd.s32 $0x50, s1;
	s23 =	simm.s32 $0x150E8  }
0x305: {  	[hbm4b:s6+s3] =	stream.linear.scatter [tilespmem:s23], [sflag:$0x4], $0x80, $0x38;
	[tilespmem:$0x16C00] =	vst v63  }
0x306: {  	s28 =	sadd.s32 $0x60, s1;
	s29 =	simm.s32 $0x15170  }
0x307: {  	[hbm4b:s28+s3] =	stream.linear.scatter [tilespmem:s29], [sflag:$0x4], $0x80, $0x38;
	[tilespmem:$0x16C00] =	vst v63  }
0x308: {  	s4 =	sor.u32 s13, s26;
	s1 =	sadd.s32 $0x70, s1;
	s31 =	simm.s32 $0x151F8  }
0x309: {  	[hbm4b:s1+s3] =	stream.linear.scatter [tilespmem:s31], [sflag:$0x4], $0x80, $0x38;
	[tilespmem:$0x16C00] =	vst v63  }
0x30a: {  	s1 =	sshrl.u32 s4, $0x3  }
0x30b: {  	s6 =	simm.s32 $0x15F40;
	s1 =	sadd.s32 s2, s1  }
0x30c: {  	[hbm4b:s1+s3] =	stream.linear.scatter [tilespmem:s6], [sflag:$0x4], $0x80, $0x38;
	[tilespmem:$0x16C00] =	vst v63  }
0x30d: {  	s28 =	simm.s32 $0x15FC8;
	s23 =	sadd.s32 $0x10, s1  }
0x30e: {  	[hbm4b:s23+s3] =	stream.linear.scatter [tilespmem:s28], [sflag:$0x4], $0x80, $0x38;
	[tilespmem:$0x16C00] =	vst v63  }
0x30f: {  	s31 =	simm.s32 $0x16050;
	s29 =	sadd.s32 $0x20, s1  }
0x310: {  	[hbm4b:s29+s3] =	stream.linear.scatter [tilespmem:s31], [sflag:$0x4], $0x80, $0x38;
	[tilespmem:$0x16C00] =	vst v63  }
0x311: {  	s23 =	sadd.s32 $0x30, s1;
	s28 =	simm.s32 $0x160D8  }
0x312: {  	[hbm4b:s23+s3] =	stream.linear.scatter [tilespmem:s28], [sflag:$0x4], $0x80, $0x38;
	[tilespmem:$0x16C00] =	vst v63  }
0x313: {  	s29 =	sadd.s32 $0x40, s1;
	s31 =	simm.s32 $0x16160  }
0x314: {  	[hbm4b:s29+s3] =	stream.linear.scatter [tilespmem:s31], [sflag:$0x4], $0x80, $0x38;
	[tilespmem:$0x16C00] =	vst v63  }
0x315: {  	s6 =	sadd.s32 $0x50, s1;
	s23 =	simm.s32 $0x161E8  }
0x316: {  	[hbm4b:s6+s3] =	stream.linear.scatter [tilespmem:s23], [sflag:$0x4], $0x80, $0x38;
	[tilespmem:$0x16C00] =	vst v63  }
0x317: {  	s28 =	sadd.s32 $0x60, s1;
	s29 =	simm.s32 $0x16270  }
0x318: {  	[hbm4b:s28+s3] =	stream.linear.scatter [tilespmem:s29], [sflag:$0x4], $0x80, $0x38;
	[tilespmem:$0x16C00] =	vst v63  }
0x319: {  	s4 =	sor.u32 s14, s26;
	s1 =	sadd.s32 $0x70, s1;
	s31 =	simm.s32 $0x162F8  }
0x31a: {  	[hbm4b:s1+s3] =	stream.linear.scatter [tilespmem:s31], [sflag:$0x4], $0x80, $0x38;
	[tilespmem:$0x16C00] =	vst v63  }
0x31b: {  	s1 =	sshrl.u32 s4, $0x3  }
0x31c: {  	s6 =	simm.s32 $0x13080;
	s1 =	sadd.s32 s2, s1  }
0x31d: {  	[hbm4b:s1+s3] =	stream.linear.scatter [tilespmem:s6], [sflag:$0x4], $0x80, $0x38;
	[tilespmem:$0x16C00] =	vst v63  }
0x31e: {  	s28 =	simm.s32 $0x13108;
	s23 =	sadd.s32 $0x10, s1  }
0x31f: {  	[hbm4b:s23+s3] =	stream.linear.scatter [tilespmem:s28], [sflag:$0x4], $0x80, $0x38;
	[tilespmem:$0x16C00] =	vst v63  }
0x320: {  	s31 =	simm.s32 $0x13190;
	s29 =	sadd.s32 $0x20, s1  }
0x321: {  	[hbm4b:s29+s3] =	stream.linear.scatter [tilespmem:s31], [sflag:$0x4], $0x80, $0x38;
	[tilespmem:$0x16C00] =	vst v63  }
0x322: {  	s23 =	sadd.s32 $0x30, s1;
	s28 =	simm.s32 $0x13218  }
0x323: {  	[hbm4b:s23+s3] =	stream.linear.scatter [tilespmem:s28], [sflag:$0x4], $0x80, $0x38;
	[tilespmem:$0x16C00] =	vst v63  }
0x324: {  	s29 =	sadd.s32 $0x40, s1;
	s31 =	simm.s32 $0x132A0  }
0x325: {  	[hbm4b:s29+s3] =	stream.linear.scatter [tilespmem:s31], [sflag:$0x4], $0x80, $0x38;
	[tilespmem:$0x16C00] =	vst v63  }
0x326: {  	s6 =	sadd.s32 $0x50, s1;
	s23 =	simm.s32 $0x13328  }
0x327: {  	[hbm4b:s6+s3] =	stream.linear.scatter [tilespmem:s23], [sflag:$0x4], $0x80, $0x38;
	[tilespmem:$0x16C00] =	vst v63  }
0x328: {  	s28 =	sadd.s32 $0x60, s1;
	s29 =	simm.s32 $0x133B0  }
0x329: {  	[hbm4b:s28+s3] =	stream.linear.scatter [tilespmem:s29], [sflag:$0x4], $0x80, $0x38;
	[tilespmem:$0x16C00] =	vst v63  }
0x32a: {  	s4 =	sor.u32 s15, s26;
	s1 =	sadd.s32 $0x70, s1;
	s31 =	simm.s32 $0x13438  }
0x32b: {  	[hbm4b:s1+s3] =	stream.linear.scatter [tilespmem:s31], [sflag:$0x4], $0x80, $0x38;
	[tilespmem:$0x16C00] =	vst v63  }
0x32c: {  	s1 =	sshrl.u32 s4, $0x3  }
0x32d: {  	s6 =	simm.s32 $0x14180;
	s1 =	sadd.s32 s2, s1  }
0x32e: {  	[hbm4b:s1+s3] =	stream.linear.scatter [tilespmem:s6], [sflag:$0x4], $0x80, $0x38;
	[tilespmem:$0x16C00] =	vst v63  }
0x32f: {  	s28 =	simm.s32 $0x14208;
	s23 =	sadd.s32 $0x10, s1  }
0x330: {  	[hbm4b:s23+s3] =	stream.linear.scatter [tilespmem:s28], [sflag:$0x4], $0x80, $0x38;
	[tilespmem:$0x16C00] =	vst v63  }
0x331: {  	s31 =	simm.s32 $0x14290;
	s29 =	sadd.s32 $0x20, s1  }
0x332: {  	[hbm4b:s29+s3] =	stream.linear.scatter [tilespmem:s31], [sflag:$0x4], $0x80, $0x38;
	[tilespmem:$0x16C00] =	vst v63  }
0x333: {  	s23 =	sadd.s32 $0x30, s1;
	s28 =	simm.s32 $0x14318  }
0x334: {  	[hbm4b:s23+s3] =	stream.linear.scatter [tilespmem:s28], [sflag:$0x4], $0x80, $0x38;
	[tilespmem:$0x16C00] =	vst v63  }
0x335: {  	s29 =	sadd.s32 $0x40, s1;
	s31 =	simm.s32 $0x143A0  }
0x336: {  	[hbm4b:s29+s3] =	stream.linear.scatter [tilespmem:s31], [sflag:$0x4], $0x80, $0x38;
	[tilespmem:$0x16C00] =	vst v63  }
0x337: {  	s6 =	sadd.s32 $0x50, s1;
	s23 =	simm.s32 $0x14428  }
0x338: {  	[hbm4b:s6+s3] =	stream.linear.scatter [tilespmem:s23], [sflag:$0x4], $0x80, $0x38;
	[tilespmem:$0x16C00] =	vst v63  }
0x339: {  	s28 =	sadd.s32 $0x60, s1;
	s29 =	simm.s32 $0x144B0  }
0x33a: {  	[hbm4b:s28+s3] =	stream.linear.scatter [tilespmem:s29], [sflag:$0x4], $0x80, $0x38;
	[tilespmem:$0x16C00] =	vst v63  }
0x33b: {  	s4 =	sor.u32 s16, s26;
	s1 =	sadd.s32 $0x70, s1;
	s31 =	simm.s32 $0x14538  }
0x33c: {  	[hbm4b:s1+s3] =	stream.linear.scatter [tilespmem:s31], [sflag:$0x4], $0x80, $0x38;
	[tilespmem:$0x16C00] =	vst v63  }
0x33d: {  	s1 =	sshrl.u32 s4, $0x3  }
0x33e: {  	s6 =	simm.s32 $0x15280;
	s1 =	sadd.s32 s2, s1  }
0x33f: {  	[hbm4b:s1+s3] =	stream.linear.scatter [tilespmem:s6], [sflag:$0x4], $0x80, $0x38;
	[tilespmem:$0x16C00] =	vst v63  }
0x340: {  	s28 =	simm.s32 $0x15308;
	s23 =	sadd.s32 $0x10, s1  }
0x341: {  	[hbm4b:s23+s3] =	stream.linear.scatter [tilespmem:s28], [sflag:$0x4], $0x80, $0x38;
	[tilespmem:$0x16C00] =	vst v63  }
0x342: {  	s31 =	simm.s32 $0x15390;
	s29 =	sadd.s32 $0x20, s1  }
0x343: {  	[hbm4b:s29+s3] =	stream.linear.scatter [tilespmem:s31], [sflag:$0x4], $0x80, $0x38;
	[tilespmem:$0x16C00] =	vst v63  }
0x344: {  	s23 =	sadd.s32 $0x30, s1;
	s28 =	simm.s32 $0x15418  }
0x345: {  	[hbm4b:s23+s3] =	stream.linear.scatter [tilespmem:s28], [sflag:$0x4], $0x80, $0x38;
	[tilespmem:$0x16C00] =	vst v63  }
0x346: {  	s29 =	sadd.s32 $0x40, s1;
	s31 =	simm.s32 $0x154A0  }
0x347: {  	[hbm4b:s29+s3] =	stream.linear.scatter [tilespmem:s31], [sflag:$0x4], $0x80, $0x38;
	[tilespmem:$0x16C00] =	vst v63  }
0x348: {  	s6 =	sadd.s32 $0x50, s1;
	s23 =	simm.s32 $0x15528  }
0x349: {  	[hbm4b:s6+s3] =	stream.linear.scatter [tilespmem:s23], [sflag:$0x4], $0x80, $0x38;
	[tilespmem:$0x16C00] =	vst v63  }
0x34a: {  	s28 =	sadd.s32 $0x60, s1;
	s29 =	simm.s32 $0x155B0  }
0x34b: {  	[hbm4b:s28+s3] =	stream.linear.scatter [tilespmem:s29], [sflag:$0x4], $0x80, $0x38;
	[tilespmem:$0x16C00] =	vst v63  }
0x34c: {  	s4 =	sor.u32 s17, s26;
	s1 =	sadd.s32 $0x70, s1;
	s31 =	simm.s32 $0x15638  }
0x34d: {  	[hbm4b:s1+s3] =	stream.linear.scatter [tilespmem:s31], [sflag:$0x4], $0x80, $0x38;
	[tilespmem:$0x16C00] =	vst v63  }
0x34e: {  	s1 =	sshrl.u32 s4, $0x3  }
0x34f: {  	s6 =	simm.s32 $0x16380;
	s1 =	sadd.s32 s2, s1  }
0x350: {  	[hbm4b:s1+s3] =	stream.linear.scatter [tilespmem:s6], [sflag:$0x4], $0x80, $0x38;
	[tilespmem:$0x16C00] =	vst v63  }
0x351: {  	s28 =	simm.s32 $0x16408;
	s23 =	sadd.s32 $0x10, s1  }
0x352: {  	[hbm4b:s23+s3] =	stream.linear.scatter [tilespmem:s28], [sflag:$0x4], $0x80, $0x38;
	[tilespmem:$0x16C00] =	vst v63  }
0x353: {  	s31 =	simm.s32 $0x16490;
	s29 =	sadd.s32 $0x20, s1  }
0x354: {  	[hbm4b:s29+s3] =	stream.linear.scatter [tilespmem:s31], [sflag:$0x4], $0x80, $0x38;
	[tilespmem:$0x16C00] =	vst v63  }
0x355: {  	s23 =	sadd.s32 $0x30, s1;
	s28 =	simm.s32 $0x16518  }
0x356: {  	[hbm4b:s23+s3] =	stream.linear.scatter [tilespmem:s28], [sflag:$0x4], $0x80, $0x38;
	[tilespmem:$0x16C00] =	vst v63  }
0x357: {  	s29 =	sadd.s32 $0x40, s1;
	s31 =	simm.s32 $0x165A0  }
0x358: {  	[hbm4b:s29+s3] =	stream.linear.scatter [tilespmem:s31], [sflag:$0x4], $0x80, $0x38;
	[tilespmem:$0x16C00] =	vst v63  }
0x359: {  	s6 =	sadd.s32 $0x50, s1;
	s23 =	simm.s32 $0x16628  }
0x35a: {  	[hbm4b:s6+s3] =	stream.linear.scatter [tilespmem:s23], [sflag:$0x4], $0x80, $0x38;
	[tilespmem:$0x16C00] =	vst v63  }
0x35b: {  	s28 =	sadd.s32 $0x60, s1;
	s29 =	simm.s32 $0x166B0  }
0x35c: {  	[hbm4b:s28+s3] =	stream.linear.scatter [tilespmem:s29], [sflag:$0x4], $0x80, $0x38;
	[tilespmem:$0x16C00] =	vst v63  }
0x35d: {  	s4 =	sor.u32 s18, s26;
	s1 =	sadd.s32 $0x70, s1;
	s31 =	simm.s32 $0x16738  }
0x35e: {  	[hbm4b:s1+s3] =	stream.linear.scatter [tilespmem:s31], [sflag:$0x4], $0x80, $0x38;
	[tilespmem:$0x16C00] =	vst v63  }
0x35f: {  	s1 =	sshrl.u32 s4, $0x3  }
0x360: {  	s6 =	simm.s32 $0x134C0;
	s1 =	sadd.s32 s2, s1  }
0x361: {  	[hbm4b:s1+s3] =	stream.linear.scatter [tilespmem:s6], [sflag:$0x4], $0x80, $0x38;
	[tilespmem:$0x16C00] =	vst v63  }
0x362: {  	s28 =	simm.s32 $0x13548;
	s23 =	sadd.s32 $0x10, s1  }
0x363: {  	[hbm4b:s23+s3] =	stream.linear.scatter [tilespmem:s28], [sflag:$0x4], $0x80, $0x38;
	[tilespmem:$0x16C00] =	vst v63  }
0x364: {  	s31 =	simm.s32 $0x135D0;
	s29 =	sadd.s32 $0x20, s1  }
0x365: {  	[hbm4b:s29+s3] =	stream.linear.scatter [tilespmem:s31], [sflag:$0x4], $0x80, $0x38;
	[tilespmem:$0x16C00] =	vst v63  }
0x366: {  	s23 =	sadd.s32 $0x30, s1;
	s28 =	simm.s32 $0x13658  }
0x367: {  	[hbm4b:s23+s3] =	stream.linear.scatter [tilespmem:s28], [sflag:$0x4], $0x80, $0x38;
	[tilespmem:$0x16C00] =	vst v63  }
0x368: {  	s29 =	sadd.s32 $0x40, s1;
	s31 =	simm.s32 $0x136E0  }
0x369: {  	[hbm4b:s29+s3] =	stream.linear.scatter [tilespmem:s31], [sflag:$0x4], $0x80, $0x38;
	[tilespmem:$0x16C00] =	vst v63  }
0x36a: {  	s6 =	sadd.s32 $0x50, s1;
	s23 =	simm.s32 $0x13768  }
0x36b: {  	[hbm4b:s6+s3] =	stream.linear.scatter [tilespmem:s23], [sflag:$0x4], $0x80, $0x38;
	[tilespmem:$0x16C00] =	vst v63  }
0x36c: {  	s28 =	sadd.s32 $0x60, s1;
	s29 =	simm.s32 $0x137F0  }
0x36d: {  	[hbm4b:s28+s3] =	stream.linear.scatter [tilespmem:s29], [sflag:$0x4], $0x80, $0x38;
	[tilespmem:$0x16C00] =	vst v63  }
0x36e: {  	s4 =	sor.u32 s19, s26;
	s1 =	sadd.s32 $0x70, s1;
	s31 =	simm.s32 $0x13878  }
0x36f: {  	[hbm4b:s1+s3] =	stream.linear.scatter [tilespmem:s31], [sflag:$0x4], $0x80, $0x38;
	[tilespmem:$0x16C00] =	vst v63  }
0x370: {  	s1 =	sshrl.u32 s4, $0x3  }
0x371: {  	s6 =	simm.s32 $0x145C0;
	s1 =	sadd.s32 s2, s1  }
0x372: {  	[hbm4b:s1+s3] =	stream.linear.scatter [tilespmem:s6], [sflag:$0x4], $0x80, $0x38;
	[tilespmem:$0x16C00] =	vst v63  }
0x373: {  	s28 =	simm.s32 $0x14648;
	s23 =	sadd.s32 $0x10, s1  }
0x374: {  	[hbm4b:s23+s3] =	stream.linear.scatter [tilespmem:s28], [sflag:$0x4], $0x80, $0x38;
	[tilespmem:$0x16C00] =	vst v63  }
0x375: {  	s31 =	simm.s32 $0x146D0;
	s29 =	sadd.s32 $0x20, s1  }
0x376: {  	[hbm4b:s29+s3] =	stream.linear.scatter [tilespmem:s31], [sflag:$0x4], $0x80, $0x38;
	[tilespmem:$0x16C00] =	vst v63  }
0x377: {  	s23 =	sadd.s32 $0x30, s1;
	s28 =	simm.s32 $0x14758  }
0x378: {  	[hbm4b:s23+s3] =	stream.linear.scatter [tilespmem:s28], [sflag:$0x4], $0x80, $0x38;
	[tilespmem:$0x16C00] =	vst v63  }
0x379: {  	s29 =	sadd.s32 $0x40, s1;
	s31 =	simm.s32 $0x147E0  }
0x37a: {  	[hbm4b:s29+s3] =	stream.linear.scatter [tilespmem:s31], [sflag:$0x4], $0x80, $0x38;
	[tilespmem:$0x16C00] =	vst v63  }
0x37b: {  	s6 =	sadd.s32 $0x50, s1;
	s23 =	simm.s32 $0x14868  }
0x37c: {  	[hbm4b:s6+s3] =	stream.linear.scatter [tilespmem:s23], [sflag:$0x4], $0x80, $0x38;
	[tilespmem:$0x16C00] =	vst v63  }
0x37d: {  	s28 =	sadd.s32 $0x60, s1;
	s29 =	simm.s32 $0x148F0  }
0x37e: {  	[hbm4b:s28+s3] =	stream.linear.scatter [tilespmem:s29], [sflag:$0x4], $0x80, $0x38;
	[tilespmem:$0x16C00] =	vst v63  }
0x37f: {  	s4 =	sor.u32 s20, s26;
	s1 =	sadd.s32 $0x70, s1;
	s31 =	simm.s32 $0x14978  }
0x380: {  	[hbm4b:s1+s3] =	stream.linear.scatter [tilespmem:s31], [sflag:$0x4], $0x80, $0x38;
	[tilespmem:$0x16C00] =	vst v63  }
0x381: {  	s1 =	sshrl.u32 s4, $0x3  }
0x382: {  	s6 =	simm.s32 $0x156C0;
	s1 =	sadd.s32 s2, s1  }
0x383: {  	[hbm4b:s1+s3] =	stream.linear.scatter [tilespmem:s6], [sflag:$0x4], $0x80, $0x38;
	[tilespmem:$0x16C00] =	vst v63  }
0x384: {  	s28 =	simm.s32 $0x15748;
	s23 =	sadd.s32 $0x10, s1  }
0x385: {  	[hbm4b:s23+s3] =	stream.linear.scatter [tilespmem:s28], [sflag:$0x4], $0x80, $0x38;
	[tilespmem:$0x16C00] =	vst v63  }
0x386: {  	s31 =	simm.s32 $0x157D0;
	s29 =	sadd.s32 $0x20, s1  }
0x387: {  	[hbm4b:s29+s3] =	stream.linear.scatter [tilespmem:s31], [sflag:$0x4], $0x80, $0x38;
	[tilespmem:$0x16C00] =	vst v63  }
0x388: {  	s23 =	sadd.s32 $0x30, s1;
	s28 =	simm.s32 $0x15858  }
0x389: {  	[hbm4b:s23+s3] =	stream.linear.scatter [tilespmem:s28], [sflag:$0x4], $0x80, $0x38;
	[tilespmem:$0x16C00] =	vst v63  }
0x38a: {  	s29 =	sadd.s32 $0x40, s1;
	s31 =	simm.s32 $0x158E0  }
0x38b: {  	[hbm4b:s29+s3] =	stream.linear.scatter [tilespmem:s31], [sflag:$0x4], $0x80, $0x38;
	[tilespmem:$0x16C00] =	vst v63  }
0x38c: {  	s23 =	sadd.s32 $0x50, s1;
	s28 =	simm.s32 $0x15968  }
0x38d: {  	[hbm4b:s23+s3] =	stream.linear.scatter [tilespmem:s28], [sflag:$0x4], $0x80, $0x38;
	[tilespmem:$0x16C00] =	vst v63  }
0x38e: {  	s29 =	sadd.s32 $0x60, s1;
	s31 =	simm.s32 $0x159F0  }
0x38f: {  	[hbm4b:s29+s3] =	stream.linear.scatter [tilespmem:s31], [sflag:$0x4], $0x80, $0x38;
	[tilespmem:$0x16C00] =	vst v63  }
0x390: {  	s26 =	sor.u32 s21, s26;
	s1 =	sadd.s32 $0x70, s1;
	s23 =	simm.s32 $0x15A78  }
0x391: {  	[hbm4b:s1+s3] =	stream.linear.scatter [tilespmem:s23], [sflag:$0x4], $0x80, $0x38;
	[tilespmem:$0x16C00] =	vst v63  }
0x392: {  	s1 =	sshrl.u32 s26, $0x3  }
0x393: {  	s28 =	simm.s32 $0x167C0;
	s1 =	sadd.s32 s2, s1  }
0x394: {  	[hbm4b:s1+s3] =	stream.linear.scatter [tilespmem:s28], [sflag:$0x4], $0x80, $0x38;
	[tilespmem:$0x16C00] =	vst v63  }
0x395: {  	s31 =	simm.s32 $0x16848;
	s29 =	sadd.s32 $0x10, s1  }
0x396: {  	[hbm4b:s29+s3] =	stream.linear.scatter [tilespmem:s31], [sflag:$0x4], $0x80, $0x38;
	[tilespmem:$0x16C00] =	vst v63  }
0x397: {  	s23 =	simm.s32 $0x168D0;
	s6 =	sadd.s32 $0x20, s1  }
0x398: {  	[hbm4b:s6+s3] =	stream.linear.scatter [tilespmem:s23], [sflag:$0x4], $0x80, $0x38;
	[tilespmem:$0x16C00] =	vst v63  }
0x399: {  	s26 =	sadd.s32 $0x30, s1;
	s28 =	simm.s32 $0x16958  }
0x39a: {  	[hbm4b:s26+s3] =	stream.linear.scatter [tilespmem:s28], [sflag:$0x4], $0x80, $0x38;
	[tilespmem:$0x16C00] =	vst v63  }
0x39b: {  	s29 =	sadd.s32 $0x40, s1;
	s31 =	simm.s32 $0x169E0  }
0x39c: {  	[hbm4b:s29+s3] =	stream.linear.scatter [tilespmem:s31], [sflag:$0x4], $0x80, $0x38;
	[tilespmem:$0x16C00] =	vst v63  }
0x39d: {  	p0 =	seq.s32 s22, $0x18;
	s23 =	sadd.s32 $0x50, s1;
	s26 =	simm.s32 $0x16A68  }
0x39e: {  	[hbm4b:s23+s3] =	stream.linear.scatter [tilespmem:s26], [sflag:$0x4], $0x80, $0x38;
	[tilespmem:$0x16C00] =	vst v63  }
.Ltmp25:
0x39f: {  	_ = 	snop;
	(pc) =	sbr.rel @p0 .LBB2_46-.Ltmp25, $4  }
0x3a0: {  	s28 =	sadd.s32 $0x60, s1;
	s29 =	simm.s32 $0x16AF0  }
0x3a1: {  	[hbm4b:s28+s3] =	stream.linear.scatter [tilespmem:s29], [sflag:$0x4], $0x80, $0x38;
	[tilespmem:$0x16C00] =	vst v63  }
0x3a2: {  	s1 =	sadd.s32 $0x70, s1;
	s31 =	simm.s32 $0x16B78  }
0x3a3: {  	[hbm4b:s1+s3] =	stream.linear.scatter [tilespmem:s31], [sflag:$0x4], $0x80, $0x38;
	[tilespmem:$0x16C00] =	vst v63  }
.Ltmp26:
0x3a4: {  	(pc) =	sbr.rel .LBB2_2-.Ltmp26, $4  }
0x3a5: {  	_ = 	snop  }
0x3a6: {  	s1 =	sshrl.u32 s25, $0x2;
	s4 =	rddreg [dreg:$0x3];
	s6 =	simm.s32 $0x200  }
0x3a7: {  	s23 =	simm.s32 $0xA400;
	s22 =	sadd.s32 $0x1, s22;
	s1 =	sadd.s32 $0x600, s1  }
0x3a8: {  	[tilespmem:s23], [sflag:$0x2] =	stream.indirect.gather [hbm4b:s4+s6], $0x20, s1, s6, $0xb8;
	[tilespmem:$0x16C00] =	vst v63  }
.LBB2_14:
.Ltmp27:
0x3a9: {  	(pc) =	sbr.rel .LBB2_21-.Ltmp27, $2  }
0x3aa: {  	_ =	sdelay $0x2  }
0x3ab: {  	s1 =	simm.s32 $0x9470;
	p2 =	por $0x0, $0x0  }
.LBB2_37:
.Ltmp28:
0x3ac: {  	(pc) =	sbr.rel .LBB2_44-.Ltmp28, $2  }
0x3ad: {  	_ =	sdelay $0x2  }
0x3ae: {  	s1 =	simm.s32 $0xD470;
	p1 =	por $0x0, $0x0  }
.LBB2_8:
.Ltmp29:
0x3af: {  	(pc) =	sbr.rel .LBB2_13-.Ltmp29, $2  }
0x3b0: {  	_ =	sdelay $0x2  }
0x3b1: {  	s23 =	simm.s32 $0x8470;
	s6 =	simm.s32 $0x4;
	p4 =	por $0x0, $0x0  }
.LBB2_16:
.Ltmp30:
0x3b2: {  	(pc) =	sbr.rel .LBB2_21-.Ltmp30, $2  }
0x3b3: {  	_ =	sdelay $0x2  }
0x3b4: {  	s1 =	simm.s32 $0x9470;
	s26 =	simm.s32 $0x4  }
.LBB2_31:
.Ltmp31:
0x3b5: {  	(pc) =	sbr.rel .LBB2_36-.Ltmp31, $2  }
0x3b6: {  	_ =	sdelay $0x2  }
0x3b7: {  	s1 =	simm.s32 $0xC470;
	s23 =	simm.s32 $0x4;
	p3 =	por $0x0, $0x0  }
.LBB2_39:
.Ltmp32:
0x3b8: {  	(pc) =	sbr.rel .LBB2_44-.Ltmp32, $2  }
0x3b9: {  	_ =	sdelay $0x2  }
0x3ba: {  	s1 =	simm.s32 $0xD470;
	s28 =	simm.s32 $0x4  }
.LBB2_10:
.Ltmp33:
0x3bb: {  	(pc) =	sbr.rel .LBB2_13-.Ltmp33, $2  }
0x3bc: {  	_ =	sdelay $0x2  }
0x3bd: {  	v22 =	vmov v9;
	v9 =	vmov v20  }
.LBB2_18:
.Ltmp34:
0x3be: {  	(pc) =	sbr.rel .LBB2_21-.Ltmp34, $2  }
0x3bf: {  	_ =	sdelay $0x2  }
0x3c0: {  	v21 =	vmov v9;
	v9 =	vmov v20  }
.LBB2_33:
.Ltmp35:
0x3c1: {  	(pc) =	sbr.rel .LBB2_36-.Ltmp35, $2  }
0x3c2: {  	_ =	sdelay $0x2  }
0x3c3: {  	v22 =	vmov v9;
	v9 =	vmov v20  }
.LBB2_41:
.Ltmp36:
0x3c4: {  	(pc) =	sbr.rel .LBB2_44-.Ltmp36, $2  }
0x3c5: {  	_ =	sdelay $0x2  }
0x3c6: {  	v21 =	vmov v9;
	v9 =	vmov v20  }
.LBB2_47:
0x3c7: {  	_ =	sfence.sel $0x180000  }
0x3c8: {  	[bflag:$0x0] =	sbarrier.arrive $0xFFFF  }
0x3c9: {  	_ =	strace $0x90000047  }
0x3ca: {  	s0 =	stileid.u32;
	[bflag:$0x2] =	sbarrier.arrive $0xFFFF  }
0x3cb: {  	p0 =	sne.s32 s0, $0x0;
	s0 =	rddreg [dreg:$0x2]  }
0x3cc: {  	s0 =	sadd.s32 @!p0 $0x100000, s0  }
0x3cd: {  	[sflag:s0] =	ssyncadd.tile.s32 @!p0 $0x1;
	_ =	shalt  }
.Lfunc_end2:
_tile_overlayer_lowered:
.L_overlay_start_2:
0x3ce: {  	(tag) =	ssettag $0x2  }
0x3cf: {  	s0 =	rddreg [dreg:$0x0];
	s2 =	stileid.u32  }
0x3d0: {  	s1 =	rddreg [dreg:$0x1];
	p0 =	sne.s32 s2, $0x0  }
0x3d1: {  	s3 =	rddreg [dreg:$0x2];
	[bflag:$0x3] =	sbarrier.arrive $0xFFFF;
	s2 =	simm.s32 @!p0 $0x1C05  }
0x3d2: {  	[timem:s3], [sflag:s2] =	dma.local @!p0 [hbm:s0], s1  }
0x3d3: {  	s0 =	simm.s32 @!p0 $0x5  }
0x3d4: {  	_ =	swait.ge @!p0 [sflag:s0], s1  }
0x3d5: {  	s1 =	ssub.s32 @!p0 $0x0, s1;
	[sflag:s0] =	ssyncset.done @!p0 $0x0  }
0x3d6: {  	[sflag:s0] =	ssyncadd.s32 @!p0 s1  }
0x3d7: {  	[bflag:$0x3] =	sbarrier.arrive $0xFFFF  }
0x3d8: {  	_ =	shalt  }

</sc_bundles>
